<compile_context>
chip_gen: v7x
topology: tpu7x:2x2x1
jax: 0.10.2.dev20260603
libtpu: 0.0.44.dev20260713+nightly
codegen_flags: <defaults>
</compile_context>

<pallas_src>
import functools

import jax
import jax.numpy as jnp
from jax import lax
from jax.experimental import pallas as pl
from jax.experimental.pallas import tpu as pltpu
from jax.experimental.pallas import tpu_sc as plsc

N1, N2, D = 8192, 1024, 128
E1, E2 = 262144, 32768
NC, NS = 2, 16
NW = NC * NS
TRASH = N2
ACC_ROWS = N2 + NS
E1W, E2W = E1 // NW, E2 // NW


def _mesh():
    return plsc.VectorSubcoreMesh(
        core_axis_name="c", subcore_axis_name="s",
        num_cores=NC, num_subcores=NS)


def _stage(e_per_w):
    return e_per_w + 256


def _tca_offs_call(x8k, W1, deg1p, s1, d1, s2, d2):
    def tri(g):
        r = lax.broadcasted_iota(jnp.int32, (g, g), 0)
        c = lax.broadcasted_iota(jnp.int32, (g, g), 1)
        return jnp.where(r < c, 1.0, 0.0).astype(jnp.float32)

    def one(sv, dv, e_per_w, src_lim, dst_lim, wbias):
        g = e_per_w // 128
        m2 = (sv < src_lim) & (dv < dst_lim)
        mi = jnp.where(m2, 1.0, 0.0).astype(jnp.float32)
        excl = jnp.dot(mi, tri(128), preferred_element_type=jnp.float32)
        gs = jnp.sum(mi, axis=1)
        base = jnp.dot(gs, tri(g), preferred_element_type=jnp.float32)
        offs_val = (excl + base[:, None]).astype(jnp.int32)
        col = lax.broadcasted_iota(jnp.int32, (g, 128), 1)
        offs = jnp.where(m2, offs_val, (e_per_w + 128) + col) + wbias
        n = jnp.sum(gs).astype(jnp.int32)
        nch = (n + 127) >> 7
        pos = (lax.broadcasted_iota(jnp.int32, (8, 128), 0) * 128
               + lax.broadcasted_iota(jnp.int32, (8, 128), 1))
        cnt = jnp.where(pos == 0, n, jnp.where(pos == 1, nch, 0))
        return offs, cnt

    def body(x_ref, w_ref, dg_ref, s1_ref, d1_ref, s2_ref, d2_ref,
             y_ref, o1_ref, c1_ref, o2_ref, c2_ref):
        w = pl.program_id(0)
        dis = lax.rsqrt(dg_ref[0, :] + dg_ref[1, :] + 2.0)
        y_ref[...] = dis[:, None] * jnp.dot(
            x_ref[...], w_ref[...], preferred_element_type=jnp.float32)
        o1, c1 = one(s1_ref[0], d1_ref[0], E1W, N1, N2,
                     (w // NC) * _stage(E1W))
        o1_ref[0] = o1
        c1_ref[0] = c1
        o2, c2 = one(s2_ref[0], d2_ref[0], E2W, N2, N2,
                     (w // NC) * _stage(E2W))
        o2_ref[0] = o2
        c2_ref[0] = c2

    G1, G2 = E1W // 128, E2W // 128
    blk = N1 // NW
    return pl.pallas_call(
        body,
        grid=(NW,),
        in_specs=[pl.BlockSpec((blk, D), lambda w: (w, 0)),
                  pl.BlockSpec((D, D), lambda w: (0, 0)),
                  pl.BlockSpec((2, blk), lambda w: (0, w)),
                  pl.BlockSpec((1, G1, 128), lambda w: (w, 0, 0)),
                  pl.BlockSpec((1, G1, 128), lambda w: (w, 0, 0)),
                  pl.BlockSpec((1, G2, 128), lambda w: (w, 0, 0)),
                  pl.BlockSpec((1, G2, 128), lambda w: (w, 0, 0))],
        out_specs=[pl.BlockSpec((blk, D), lambda w: (w, 0)),
                   pl.BlockSpec((1, G1, 128), lambda w: (w, 0, 0)),
                   pl.BlockSpec((1, 8, 128), lambda w: (w, 0, 0)),
                   pl.BlockSpec((1, G2, 128), lambda w: (w, 0, 0)),
                   pl.BlockSpec((1, 8, 128), lambda w: (w, 0, 0))],
        out_shape=[jax.ShapeDtypeStruct((N1, D), jnp.float32),
                   jax.ShapeDtypeStruct((NW, G1, 128), jnp.int32),
                   jax.ShapeDtypeStruct((NW, 8, 128), jnp.int32),
                   jax.ShapeDtypeStruct((NW, G2, 128), jnp.int32),
                   jax.ShapeDtypeStruct((NW, 8, 128), jnp.int32)],
    )(x8k, W1, deg1p, s1, d1, s2, d2)


def _deg_call(dst1_t, dst2_t, ones_t):
    c1, c2 = E1W // 128, E2W // 128
    r1, r2 = N1 // NS, N2 // NS

    @functools.partial(
        pl.kernel,
        out_type=[jax.ShapeDtypeStruct((NC, N1), jnp.float32),
                  jax.ShapeDtypeStruct((NC, N2), jnp.float32)],
        mesh=_mesh(),
        scratch_types=[pltpu.VMEM((c1, 128), jnp.int32),
                       pltpu.VMEM((c2, 128), jnp.int32),
                       pltpu.VMEM((c1, 128), jnp.float32),
                       pltpu.VMEM((r1,), jnp.float32),
                       pltpu.VMEM_SHARED((N1,), jnp.float32),
                       pltpu.VMEM_SHARED((N2,), jnp.float32),
                       pltpu.SemaphoreType.DMA,
                       pltpu.SemaphoreType.DMA])
    def k(dst1_h, dst2_h, ones_h, deg1p_h, deg2p_h,
          d1v, d2v, onesv, stg, deg1_s, deg2_s, sem, sem2):
        c = lax.axis_index("c")
        s = lax.axis_index("s")
        w = s * NC + c

        def zb(i, carry):
            stg[pl.ds(i * 16, 16)] = jnp.zeros((16,), jnp.float32)
            return carry
        lax.fori_loop(0, r1 // 16, zb, 0)
        pltpu.sync_copy(stg, deg1_s.at[pl.ds(s * r1, r1)])
        pltpu.sync_copy(stg.at[pl.ds(0, r2)], deg2_s.at[pl.ds(s * r2, r2)])
        pltpu.sync_copy(ones_h, onesv)
        pltpu.sync_copy(dst1_h.at[w], d1v)
        pltpu.sync_copy(dst2_h.at[w], d2v)
        plsc.subcore_barrier()

        def b1(j, carry):
            pltpu.sync_copy(onesv.at[j], deg1_s.at[d1v.at[j]], add=True)
            return carry
        lax.fori_loop(0, c1, b1, 0)

        def b2(j, carry):
            pltpu.sync_copy(onesv.at[j], deg2_s.at[d2v.at[j]], add=True)
            return carry
        lax.fori_loop(0, c2, b2, 0)
        plsc.subcore_barrier()
        pltpu.sync_copy(deg1_s.at[pl.ds(s * r1, r1)], stg)
        pltpu.sync_copy(stg, deg1p_h.at[c, pl.ds(s * r1, r1)])
        pltpu.sync_copy(deg2_s.at[pl.ds(s * r2, r2)], stg.at[pl.ds(0, r2)])
        pltpu.sync_copy(stg.at[pl.ds(0, r2)], deg2p_h.at[c, pl.ds(s * r2, r2)])

    return k(dst1_t, dst2_t, ones_t)


def _msgpass_call(src_t, dst_t, y, offs_t, cnt_t, e_per_w, v_rows):
    n_grp = e_per_w // 128
    stage = _stage(e_per_w)
    ra = ACC_ROWS // NS

    @functools.partial(
        pl.kernel,
        out_type=jax.ShapeDtypeStruct((NC, N2, D), jnp.float32),
        mesh=_mesh(),
        scratch_types=[pltpu.VMEM((e_per_w,), jnp.int32),
                       pltpu.VMEM((e_per_w,), jnp.int32),
                       pltpu.VMEM((n_grp, 128), jnp.int32),
                       pltpu.VMEM((128,), jnp.int32),
                       pltpu.VMEM((stage,), jnp.int32),
                       pltpu.VMEM((stage,), jnp.int32),
                       pltpu.VMEM((128, D), jnp.float32),
                       pltpu.VMEM((ra, D), jnp.float32),
                       pltpu.VMEM_SHARED((ACC_ROWS, D), jnp.float32),
                       pltpu.VMEM_SHARED((NS * stage,), jnp.int32),
                       pltpu.VMEM_SHARED((NS * stage,), jnp.int32),
                       pltpu.SemaphoreType.DMA,
                       pltpu.SemaphoreType.DMA])
    def k(src_h, dst_h, y_h, offs_h, cnt_h, zacc_h, accp_h,
          srcv, dstv, offsv, cntv, gsrc, gdst, rows_v, stg, acc_s,
          gsrc_s, gdst_s, sem, sem2):
        c = lax.axis_index("c")
        s = lax.axis_index("s")
        w = s * NC + c
        iot = lax.iota(jnp.int32, 16)

        pltpu.sync_copy(zacc_h, stg)
        pltpu.sync_copy(stg, acc_s.at[pl.ds(s * ra, ra)])
        p1 = pltpu.async_copy(src_h.at[w], srcv, sem)
        p2 = pltpu.async_copy(dst_h.at[w], dstv, sem2)
        p1.wait()
        p2.wait()
        p1 = pltpu.async_copy(offs_h.at[w], offsv, sem)
        p2 = pltpu.async_copy(cnt_h.at[w], cntv, sem2)
        p1.wait()
        p2.wait()
        plsc.subcore_barrier()
        cvec = cntv[pl.ds(0, 16)]
        n = cvec[0]
        nch = cvec[1]

        def gbody(g, carry):
            d1 = pltpu.async_copy(
                srcv.at[pl.ds(g * 128, 128)], gsrc_s.at[offsv.at[g]], sem)
            d2 = pltpu.async_copy(
                dstv.at[pl.ds(g * 128, 128)], gdst_s.at[offsv.at[g]], sem2)
            d1.wait()
            d2.wait()
            return carry
        lax.fori_loop(0, n_grp, gbody, 0)

        pltpu.sync_copy(gsrc_s.at[pl.ds(s * stage, stage)], gsrc)
        pltpu.sync_copy(gdst_s.at[pl.ds(s * stage, stage)], gdst)

        for kk in range(8):
            gsrc[pl.ds(n + kk * 16, 16)] = iot * (v_rows // 16) + kk * 7
            gdst[pl.ds(n + kk * 16, 16)] = jnp.full((16,), TRASH, jnp.int32) + s
        plsc.subcore_barrier()

        def cbody(j, carry):
            pltpu.async_copy(
                y_h.at[gsrc.at[pl.ds(j * 128, 128)]], rows_v, sem).wait()
            for kk in range(8):
                didx = gdst[pl.ds(j * 128 + kk * 16, 16)]
                pltpu.sync_copy(rows_v.at[pl.ds(kk * 16, 16)],
                                acc_s.at[didx], add=True)
            return carry
        lax.fori_loop(0, nch, cbody, 0)
        plsc.subcore_barrier()
        ro = N2 // NS
        pltpu.sync_copy(acc_s.at[pl.ds(s * ro, ro)], stg.at[pl.ds(0, ro)])
        pltpu.sync_copy(stg.at[pl.ds(0, ro)], accp_h.at[c, pl.ds(s * ro, ro)])

    return k(src_t, dst_t, y, offs_t, cnt_t,
             jnp.zeros((ra, D), jnp.float32))


def _tc_b(a1p, y1k, d1k, b1, W2, d2p):
    def body(a_ref, y_ref, d1_ref, b_ref, w_ref, d2_ref, o_ref):
        dis1 = lax.rsqrt(d1_ref[0, :] + d1_ref[1, :] + 2.0)
        acc = a_ref[0] + a_ref[1] + 2.0 * y_ref[...]
        h = jnp.maximum(dis1[:, None] * acc + b_ref[...], 0.0)
        dis2 = lax.rsqrt(d2_ref[0, :] + d2_ref[1, :] + 1.0)
        o_ref[...] = dis2[:, None] * jnp.dot(
            h, w_ref[...], preferred_element_type=jnp.float32)
    return pl.pallas_call(
        body,
        out_shape=jax.ShapeDtypeStruct((N2, D), jnp.float32),
    )(a1p, y1k, d1k, b1, W2, d2p)


def _tc_c(a2p, y2, d2p, b2):
    def body(a_ref, y_ref, d_ref, b_ref, o_ref):
        dis2 = lax.rsqrt(d_ref[0, :] + d_ref[1, :] + 1.0)
        o_ref[...] = dis2[:, None] * (a_ref[0] + a_ref[1] + y_ref[...]) \
            + b_ref[...]
    return pl.pallas_call(
        body,
        out_shape=jax.ShapeDtypeStruct((N2, D), jnp.float32),
    )(a2p, y2, d2p, b2)


def kernel(x, edge_index1, edge_index2, W1, b1, W2, b2):
    ei1 = edge_index1.astype(jnp.int32)
    ei2 = edge_index2.astype(jnp.int32)
    src1, dst1 = ei1[0], ei1[1]
    src2, dst2 = ei2[0], ei2[1]
    x8k = x[:N1]

    ones_t = jnp.ones((E1W // 128, 128), jnp.float32)

    deg1p, deg2p = _deg_call(
        dst1.reshape(NW, E1W // 128, 128),
        dst2.reshape(NW, E2W // 128, 128), ones_t)
    y1, offs1, cnt1, offs2, cnt2 = _tca_offs_call(
        x8k, W1, deg1p,
        src1.reshape(NW, E1W // 128, 128), dst1.reshape(NW, E1W // 128, 128),
        src2.reshape(NW, E2W // 128, 128), dst2.reshape(NW, E2W // 128, 128))
    a1p = _msgpass_call(src1.reshape(NW, E1W), dst1.reshape(NW, E1W),
                        y1, offs1, cnt1.reshape(NW, 1024)[:, :128], E1W, N1)
    y2 = _tc_b(a1p, y1[:N2], deg1p[:, :N2], b1.reshape(1, D), W2, deg2p)
    a2p = _msgpass_call(src2.reshape(NW, E2W), dst2.reshape(NW, E2W),
                        y2, offs2, cnt2.reshape(NW, 1024)[:, :128], E2W, N2)
    return _tc_c(a2p, y2, deg2p, b2.reshape(1, D))

# --- scband reference (transcript-rebuilt; emitter-appended) ---
"""Pipeline reference for scband-gcn-11484742549906 (READ-ONLY COPY).

The authoritative reference and input builder live on the scoring server;
editing this copy changes nothing except your own understanding.
"""

import jax, jax.numpy as jnp
import numpy as np

N0, N1, N2 = 50000, 8192, 1024
D_IN, D_HID, D_OUT = 128, 128, 128
E1, E2 = 262144, 32768


def gcn_conv(x_src, n_tgt, edge_index, W, b, fill_value):
    # GCNConv: linear first, then propagate with gcn_norm (add_self_loops on targets)
    x_lin = x_src @ W
    E = edge_index.shape[1]
    loop = jnp.arange(n_tgt, dtype=edge_index.dtype)
    src = jnp.concatenate([edge_index[0], loop])
    dst = jnp.concatenate([edge_index[1], loop])
    w = jnp.concatenate([jnp.ones((E,), dtype=x_src.dtype), jnp.full((n_tgt,), fill_value, dtype=x_src.dtype)])
    deg = jax.ops.segment_sum(w, dst, num_segments=x_src.shape[0])
    deg_inv_sqrt = jnp.where(deg > 0, jax.lax.rsqrt(jnp.maximum(deg, 1e-12)), 0.0)
    norm = deg_inv_sqrt[src] * w * deg_inv_sqrt[dst]
    msgs = norm[:, None] * jnp.take(x_lin, src, axis=0)
    out = jax.ops.segment_sum(msgs, dst, num_segments=n_tgt)
    return out + b


def setup_inputs(seed: int = 0) -> dict:
    key = jax.random.key(seed)
    ks = jax.random.split(key, 10)
    x = jax.random.normal(ks[0], (N0, D_IN), dtype=jnp.float32)
    src1 = jax.random.randint(ks[1], (E1,), 0, N0, dtype=jnp.int64 if jax.config.jax_enable_x64 else jnp.int32)
    dst1 = jax.random.randint(ks[2], (E1,), 0, N1, dtype=src1.dtype)
    edge_index1 = jnp.stack([src1, dst1])
    src2 = jax.random.randint(ks[3], (E2,), 0, N1, dtype=src1.dtype)
    dst2 = jax.random.randint(ks[4], (E2,), 0, N2, dtype=src1.dtype)
    edge_index2 = jnp.stack([src2, dst2])
    W1 = jax.random.normal(ks[5], (D_IN, D_HID), dtype=jnp.float32) * (1.0 / np.sqrt(D_IN))
    b1 = jnp.zeros((D_HID,), dtype=jnp.float32)
    W2 = jax.random.normal(ks[6], (D_HID, D_OUT), dtype=jnp.float32) * (1.0 / np.sqrt(D_HID))
    b2 = jnp.zeros((D_OUT,), dtype=jnp.float32)
    return {"x": x, "edge_index1": edge_index1, "edge_index2": edge_index2, "W1": W1, "b1": b1, "W2": W2, "b2": b2}


def reference(x, edge_index1, edge_index2, W1, b1, W2, b2):
    # Layer 1: GCNConv(in, hidden, improved=True -> self-loop fill 2.0)
    h = gcn_conv(x, N1, edge_index1, W1, b1, 2.0)
    h = jax.nn.relu(h)
    # dropout is identity in eval mode
    # Layer 2: GCNConv(hidden, out) default improved=False -> fill 1.0
    out = gcn_conv(h, N2, edge_index2, W2, b2, 1.0)
    return out

if __name__ == "__main__":
    import jax
    _d = setup_inputs()
    print(jax.jit(kernel)(*tuple(_d.values())))

</pallas_src>

<mosaic_0001>
#map = affine_map<(d0, d1) -> (0, 0)>
#map1 = affine_map<(d0, d1) -> (0, 0, 0)>
module attributes {stable_mosaic.version = 14 : i64} {
  func.func @k(%arg0: i32, %arg1: i32, %arg2: memref<32x8192xi32, #tpu.memory_space<hbm>>, %arg3: memref<32x8192xi32, #tpu.memory_space<hbm>>, %arg4: memref<8192x128xf32, #tpu.memory_space<hbm>>, %arg5: memref<32x64x128xi32, #tpu.memory_space<hbm>>, %arg6: memref<32x128xi32, #tpu.memory_space<hbm>>, %arg7: memref<65x128xf32, #tpu.memory_space<hbm>>, %arg8: memref<2x1024x128xf32, #tpu.memory_space<hbm>>, %arg9: memref<8192xi32, #tpu.memory_space<vmem>>, %arg10: memref<8192xi32, #tpu.memory_space<vmem>>, %arg11: memref<64x128xi32, #tpu.memory_space<vmem>>, %arg12: memref<128xi32, #tpu.memory_space<vmem>>, %arg13: memref<8448xi32, #tpu.memory_space<vmem>>, %arg14: memref<8448xi32, #tpu.memory_space<vmem>>, %arg15: memref<128x128xf32, #tpu.memory_space<vmem>>, %arg16: memref<65x128xf32, #tpu.memory_space<vmem>>, %arg17: memref<1040x128xf32, #tpu.memory_space<vmem_shared>>, %arg18: memref<135168xi32, #tpu.memory_space<vmem_shared>>, %arg19: memref<135168xi32, #tpu.memory_space<vmem_shared>>, %arg20: memref<!tpu.dma_semaphore, #tpu.memory_space<semaphore_mem>>, %arg21: memref<!tpu.dma_semaphore, #tpu.memory_space<semaphore_mem>>) attributes {dimension_semantics = [#tpu.dimension_semantics<core_parallel>, #tpu.dimension_semantics<subcore_parallel>], iteration_bounds = array<i64: 2, 16>, scalar_prefetch = 0 : i64, scratch_operands = 13 : i64, tpu.core_type = #tpu.core_type<sc_vector_subcore>, window_params = [{transform_indices = #map}, {transform_indices = #map}, {transform_indices = #map}, {transform_indices = #map1}, {transform_indices = #map}, {transform_indices = #map}, {transform_indices = #map1}]} {
    %mul3A = arith.constant 2 : i32
    %mul3A_0 = arith.muli %arg1, %mul3A : i32
    %add3A = arith.addi %mul3A_0, %arg0 : i32
    %iota3A = tpu.iota {dimensions = array<i32: 0>} : vector<16xi32>
    "tpu.region"() ({
      %run_scoped3A = tpu.sem_alloc : memref<!tpu.dma_semaphore, #tpu.memory_space<semaphore_mem>>
      tpu.enqueue_dma source(%arg7 : memref<65x128xf32, #tpu.memory_space<hbm>>) target(%arg16 : memref<65x128xf32, #tpu.memory_space<vmem>>) target_semaphore(%run_scoped3A : memref<!tpu.dma_semaphore, #tpu.memory_space<semaphore_mem>>)
      tpu.wait_dma2 semaphore(%run_scoped3A : memref<!tpu.dma_semaphore, #tpu.memory_space<semaphore_mem>>) src(%arg7 : memref<65x128xf32, #tpu.memory_space<hbm>>) dst(%arg16 : memref<65x128xf32, #tpu.memory_space<vmem>>)
      tpu.yield
    }) : () -> ()
    %mul3A_1 = arith.constant 65 : i32
    %mul3A_2 = arith.muli %arg1, %mul3A_1 : i32
    "tpu.region"() ({
      %run_scoped3A = tpu.sem_alloc : memref<!tpu.dma_semaphore, #tpu.memory_space<semaphore_mem>>
      %dma_start3A_255 = arith.constant 0 : i32
      %dma_start3A_256 = tpu.memref_slice %arg17[%mul3A_2, %dma_start3A_255] : memref<1040x128xf32, #tpu.memory_space<vmem_shared>> -> memref<65x128xf32, #tpu.memory_space<vmem_shared>>
      %dma_start3A_257 = arith.constant 0 : i32
      %dma_start3A_258 = tpu.memref_slice %arg17[%mul3A_2, %dma_start3A_257] : memref<1040x128xf32, #tpu.memory_space<vmem_shared>> -> memref<65x128xf32, #tpu.memory_space<vmem_shared>>
      tpu.enqueue_dma source(%arg16 : memref<65x128xf32, #tpu.memory_space<vmem>>) target(%dma_start3A_258 : memref<65x128xf32, #tpu.memory_space<vmem_shared>>) target_semaphore(%run_scoped3A : memref<!tpu.dma_semaphore, #tpu.memory_space<semaphore_mem>>)
      %dma_wait3A_259 = arith.constant 0 : i32
      %dma_wait3A_260 = tpu.memref_slice %arg17[%mul3A_2, %dma_wait3A_259] : memref<1040x128xf32, #tpu.memory_space<vmem_shared>> -> memref<65x128xf32, #tpu.memory_space<vmem_shared>>
      %dma_wait3A_261 = arith.constant 0 : i32
      %dma_wait3A_262 = tpu.memref_slice %arg17[%mul3A_2, %dma_wait3A_261] : memref<1040x128xf32, #tpu.memory_space<vmem_shared>> -> memref<65x128xf32, #tpu.memory_space<vmem_shared>>
      tpu.wait_dma2 semaphore(%run_scoped3A : memref<!tpu.dma_semaphore, #tpu.memory_space<semaphore_mem>>) src(%arg16 : memref<65x128xf32, #tpu.memory_space<vmem>>) dst(%dma_wait3A_262 : memref<65x128xf32, #tpu.memory_space<vmem_shared>>)
      tpu.yield
    }) : () -> ()
    %dma_start3A = arith.constant 0 : i32
    %dma_start3A_3 = tpu.memref_slice %arg2[%add3A, %dma_start3A] : memref<32x8192xi32, #tpu.memory_space<hbm>> -> memref<1x8192xi32, #tpu.memory_space<hbm>>
    %dma_start3A_4 = tpu.memref_squeeze %dma_start3A_3 : memref<1x8192xi32, #tpu.memory_space<hbm>> -> memref<8192xi32, #tpu.memory_space<hbm>>
    %dma_start3A_5 = arith.constant 0 : i32
    %dma_start3A_6 = tpu.memref_slice %arg2[%add3A, %dma_start3A_5] : memref<32x8192xi32, #tpu.memory_space<hbm>> -> memref<1x8192xi32, #tpu.memory_space<hbm>>
    %dma_start3A_7 = tpu.memref_squeeze %dma_start3A_6 : memref<1x8192xi32, #tpu.memory_space<hbm>> -> memref<8192xi32, #tpu.memory_space<hbm>>
    tpu.enqueue_dma source(%dma_start3A_7 : memref<8192xi32, #tpu.memory_space<hbm>>) target(%arg9 : memref<8192xi32, #tpu.memory_space<vmem>>) target_semaphore(%arg20 : memref<!tpu.dma_semaphore, #tpu.memory_space<semaphore_mem>>)
    %dma_start3A_8 = arith.constant 0 : i32
    %dma_start3A_9 = tpu.memref_slice %arg3[%add3A, %dma_start3A_8] : memref<32x8192xi32, #tpu.memory_space<hbm>> -> memref<1x8192xi32, #tpu.memory_space<hbm>>
    %dma_start3A_10 = tpu.memref_squeeze %dma_start3A_9 : memref<1x8192xi32, #tpu.memory_space<hbm>> -> memref<8192xi32, #tpu.memory_space<hbm>>
    %dma_start3A_11 = arith.constant 0 : i32
    %dma_start3A_12 = tpu.memref_slice %arg3[%add3A, %dma_start3A_11] : memref<32x8192xi32, #tpu.memory_space<hbm>> -> memref<1x8192xi32, #tpu.memory_space<hbm>>
    %dma_start3A_13 = tpu.memref_squeeze %dma_start3A_12 : memref<1x8192xi32, #tpu.memory_space<hbm>> -> memref<8192xi32, #tpu.memory_space<hbm>>
    tpu.enqueue_dma source(%dma_start3A_13 : memref<8192xi32, #tpu.memory_space<hbm>>) target(%arg10 : memref<8192xi32, #tpu.memory_space<vmem>>) target_semaphore(%arg21 : memref<!tpu.dma_semaphore, #tpu.memory_space<semaphore_mem>>)
    %dma_wait3A = arith.constant 0 : i32
    %dma_wait3A_14 = tpu.memref_slice %arg2[%add3A, %dma_wait3A] : memref<32x8192xi32, #tpu.memory_space<hbm>> -> memref<1x8192xi32, #tpu.memory_space<hbm>>
    %dma_wait3A_15 = tpu.memref_squeeze %dma_wait3A_14 : memref<1x8192xi32, #tpu.memory_space<hbm>> -> memref<8192xi32, #tpu.memory_space<hbm>>
    %dma_wait3A_16 = arith.constant 0 : i32
    %dma_wait3A_17 = tpu.memref_slice %arg2[%add3A, %dma_wait3A_16] : memref<32x8192xi32, #tpu.memory_space<hbm>> -> memref<1x8192xi32, #tpu.memory_space<hbm>>
    %dma_wait3A_18 = tpu.memref_squeeze %dma_wait3A_17 : memref<1x8192xi32, #tpu.memory_space<hbm>> -> memref<8192xi32, #tpu.memory_space<hbm>>
    tpu.wait_dma2 semaphore(%arg20 : memref<!tpu.dma_semaphore, #tpu.memory_space<semaphore_mem>>) src(%dma_wait3A_18 : memref<8192xi32, #tpu.memory_space<hbm>>) dst(%arg9 : memref<8192xi32, #tpu.memory_space<vmem>>)
    %dma_wait3A_19 = arith.constant 0 : i32
    %dma_wait3A_20 = tpu.memref_slice %arg3[%add3A, %dma_wait3A_19] : memref<32x8192xi32, #tpu.memory_space<hbm>> -> memref<1x8192xi32, #tpu.memory_space<hbm>>
    %dma_wait3A_21 = tpu.memref_squeeze %dma_wait3A_20 : memref<1x8192xi32, #tpu.memory_space<hbm>> -> memref<8192xi32, #tpu.memory_space<hbm>>
    %dma_wait3A_22 = arith.constant 0 : i32
    %dma_wait3A_23 = tpu.memref_slice %arg3[%add3A, %dma_wait3A_22] : memref<32x8192xi32, #tpu.memory_space<hbm>> -> memref<1x8192xi32, #tpu.memory_space<hbm>>
    %dma_wait3A_24 = tpu.memref_squeeze %dma_wait3A_23 : memref<1x8192xi32, #tpu.memory_space<hbm>> -> memref<8192xi32, #tpu.memory_space<hbm>>
    tpu.wait_dma2 semaphore(%arg21 : memref<!tpu.dma_semaphore, #tpu.memory_space<semaphore_mem>>) src(%dma_wait3A_24 : memref<8192xi32, #tpu.memory_space<hbm>>) dst(%arg10 : memref<8192xi32, #tpu.memory_space<vmem>>)
    %dma_start3A_25 = arith.constant 0 : i32
    %dma_start3A_26 = arith.constant 0 : i32
    %dma_start3A_27 = tpu.memref_slice %arg5[%add3A, %dma_start3A_25, %dma_start3A_26] : memref<32x64x128xi32, #tpu.memory_space<hbm>> -> memref<1x64x128xi32, #tpu.memory_space<hbm>>
    %dma_start3A_28 = tpu.memref_squeeze %dma_start3A_27 : memref<1x64x128xi32, #tpu.memory_space<hbm>> -> memref<64x128xi32, #tpu.memory_space<hbm>>
    %dma_start3A_29 = arith.constant 0 : i32
    %dma_start3A_30 = arith.constant 0 : i32
    %dma_start3A_31 = tpu.memref_slice %arg5[%add3A, %dma_start3A_29, %dma_start3A_30] : memref<32x64x128xi32, #tpu.memory_space<hbm>> -> memref<1x64x128xi32, #tpu.memory_space<hbm>>
    %dma_start3A_32 = tpu.memref_squeeze %dma_start3A_31 : memref<1x64x128xi32, #tpu.memory_space<hbm>> -> memref<64x128xi32, #tpu.memory_space<hbm>>
    tpu.enqueue_dma source(%dma_start3A_32 : memref<64x128xi32, #tpu.memory_space<hbm>>) target(%arg11 : memref<64x128xi32, #tpu.memory_space<vmem>>) target_semaphore(%arg20 : memref<!tpu.dma_semaphore, #tpu.memory_space<semaphore_mem>>)
    %dma_start3A_33 = arith.constant 0 : i32
    %dma_start3A_34 = tpu.memref_slice %arg6[%add3A, %dma_start3A_33] : memref<32x128xi32, #tpu.memory_space<hbm>> -> memref<1x128xi32, #tpu.memory_space<hbm>>
    %dma_start3A_35 = tpu.memref_squeeze %dma_start3A_34 : memref<1x128xi32, #tpu.memory_space<hbm>> -> memref<128xi32, #tpu.memory_space<hbm>>
    %dma_start3A_36 = arith.constant 0 : i32
    %dma_start3A_37 = tpu.memref_slice %arg6[%add3A, %dma_start3A_36] : memref<32x128xi32, #tpu.memory_space<hbm>> -> memref<1x128xi32, #tpu.memory_space<hbm>>
    %dma_start3A_38 = tpu.memref_squeeze %dma_start3A_37 : memref<1x128xi32, #tpu.memory_space<hbm>> -> memref<128xi32, #tpu.memory_space<hbm>>
    tpu.enqueue_dma source(%dma_start3A_38 : memref<128xi32, #tpu.memory_space<hbm>>) target(%arg12 : memref<128xi32, #tpu.memory_space<vmem>>) target_semaphore(%arg21 : memref<!tpu.dma_semaphore, #tpu.memory_space<semaphore_mem>>)
    %dma_wait3A_39 = arith.constant 0 : i32
    %dma_wait3A_40 = arith.constant 0 : i32
    %dma_wait3A_41 = tpu.memref_slice %arg5[%add3A, %dma_wait3A_39, %dma_wait3A_40] : memref<32x64x128xi32, #tpu.memory_space<hbm>> -> memref<1x64x128xi32, #tpu.memory_space<hbm>>
    %dma_wait3A_42 = tpu.memref_squeeze %dma_wait3A_41 : memref<1x64x128xi32, #tpu.memory_space<hbm>> -> memref<64x128xi32, #tpu.memory_space<hbm>>
    %dma_wait3A_43 = arith.constant 0 : i32
    %dma_wait3A_44 = arith.constant 0 : i32
    %dma_wait3A_45 = tpu.memref_slice %arg5[%add3A, %dma_wait3A_43, %dma_wait3A_44] : memref<32x64x128xi32, #tpu.memory_space<hbm>> -> memref<1x64x128xi32, #tpu.memory_space<hbm>>
    %dma_wait3A_46 = tpu.memref_squeeze %dma_wait3A_45 : memref<1x64x128xi32, #tpu.memory_space<hbm>> -> memref<64x128xi32, #tpu.memory_space<hbm>>
    tpu.wait_dma2 semaphore(%arg20 : memref<!tpu.dma_semaphore, #tpu.memory_space<semaphore_mem>>) src(%dma_wait3A_46 : memref<64x128xi32, #tpu.memory_space<hbm>>) dst(%arg11 : memref<64x128xi32, #tpu.memory_space<vmem>>)
    %dma_wait3A_47 = arith.constant 0 : i32
    %dma_wait3A_48 = tpu.memref_slice %arg6[%add3A, %dma_wait3A_47] : memref<32x128xi32, #tpu.memory_space<hbm>> -> memref<1x128xi32, #tpu.memory_space<hbm>>
    %dma_wait3A_49 = tpu.memref_squeeze %dma_wait3A_48 : memref<1x128xi32, #tpu.memory_space<hbm>> -> memref<128xi32, #tpu.memory_space<hbm>>
    %dma_wait3A_50 = arith.constant 0 : i32
    %dma_wait3A_51 = tpu.memref_slice %arg6[%add3A, %dma_wait3A_50] : memref<32x128xi32, #tpu.memory_space<hbm>> -> memref<1x128xi32, #tpu.memory_space<hbm>>
    %dma_wait3A_52 = tpu.memref_squeeze %dma_wait3A_51 : memref<1x128xi32, #tpu.memory_space<hbm>> -> memref<128xi32, #tpu.memory_space<hbm>>
    tpu.wait_dma2 semaphore(%arg21 : memref<!tpu.dma_semaphore, #tpu.memory_space<semaphore_mem>>) src(%dma_wait3A_52 : memref<128xi32, #tpu.memory_space<hbm>>) dst(%arg12 : memref<128xi32, #tpu.memory_space<vmem>>)
    %barrier3A = arith.constant 0 : index
    tpu.barrier barrier_id(%barrier3A)
    %get3A = arith.constant 0 : index
    %get3A_53 = tpu.vector_load %arg12[%get3A] {strides = array<i32>} : memref<128xi32, #tpu.memory_space<vmem>>, vector<16xi32>,
    %get3A_54 = vector.shape_cast %get3A_53 : vector<16xi32> to vector<16xi32>
    %slice3A = vector.extract_strided_slice %get3A_54 {offsets = [0], sizes = [1], strides = [1]} : vector<16xi32> to vector<1xi32>
    %squeeze3A = vector.extract %slice3A[0] : i32 from vector<1xi32>
    %slice3A_55 = vector.extract_strided_slice %get3A_54 {offsets = [1], sizes = [1], strides = [1]} : vector<16xi32> to vector<1xi32>
    %squeeze3A_56 = vector.extract %slice3A_55[0] : i32 from vector<1xi32>
    %scan3A = arith.constant 0 : i32
    %scan3A_57 = arith.constant 0 : i32
    %scan3A_58 = arith.constant 64 : i32
    %scan3A_59 = arith.addi %scan3A_57, %scan3A_58 : i32
    %scan3A_60 = arith.constant 1 : i32
    scf.for %scan3A_255 = %scan3A_57 to %scan3A_59 step %scan3A_60  : i32 {
      %mul3A_256 = arith.constant 128 : i32
      %mul3A_257 = arith.muli %scan3A_255, %mul3A_256 : i32
      %dma_start3A_258 = tpu.memref_slice %arg9[%mul3A_257] : memref<8192xi32, #tpu.memory_space<vmem>> -> memref<128xi32, #tpu.memory_space<vmem>>
      %dma_start3A_259 = arith.constant 0 : i32
      %dma_start3A_260 = tpu.memref_slice %arg11[%scan3A_255, %dma_start3A_259] : memref<64x128xi32, #tpu.memory_space<vmem>> -> memref<1x128xi32, #tpu.memory_space<vmem>>
      %dma_start3A_261 = tpu.memref_squeeze %dma_start3A_260 : memref<1x128xi32, #tpu.memory_space<vmem>> -> memref<128xi32, #tpu.memory_space<vmem>>
      %dma_start3A_262 = arith.constant 0 : i32
      %dma_start3A_263 = tpu.memref_slice %arg18[%dma_start3A_262] : memref<135168xi32, #tpu.memory_space<vmem_shared>> -> memref<135168xi32, #tpu.memory_space<vmem_shared>>
      tpu.enqueue_indirect_dma source(%dma_start3A_258 : memref<128xi32, #tpu.memory_space<vmem>>) target(%dma_start3A_263 : memref<135168xi32, #tpu.memory_space<vmem_shared>>) offsets(%dma_start3A_261 : memref<128xi32, #tpu.memory_space<vmem>>) semaphore(%arg20 : memref<!tpu.dma_semaphore, #tpu.memory_space<semaphore_mem>>)
      %mul3A_264 = arith.constant 128 : i32
      %mul3A_265 = arith.muli %scan3A_255, %mul3A_264 : i32
      %dma_start3A_266 = tpu.memref_slice %arg10[%mul3A_265] : memref<8192xi32, #tpu.memory_space<vmem>> -> memref<128xi32, #tpu.memory_space<vmem>>
      %dma_start3A_267 = arith.constant 0 : i32
      %dma_start3A_268 = tpu.memref_slice %arg11[%scan3A_255, %dma_start3A_267] : memref<64x128xi32, #tpu.memory_space<vmem>> -> memref<1x128xi32, #tpu.memory_space<vmem>>
      %dma_start3A_269 = tpu.memref_squeeze %dma_start3A_268 : memref<1x128xi32, #tpu.memory_space<vmem>> -> memref<128xi32, #tpu.memory_space<vmem>>
      %dma_start3A_270 = arith.constant 0 : i32
      %dma_start3A_271 = tpu.memref_slice %arg19[%dma_start3A_270] : memref<135168xi32, #tpu.memory_space<vmem_shared>> -> memref<135168xi32, #tpu.memory_space<vmem_shared>>
      tpu.enqueue_indirect_dma source(%dma_start3A_266 : memref<128xi32, #tpu.memory_space<vmem>>) target(%dma_start3A_271 : memref<135168xi32, #tpu.memory_space<vmem_shared>>) offsets(%dma_start3A_269 : memref<128xi32, #tpu.memory_space<vmem>>) semaphore(%arg21 : memref<!tpu.dma_semaphore, #tpu.memory_space<semaphore_mem>>)
      %dma_wait3A_272 = tpu.memref_slice %arg9[%mul3A_257] : memref<8192xi32, #tpu.memory_space<vmem>> -> memref<128xi32, #tpu.memory_space<vmem>>
      %dma_wait3A_273 = arith.constant 0 : i32
      %dma_wait3A_274 = tpu.memref_slice %arg11[%scan3A_255, %dma_wait3A_273] : memref<64x128xi32, #tpu.memory_space<vmem>> -> memref<1x128xi32, #tpu.memory_space<vmem>>
      %dma_wait3A_275 = tpu.memref_squeeze %dma_wait3A_274 : memref<1x128xi32, #tpu.memory_space<vmem>> -> memref<128xi32, #tpu.memory_space<vmem>>
      %dma_wait3A_276 = arith.constant 0 : i32
      %dma_wait3A_277 = tpu.memref_slice %arg18[%dma_wait3A_276] : memref<135168xi32, #tpu.memory_space<vmem_shared>> -> memref<135168xi32, #tpu.memory_space<vmem_shared>>
      tpu.wait_indirect_dma semaphore(%arg20 : memref<!tpu.dma_semaphore, #tpu.memory_space<semaphore_mem>>) src(%dma_wait3A_272 : memref<128xi32, #tpu.memory_space<vmem>>) dst(%dma_wait3A_277 : memref<135168xi32, #tpu.memory_space<vmem_shared>>)
      %dma_wait3A_278 = tpu.memref_slice %arg10[%mul3A_265] : memref<8192xi32, #tpu.memory_space<vmem>> -> memref<128xi32, #tpu.memory_space<vmem>>
      %dma_wait3A_279 = arith.constant 0 : i32
      %dma_wait3A_280 = tpu.memref_slice %arg11[%scan3A_255, %dma_wait3A_279] : memref<64x128xi32, #tpu.memory_space<vmem>> -> memref<1x128xi32, #tpu.memory_space<vmem>>
      %dma_wait3A_281 = tpu.memref_squeeze %dma_wait3A_280 : memref<1x128xi32, #tpu.memory_space<vmem>> -> memref<128xi32, #tpu.memory_space<vmem>>
      %dma_wait3A_282 = arith.constant 0 : i32
      %dma_wait3A_283 = tpu.memref_slice %arg19[%dma_wait3A_282] : memref<135168xi32, #tpu.memory_space<vmem_shared>> -> memref<135168xi32, #tpu.memory_space<vmem_shared>>
      tpu.wait_indirect_dma semaphore(%arg21 : memref<!tpu.dma_semaphore, #tpu.memory_space<semaphore_mem>>) src(%dma_wait3A_278 : memref<128xi32, #tpu.memory_space<vmem>>) dst(%dma_wait3A_283 : memref<135168xi32, #tpu.memory_space<vmem_shared>>)
    }
    %scan3A_61 = arith.constant 64 : i32
    %mul3A_62 = arith.constant 8448 : i32
    %mul3A_63 = arith.muli %arg1, %mul3A_62 : i32
    "tpu.region"() ({
      %run_scoped3A = tpu.sem_alloc : memref<!tpu.dma_semaphore, #tpu.memory_space<semaphore_mem>>
      %dma_start3A_255 = tpu.memref_slice %arg18[%mul3A_63] : memref<135168xi32, #tpu.memory_space<vmem_shared>> -> memref<8448xi32, #tpu.memory_space<vmem_shared>>
      %dma_start3A_256 = tpu.memref_slice %arg18[%mul3A_63] : memref<135168xi32, #tpu.memory_space<vmem_shared>> -> memref<8448xi32, #tpu.memory_space<vmem_shared>>
      tpu.enqueue_dma source(%dma_start3A_256 : memref<8448xi32, #tpu.memory_space<vmem_shared>>) target(%arg13 : memref<8448xi32, #tpu.memory_space<vmem>>) target_semaphore(%run_scoped3A : memref<!tpu.dma_semaphore, #tpu.memory_space<semaphore_mem>>)
      %dma_wait3A_257 = tpu.memref_slice %arg18[%mul3A_63] : memref<135168xi32, #tpu.memory_space<vmem_shared>> -> memref<8448xi32, #tpu.memory_space<vmem_shared>>
      %dma_wait3A_258 = tpu.memref_slice %arg18[%mul3A_63] : memref<135168xi32, #tpu.memory_space<vmem_shared>> -> memref<8448xi32, #tpu.memory_space<vmem_shared>>
      tpu.wait_dma2 semaphore(%run_scoped3A : memref<!tpu.dma_semaphore, #tpu.memory_space<semaphore_mem>>) src(%dma_wait3A_258 : memref<8448xi32, #tpu.memory_space<vmem_shared>>) dst(%arg13 : memref<8448xi32, #tpu.memory_space<vmem>>)
      tpu.yield
    }) : () -> ()
    %mul3A_64 = arith.constant 8448 : i32
    %mul3A_65 = arith.muli %arg1, %mul3A_64 : i32
    "tpu.region"() ({
      %run_scoped3A = tpu.sem_alloc : memref<!tpu.dma_semaphore, #tpu.memory_space<semaphore_mem>>
      %dma_start3A_255 = tpu.memref_slice %arg19[%mul3A_65] : memref<135168xi32, #tpu.memory_space<vmem_shared>> -> memref<8448xi32, #tpu.memory_space<vmem_shared>>
      %dma_start3A_256 = tpu.memref_slice %arg19[%mul3A_65] : memref<135168xi32, #tpu.memory_space<vmem_shared>> -> memref<8448xi32, #tpu.memory_space<vmem_shared>>
      tpu.enqueue_dma source(%dma_start3A_256 : memref<8448xi32, #tpu.memory_space<vmem_shared>>) target(%arg14 : memref<8448xi32, #tpu.memory_space<vmem>>) target_semaphore(%run_scoped3A : memref<!tpu.dma_semaphore, #tpu.memory_space<semaphore_mem>>)
      %dma_wait3A_257 = tpu.memref_slice %arg19[%mul3A_65] : memref<135168xi32, #tpu.memory_space<vmem_shared>> -> memref<8448xi32, #tpu.memory_space<vmem_shared>>
      %dma_wait3A_258 = tpu.memref_slice %arg19[%mul3A_65] : memref<135168xi32, #tpu.memory_space<vmem_shared>> -> memref<8448xi32, #tpu.memory_space<vmem_shared>>
      tpu.wait_dma2 semaphore(%run_scoped3A : memref<!tpu.dma_semaphore, #tpu.memory_space<semaphore_mem>>) src(%dma_wait3A_258 : memref<8448xi32, #tpu.memory_space<vmem_shared>>) dst(%arg14 : memref<8448xi32, #tpu.memory_space<vmem>>)
      tpu.yield
    }) : () -> ()
    %mul3A_66 = arith.constant 512 : i32
    %mul3A_67 = vector.broadcast %mul3A_66 : i32 to vector<16xi32>
    %mul3A_68 = arith.muli %iota3A, %mul3A_67 : vector<16xi32>
    %add3A_69 = arith.constant 0 : i32
    %add3A_70 = vector.broadcast %add3A_69 : i32 to vector<16xi32>
    %add3A_71 = arith.addi %mul3A_68, %add3A_70 : vector<16xi32>
    %add3A_72 = arith.constant 0 : i32
    %add3A_73 = arith.addi %squeeze3A, %add3A_72 : i32
    %swap3A = arith.index_cast %add3A_73 : i32 to index
    %swap3A_74 = tpu.vector_load %arg13[%swap3A] {strides = array<i32>} : memref<8448xi32, #tpu.memory_space<vmem>>, vector<16xi32>,
    %swap3A_75 = vector.shape_cast %swap3A_74 : vector<16xi32> to vector<16xi32>
    %swap3A_76 = vector.shape_cast %add3A_71 : vector<16xi32> to vector<16xi32>
    tpu.vector_store %arg13[%swap3A], %swap3A_76 {strides = array<i32>} : memref<8448xi32, #tpu.memory_space<vmem>>, vector<16xi32>,
    %broadcast_in_dim3A = arith.constant 1024 : i32
    %broadcast_in_dim3A_77 = vector.broadcast %broadcast_in_dim3A : i32 to vector<16xi32>
    %add3A_78 = vector.broadcast %arg1 : i32 to vector<16xi32>
    %add3A_79 = arith.addi %broadcast_in_dim3A_77, %add3A_78 : vector<16xi32>
    %add3A_80 = arith.constant 0 : i32
    %add3A_81 = arith.addi %squeeze3A, %add3A_80 : i32
    %swap3A_82 = arith.index_cast %add3A_81 : i32 to index
    %swap3A_83 = tpu.vector_load %arg14[%swap3A_82] {strides = array<i32>} : memref<8448xi32, #tpu.memory_space<vmem>>, vector<16xi32>,
    %swap3A_84 = vector.shape_cast %swap3A_83 : vector<16xi32> to vector<16xi32>
    %swap3A_85 = vector.shape_cast %add3A_79 : vector<16xi32> to vector<16xi32>
    tpu.vector_store %arg14[%swap3A_82], %swap3A_85 {strides = array<i32>} : memref<8448xi32, #tpu.memory_space<vmem>>, vector<16xi32>,
    %mul3A_86 = arith.constant 512 : i32
    %mul3A_87 = vector.broadcast %mul3A_86 : i32 to vector<16xi32>
    %mul3A_88 = arith.muli %iota3A, %mul3A_87 : vector<16xi32>
    %add3A_89 = arith.constant 7 : i32
    %add3A_90 = vector.broadcast %add3A_89 : i32 to vector<16xi32>
    %add3A_91 = arith.addi %mul3A_88, %add3A_90 : vector<16xi32>
    %add3A_92 = arith.constant 16 : i32
    %add3A_93 = arith.addi %squeeze3A, %add3A_92 : i32
    %swap3A_94 = arith.index_cast %add3A_93 : i32 to index
    %swap3A_95 = tpu.vector_load %arg13[%swap3A_94] {strides = array<i32>} : memref<8448xi32, #tpu.memory_space<vmem>>, vector<16xi32>,
    %swap3A_96 = vector.shape_cast %swap3A_95 : vector<16xi32> to vector<16xi32>
    %swap3A_97 = vector.shape_cast %add3A_91 : vector<16xi32> to vector<16xi32>
    tpu.vector_store %arg13[%swap3A_94], %swap3A_97 {strides = array<i32>} : memref<8448xi32, #tpu.memory_space<vmem>>, vector<16xi32>,
    %broadcast_in_dim3A_98 = arith.constant 1024 : i32
    %broadcast_in_dim3A_99 = vector.broadcast %broadcast_in_dim3A_98 : i32 to vector<16xi32>
    %add3A_100 = vector.broadcast %arg1 : i32 to vector<16xi32>
    %add3A_101 = arith.addi %broadcast_in_dim3A_99, %add3A_100 : vector<16xi32>
    %add3A_102 = arith.constant 16 : i32
    %add3A_103 = arith.addi %squeeze3A, %add3A_102 : i32
    %swap3A_104 = arith.index_cast %add3A_103 : i32 to index
    %swap3A_105 = tpu.vector_load %arg14[%swap3A_104] {strides = array<i32>} : memref<8448xi32, #tpu.memory_space<vmem>>, vector<16xi32>,
    %swap3A_106 = vector.shape_cast %swap3A_105 : vector<16xi32> to vector<16xi32>
    %swap3A_107 = vector.shape_cast %add3A_101 : vector<16xi32> to vector<16xi32>
    tpu.vector_store %arg14[%swap3A_104], %swap3A_107 {strides = array<i32>} : memref<8448xi32, #tpu.memory_space<vmem>>, vector<16xi32>,
    %mul3A_108 = arith.constant 512 : i32
    %mul3A_109 = vector.broadcast %mul3A_108 : i32 to vector<16xi32>
    %mul3A_110 = arith.muli %iota3A, %mul3A_109 : vector<16xi32>
    %add3A_111 = arith.constant 14 : i32
    %add3A_112 = vector.broadcast %add3A_111 : i32 to vector<16xi32>
    %add3A_113 = arith.addi %mul3A_110, %add3A_112 : vector<16xi32>
    %add3A_114 = arith.constant 32 : i32
    %add3A_115 = arith.addi %squeeze3A, %add3A_114 : i32
    %swap3A_116 = arith.index_cast %add3A_115 : i32 to index
    %swap3A_117 = tpu.vector_load %arg13[%swap3A_116] {strides = array<i32>} : memref<8448xi32, #tpu.memory_space<vmem>>, vector<16xi32>,
    %swap3A_118 = vector.shape_cast %swap3A_117 : vector<16xi32> to vector<16xi32>
    %swap3A_119 = vector.shape_cast %add3A_113 : vector<16xi32> to vector<16xi32>
    tpu.vector_store %arg13[%swap3A_116], %swap3A_119 {strides = array<i32>} : memref<8448xi32, #tpu.memory_space<vmem>>, vector<16xi32>,
    %broadcast_in_dim3A_120 = arith.constant 1024 : i32
    %broadcast_in_dim3A_121 = vector.broadcast %broadcast_in_dim3A_120 : i32 to vector<16xi32>
    %add3A_122 = vector.broadcast %arg1 : i32 to vector<16xi32>
    %add3A_123 = arith.addi %broadcast_in_dim3A_121, %add3A_122 : vector<16xi32>
    %add3A_124 = arith.constant 32 : i32
    %add3A_125 = arith.addi %squeeze3A, %add3A_124 : i32
    %swap3A_126 = arith.index_cast %add3A_125 : i32 to index
    %swap3A_127 = tpu.vector_load %arg14[%swap3A_126] {strides = array<i32>} : memref<8448xi32, #tpu.memory_space<vmem>>, vector<16xi32>,
    %swap3A_128 = vector.shape_cast %swap3A_127 : vector<16xi32> to vector<16xi32>
    %swap3A_129 = vector.shape_cast %add3A_123 : vector<16xi32> to vector<16xi32>
    tpu.vector_store %arg14[%swap3A_126], %swap3A_129 {strides = array<i32>} : memref<8448xi32, #tpu.memory_space<vmem>>, vector<16xi32>,
    %mul3A_130 = arith.constant 512 : i32
    %mul3A_131 = vector.broadcast %mul3A_130 : i32 to vector<16xi32>
    %mul3A_132 = arith.muli %iota3A, %mul3A_131 : vector<16xi32>
    %add3A_133 = arith.constant 21 : i32
    %add3A_134 = vector.broadcast %add3A_133 : i32 to vector<16xi32>
    %add3A_135 = arith.addi %mul3A_132, %add3A_134 : vector<16xi32>
    %add3A_136 = arith.constant 48 : i32
    %add3A_137 = arith.addi %squeeze3A, %add3A_136 : i32
    %swap3A_138 = arith.index_cast %add3A_137 : i32 to index
    %swap3A_139 = tpu.vector_load %arg13[%swap3A_138] {strides = array<i32>} : memref<8448xi32, #tpu.memory_space<vmem>>, vector<16xi32>,
    %swap3A_140 = vector.shape_cast %swap3A_139 : vector<16xi32> to vector<16xi32>
    %swap3A_141 = vector.shape_cast %add3A_135 : vector<16xi32> to vector<16xi32>
    tpu.vector_store %arg13[%swap3A_138], %swap3A_141 {strides = array<i32>} : memref<8448xi32, #tpu.memory_space<vmem>>, vector<16xi32>,
    %broadcast_in_dim3A_142 = arith.constant 1024 : i32
    %broadcast_in_dim3A_143 = vector.broadcast %broadcast_in_dim3A_142 : i32 to vector<16xi32>
    %add3A_144 = vector.broadcast %arg1 : i32 to vector<16xi32>
    %add3A_145 = arith.addi %broadcast_in_dim3A_143, %add3A_144 : vector<16xi32>
    %add3A_146 = arith.constant 48 : i32
    %add3A_147 = arith.addi %squeeze3A, %add3A_146 : i32
    %swap3A_148 = arith.index_cast %add3A_147 : i32 to index
    %swap3A_149 = tpu.vector_load %arg14[%swap3A_148] {strides = array<i32>} : memref<8448xi32, #tpu.memory_space<vmem>>, vector<16xi32>,
    %swap3A_150 = vector.shape_cast %swap3A_149 : vector<16xi32> to vector<16xi32>
    %swap3A_151 = vector.shape_cast %add3A_145 : vector<16xi32> to vector<16xi32>
    tpu.vector_store %arg14[%swap3A_148], %swap3A_151 {strides = array<i32>} : memref<8448xi32, #tpu.memory_space<vmem>>, vector<16xi32>,
    %mul3A_152 = arith.constant 512 : i32
    %mul3A_153 = vector.broadcast %mul3A_152 : i32 to vector<16xi32>
    %mul3A_154 = arith.muli %iota3A, %mul3A_153 : vector<16xi32>
    %add3A_155 = arith.constant 28 : i32
    %add3A_156 = vector.broadcast %add3A_155 : i32 to vector<16xi32>
    %add3A_157 = arith.addi %mul3A_154, %add3A_156 : vector<16xi32>
    %add3A_158 = arith.constant 64 : i32
    %add3A_159 = arith.addi %squeeze3A, %add3A_158 : i32
    %swap3A_160 = arith.index_cast %add3A_159 : i32 to index
    %swap3A_161 = tpu.vector_load %arg13[%swap3A_160] {strides = array<i32>} : memref<8448xi32, #tpu.memory_space<vmem>>, vector<16xi32>,
    %swap3A_162 = vector.shape_cast %swap3A_161 : vector<16xi32> to vector<16xi32>
    %swap3A_163 = vector.shape_cast %add3A_157 : vector<16xi32> to vector<16xi32>
    tpu.vector_store %arg13[%swap3A_160], %swap3A_163 {strides = array<i32>} : memref<8448xi32, #tpu.memory_space<vmem>>, vector<16xi32>,
    %broadcast_in_dim3A_164 = arith.constant 1024 : i32
    %broadcast_in_dim3A_165 = vector.broadcast %broadcast_in_dim3A_164 : i32 to vector<16xi32>
    %add3A_166 = vector.broadcast %arg1 : i32 to vector<16xi32>
    %add3A_167 = arith.addi %broadcast_in_dim3A_165, %add3A_166 : vector<16xi32>
    %add3A_168 = arith.constant 64 : i32
    %add3A_169 = arith.addi %squeeze3A, %add3A_168 : i32
    %swap3A_170 = arith.index_cast %add3A_169 : i32 to index
    %swap3A_171 = tpu.vector_load %arg14[%swap3A_170] {strides = array<i32>} : memref<8448xi32, #tpu.memory_space<vmem>>, vector<16xi32>,
    %swap3A_172 = vector.shape_cast %swap3A_171 : vector<16xi32> to vector<16xi32>
    %swap3A_173 = vector.shape_cast %add3A_167 : vector<16xi32> to vector<16xi32>
    tpu.vector_store %arg14[%swap3A_170], %swap3A_173 {strides = array<i32>} : memref<8448xi32, #tpu.memory_space<vmem>>, vector<16xi32>,
    %mul3A_174 = arith.constant 512 : i32
    %mul3A_175 = vector.broadcast %mul3A_174 : i32 to vector<16xi32>
    %mul3A_176 = arith.muli %iota3A, %mul3A_175 : vector<16xi32>
    %add3A_177 = arith.constant 35 : i32
    %add3A_178 = vector.broadcast %add3A_177 : i32 to vector<16xi32>
    %add3A_179 = arith.addi %mul3A_176, %add3A_178 : vector<16xi32>
    %add3A_180 = arith.constant 80 : i32
    %add3A_181 = arith.addi %squeeze3A, %add3A_180 : i32
    %swap3A_182 = arith.index_cast %add3A_181 : i32 to index
    %swap3A_183 = tpu.vector_load %arg13[%swap3A_182] {strides = array<i32>} : memref<8448xi32, #tpu.memory_space<vmem>>, vector<16xi32>,
    %swap3A_184 = vector.shape_cast %swap3A_183 : vector<16xi32> to vector<16xi32>
    %swap3A_185 = vector.shape_cast %add3A_179 : vector<16xi32> to vector<16xi32>
    tpu.vector_store %arg13[%swap3A_182], %swap3A_185 {strides = array<i32>} : memref<8448xi32, #tpu.memory_space<vmem>>, vector<16xi32>,
    %broadcast_in_dim3A_186 = arith.constant 1024 : i32
    %broadcast_in_dim3A_187 = vector.broadcast %broadcast_in_dim3A_186 : i32 to vector<16xi32>
    %add3A_188 = vector.broadcast %arg1 : i32 to vector<16xi32>
    %add3A_189 = arith.addi %broadcast_in_dim3A_187, %add3A_188 : vector<16xi32>
    %add3A_190 = arith.constant 80 : i32
    %add3A_191 = arith.addi %squeeze3A, %add3A_190 : i32
    %swap3A_192 = arith.index_cast %add3A_191 : i32 to index
    %swap3A_193 = tpu.vector_load %arg14[%swap3A_192] {strides = array<i32>} : memref<8448xi32, #tpu.memory_space<vmem>>, vector<16xi32>,
    %swap3A_194 = vector.shape_cast %swap3A_193 : vector<16xi32> to vector<16xi32>
    %swap3A_195 = vector.shape_cast %add3A_189 : vector<16xi32> to vector<16xi32>
    tpu.vector_store %arg14[%swap3A_192], %swap3A_195 {strides = array<i32>} : memref<8448xi32, #tpu.memory_space<vmem>>, vector<16xi32>,
    %mul3A_196 = arith.constant 512 : i32
    %mul3A_197 = vector.broadcast %mul3A_196 : i32 to vector<16xi32>
    %mul3A_198 = arith.muli %iota3A, %mul3A_197 : vector<16xi32>
    %add3A_199 = arith.constant 42 : i32
    %add3A_200 = vector.broadcast %add3A_199 : i32 to vector<16xi32>
    %add3A_201 = arith.addi %mul3A_198, %add3A_200 : vector<16xi32>
    %add3A_202 = arith.constant 96 : i32
    %add3A_203 = arith.addi %squeeze3A, %add3A_202 : i32
    %swap3A_204 = arith.index_cast %add3A_203 : i32 to index
    %swap3A_205 = tpu.vector_load %arg13[%swap3A_204] {strides = array<i32>} : memref<8448xi32, #tpu.memory_space<vmem>>, vector<16xi32>,
    %swap3A_206 = vector.shape_cast %swap3A_205 : vector<16xi32> to vector<16xi32>
    %swap3A_207 = vector.shape_cast %add3A_201 : vector<16xi32> to vector<16xi32>
    tpu.vector_store %arg13[%swap3A_204], %swap3A_207 {strides = array<i32>} : memref<8448xi32, #tpu.memory_space<vmem>>, vector<16xi32>,
    %broadcast_in_dim3A_208 = arith.constant 1024 : i32
    %broadcast_in_dim3A_209 = vector.broadcast %broadcast_in_dim3A_208 : i32 to vector<16xi32>
    %add3A_210 = vector.broadcast %arg1 : i32 to vector<16xi32>
    %add3A_211 = arith.addi %broadcast_in_dim3A_209, %add3A_210 : vector<16xi32>
    %add3A_212 = arith.constant 96 : i32
    %add3A_213 = arith.addi %squeeze3A, %add3A_212 : i32
    %swap3A_214 = arith.index_cast %add3A_213 : i32 to index
    %swap3A_215 = tpu.vector_load %arg14[%swap3A_214] {strides = array<i32>} : memref<8448xi32, #tpu.memory_space<vmem>>, vector<16xi32>,
    %swap3A_216 = vector.shape_cast %swap3A_215 : vector<16xi32> to vector<16xi32>
    %swap3A_217 = vector.shape_cast %add3A_211 : vector<16xi32> to vector<16xi32>
    tpu.vector_store %arg14[%swap3A_214], %swap3A_217 {strides = array<i32>} : memref<8448xi32, #tpu.memory_space<vmem>>, vector<16xi32>,
    %mul3A_218 = arith.constant 512 : i32
    %mul3A_219 = vector.broadcast %mul3A_218 : i32 to vector<16xi32>
    %mul3A_220 = arith.muli %iota3A, %mul3A_219 : vector<16xi32>
    %add3A_221 = arith.constant 49 : i32
    %add3A_222 = vector.broadcast %add3A_221 : i32 to vector<16xi32>
    %add3A_223 = arith.addi %mul3A_220, %add3A_222 : vector<16xi32>
    %add3A_224 = arith.constant 112 : i32
    %add3A_225 = arith.addi %squeeze3A, %add3A_224 : i32
    %swap3A_226 = arith.index_cast %add3A_225 : i32 to index
    %swap3A_227 = tpu.vector_load %arg13[%swap3A_226] {strides = array<i32>} : memref<8448xi32, #tpu.memory_space<vmem>>, vector<16xi32>,
    %swap3A_228 = vector.shape_cast %swap3A_227 : vector<16xi32> to vector<16xi32>
    %swap3A_229 = vector.shape_cast %add3A_223 : vector<16xi32> to vector<16xi32>
    tpu.vector_store %arg13[%swap3A_226], %swap3A_229 {strides = array<i32>} : memref<8448xi32, #tpu.memory_space<vmem>>, vector<16xi32>,
    %broadcast_in_dim3A_230 = arith.constant 1024 : i32
    %broadcast_in_dim3A_231 = vector.broadcast %broadcast_in_dim3A_230 : i32 to vector<16xi32>
    %add3A_232 = vector.broadcast %arg1 : i32 to vector<16xi32>
    %add3A_233 = arith.addi %broadcast_in_dim3A_231, %add3A_232 : vector<16xi32>
    %add3A_234 = arith.constant 112 : i32
    %add3A_235 = arith.addi %squeeze3A, %add3A_234 : i32
    %swap3A_236 = arith.index_cast %add3A_235 : i32 to index
    %swap3A_237 = tpu.vector_load %arg14[%swap3A_236] {strides = array<i32>} : memref<8448xi32, #tpu.memory_space<vmem>>, vector<16xi32>,
    %swap3A_238 = vector.shape_cast %swap3A_237 : vector<16xi32> to vector<16xi32>
    %swap3A_239 = vector.shape_cast %add3A_233 : vector<16xi32> to vector<16xi32>
    tpu.vector_store %arg14[%swap3A_236], %swap3A_239 {strides = array<i32>} : memref<8448xi32, #tpu.memory_space<vmem>>, vector<16xi32>,
    %barrier3A_240 = arith.constant 0 : index
    tpu.barrier barrier_id(%barrier3A_240)
    %while3A = arith.constant 0 : i32
    %while3A_241 = arith.constant 0 : i32
    %while3A_242 = arith.subi %squeeze3A_56, %while3A_241 : i32
    %while3A_243 = arith.addi %while3A_241, %while3A_242 : i32
    %while3A_244 = arith.constant 1 : i32
    %while3A_245 = arith.divsi %while3A_242, %while3A_244 : i32
    %while3A_246 = arith.muli %while3A_245, %while3A_244 : i32
    %while3A_247 = arith.addi %while3A_241, %while3A_246 : i32
    %while3A_248 = arith.constant 1 : i32
    scf.for %while3A_255 = %while3A_241 to %while3A_247 step %while3A_248  : i32 {
      %mul3A_256 = arith.constant 128 : i32
      %mul3A_257 = arith.muli %while3A_255, %mul3A_256 : i32
      %dma_start3A_258 = tpu.memref_slice %arg13[%mul3A_257] : memref<8448xi32, #tpu.memory_space<vmem>> -> memref<128xi32, #tpu.memory_space<vmem>>
      %dma_start3A_259 = arith.constant 0 : i32
      %dma_start3A_260 = arith.constant 0 : i32
      %dma_start3A_261 = tpu.memref_slice %arg4[%dma_start3A_259, %dma_start3A_260] : memref<8192x128xf32, #tpu.memory_space<hbm>> -> memref<8192x128xf32, #tpu.memory_space<hbm>>
      tpu.enqueue_indirect_dma source(%dma_start3A_261 : memref<8192x128xf32, #tpu.memory_space<hbm>>) target(%arg15 : memref<128x128xf32, #tpu.memory_space<vmem>>) offsets(%dma_start3A_258 : memref<128xi32, #tpu.memory_space<vmem>>) semaphore(%arg20 : memref<!tpu.dma_semaphore, #tpu.memory_space<semaphore_mem>>)
      %dma_wait3A_262 = tpu.memref_slice %arg13[%mul3A_257] : memref<8448xi32, #tpu.memory_space<vmem>> -> memref<128xi32, #tpu.memory_space<vmem>>
      %dma_wait3A_263 = arith.constant 0 : i32
      %dma_wait3A_264 = arith.constant 0 : i32
      %dma_wait3A_265 = tpu.memref_slice %arg4[%dma_wait3A_263, %dma_wait3A_264] : memref<8192x128xf32, #tpu.memory_space<hbm>> -> memref<8192x128xf32, #tpu.memory_space<hbm>>
      tpu.wait_indirect_dma semaphore(%arg20 : memref<!tpu.dma_semaphore, #tpu.memory_space<semaphore_mem>>) src(%dma_wait3A_265 : memref<8192x128xf32, #tpu.memory_space<hbm>>) dst(%arg15 : memref<128x128xf32, #tpu.memory_space<vmem>>)
      %mul3A_266 = arith.constant 128 : i32
      %mul3A_267 = arith.muli %while3A_255, %mul3A_266 : i32
      %add3A_268 = arith.constant 0 : i32
      %add3A_269 = arith.addi %mul3A_267, %add3A_268 : i32
      %get3A_270 = arith.index_cast %add3A_269 : i32 to index
      %get3A_271 = tpu.vector_load %arg14[%get3A_270] {strides = array<i32>} : memref<8448xi32, #tpu.memory_space<vmem>>, vector<16xi32>,
      %get3A_272 = vector.shape_cast %get3A_271 : vector<16xi32> to vector<16xi32>
      "tpu.region"() ({
        %run_scoped3A = tpu.sem_alloc : memref<!tpu.dma_semaphore, #tpu.memory_space<semaphore_mem>>
        %dma_start3A_322 = arith.constant 0 : i32
        %dma_start3A_323 = arith.constant 0 : i32
        %dma_start3A_324 = tpu.memref_slice %arg15[%dma_start3A_322, %dma_start3A_323] : memref<128x128xf32, #tpu.memory_space<vmem>> -> memref<16x128xf32, #tpu.memory_space<vmem>>
        %dma_start3A_325 = arith.constant 0 : i32
        %dma_start3A_326 = arith.constant 0 : i32
        %dma_start3A_327 = tpu.memref_slice %arg17[%dma_start3A_325, %dma_start3A_326] : memref<1040x128xf32, #tpu.memory_space<vmem_shared>> -> memref<1040x128xf32, #tpu.memory_space<vmem_shared>>
        tpu.enqueue_indirect_dma source(%dma_start3A_324 : memref<16x128xf32, #tpu.memory_space<vmem>>) target(%dma_start3A_327 : memref<1040x128xf32, #tpu.memory_space<vmem_shared>>) offsets(%get3A_272 : vector<16xi32>) semaphore(%run_scoped3A : memref<!tpu.dma_semaphore, #tpu.memory_space<semaphore_mem>>) {add = true}
        %dma_wait3A_328 = arith.constant 0 : i32
        %dma_wait3A_329 = arith.constant 0 : i32
        %dma_wait3A_330 = tpu.memref_slice %arg15[%dma_wait3A_328, %dma_wait3A_329] : memref<128x128xf32, #tpu.memory_space<vmem>> -> memref<16x128xf32, #tpu.memory_space<vmem>>
        %dma_wait3A_331 = arith.constant 0 : i32
        %dma_wait3A_332 = arith.constant 0 : i32
        %dma_wait3A_333 = tpu.memref_slice %arg17[%dma_wait3A_331, %dma_wait3A_332] : memref<1040x128xf32, #tpu.memory_space<vmem_shared>> -> memref<1040x128xf32, #tpu.memory_space<vmem_shared>>
        tpu.wait_indirect_dma semaphore(%run_scoped3A : memref<!tpu.dma_semaphore, #tpu.memory_space<semaphore_mem>>) src(%dma_wait3A_330 : memref<16x128xf32, #tpu.memory_space<vmem>>) dst(%dma_wait3A_333 : memref<1040x128xf32, #tpu.memory_space<vmem_shared>>)
        tpu.yield
      }) : () -> ()
      %mul3A_273 = arith.constant 128 : i32
      %mul3A_274 = arith.muli %while3A_255, %mul3A_273 : i32
      %add3A_275 = arith.constant 16 : i32
      %add3A_276 = arith.addi %mul3A_274, %add3A_275 : i32
      %get3A_277 = arith.index_cast %add3A_276 : i32 to index
      %get3A_278 = tpu.vector_load %arg14[%get3A_277] {strides = array<i32>} : memref<8448xi32, #tpu.memory_space<vmem>>, vector<16xi32>,
      %get3A_279 = vector.shape_cast %get3A_278 : vector<16xi32> to vector<16xi32>
      "tpu.region"() ({
        %run_scoped3A = tpu.sem_alloc : memref<!tpu.dma_semaphore, #tpu.memory_space<semaphore_mem>>
        %dma_start3A_322 = arith.constant 16 : i32
        %dma_start3A_323 = arith.constant 0 : i32
        %dma_start3A_324 = tpu.memref_slice %arg15[%dma_start3A_322, %dma_start3A_323] : memref<128x128xf32, #tpu.memory_space<vmem>> -> memref<16x128xf32, #tpu.memory_space<vmem>>
        %dma_start3A_325 = arith.constant 0 : i32
        %dma_start3A_326 = arith.constant 0 : i32
        %dma_start3A_327 = tpu.memref_slice %arg17[%dma_start3A_325, %dma_start3A_326] : memref<1040x128xf32, #tpu.memory_space<vmem_shared>> -> memref<1040x128xf32, #tpu.memory_space<vmem_shared>>
        tpu.enqueue_indirect_dma source(%dma_start3A_324 : memref<16x128xf32, #tpu.memory_space<vmem>>) target(%dma_start3A_327 : memref<1040x128xf32, #tpu.memory_space<vmem_shared>>) offsets(%get3A_279 : vector<16xi32>) semaphore(%run_scoped3A : memref<!tpu.dma_semaphore, #tpu.memory_space<semaphore_mem>>) {add = true}
        %dma_wait3A_328 = arith.constant 16 : i32
        %dma_wait3A_329 = arith.constant 0 : i32
        %dma_wait3A_330 = tpu.memref_slice %arg15[%dma_wait3A_328, %dma_wait3A_329] : memref<128x128xf32, #tpu.memory_space<vmem>> -> memref<16x128xf32, #tpu.memory_space<vmem>>
        %dma_wait3A_331 = arith.constant 0 : i32
        %dma_wait3A_332 = arith.constant 0 : i32
        %dma_wait3A_333 = tpu.memref_slice %arg17[%dma_wait3A_331, %dma_wait3A_332] : memref<1040x128xf32, #tpu.memory_space<vmem_shared>> -> memref<1040x128xf32, #tpu.memory_space<vmem_shared>>
        tpu.wait_indirect_dma semaphore(%run_scoped3A : memref<!tpu.dma_semaphore, #tpu.memory_space<semaphore_mem>>) src(%dma_wait3A_330 : memref<16x128xf32, #tpu.memory_space<vmem>>) dst(%dma_wait3A_333 : memref<1040x128xf32, #tpu.memory_space<vmem_shared>>)
        tpu.yield
      }) : () -> ()
      %mul3A_280 = arith.constant 128 : i32
      %mul3A_281 = arith.muli %while3A_255, %mul3A_280 : i32
      %add3A_282 = arith.constant 32 : i32
      %add3A_283 = arith.addi %mul3A_281, %add3A_282 : i32
      %get3A_284 = arith.index_cast %add3A_283 : i32 to index
      %get3A_285 = tpu.vector_load %arg14[%get3A_284] {strides = array<i32>} : memref<8448xi32, #tpu.memory_space<vmem>>, vector<16xi32>,
      %get3A_286 = vector.shape_cast %get3A_285 : vector<16xi32> to vector<16xi32>
      "tpu.region"() ({
        %run_scoped3A = tpu.sem_alloc : memref<!tpu.dma_semaphore, #tpu.memory_space<semaphore_mem>>
        %dma_start3A_322 = arith.constant 32 : i32
        %dma_start3A_323 = arith.constant 0 : i32
        %dma_start3A_324 = tpu.memref_slice %arg15[%dma_start3A_322, %dma_start3A_323] : memref<128x128xf32, #tpu.memory_space<vmem>> -> memref<16x128xf32, #tpu.memory_space<vmem>>
        %dma_start3A_325 = arith.constant 0 : i32
        %dma_start3A_326 = arith.constant 0 : i32
        %dma_start3A_327 = tpu.memref_slice %arg17[%dma_start3A_325, %dma_start3A_326] : memref<1040x128xf32, #tpu.memory_space<vmem_shared>> -> memref<1040x128xf32, #tpu.memory_space<vmem_shared>>
        tpu.enqueue_indirect_dma source(%dma_start3A_324 : memref<16x128xf32, #tpu.memory_space<vmem>>) target(%dma_start3A_327 : memref<1040x128xf32, #tpu.memory_space<vmem_shared>>) offsets(%get3A_286 : vector<16xi32>) semaphore(%run_scoped3A : memref<!tpu.dma_semaphore, #tpu.memory_space<semaphore_mem>>) {add = true}
        %dma_wait3A_328 = arith.constant 32 : i32
        %dma_wait3A_329 = arith.constant 0 : i32
        %dma_wait3A_330 = tpu.memref_slice %arg15[%dma_wait3A_328, %dma_wait3A_329] : memref<128x128xf32, #tpu.memory_space<vmem>> -> memref<16x128xf32, #tpu.memory_space<vmem>>
        %dma_wait3A_331 = arith.constant 0 : i32
        %dma_wait3A_332 = arith.constant 0 : i32
        %dma_wait3A_333 = tpu.memref_slice %arg17[%dma_wait3A_331, %dma_wait3A_332] : memref<1040x128xf32, #tpu.memory_space<vmem_shared>> -> memref<1040x128xf32, #tpu.memory_space<vmem_shared>>
        tpu.wait_indirect_dma semaphore(%run_scoped3A : memref<!tpu.dma_semaphore, #tpu.memory_space<semaphore_mem>>) src(%dma_wait3A_330 : memref<16x128xf32, #tpu.memory_space<vmem>>) dst(%dma_wait3A_333 : memref<1040x128xf32, #tpu.memory_space<vmem_shared>>)
        tpu.yield
      }) : () -> ()
      %mul3A_287 = arith.constant 128 : i32
      %mul3A_288 = arith.muli %while3A_255, %mul3A_287 : i32
      %add3A_289 = arith.constant 48 : i32
      %add3A_290 = arith.addi %mul3A_288, %add3A_289 : i32
      %get3A_291 = arith.index_cast %add3A_290 : i32 to index
      %get3A_292 = tpu.vector_load %arg14[%get3A_291] {strides = array<i32>} : memref<8448xi32, #tpu.memory_space<vmem>>, vector<16xi32>,
      %get3A_293 = vector.shape_cast %get3A_292 : vector<16xi32> to vector<16xi32>
      "tpu.region"() ({
        %run_scoped3A = tpu.sem_alloc : memref<!tpu.dma_semaphore, #tpu.memory_space<semaphore_mem>>
        %dma_start3A_322 = arith.constant 48 : i32
        %dma_start3A_323 = arith.constant 0 : i32
        %dma_start3A_324 = tpu.memref_slice %arg15[%dma_start3A_322, %dma_start3A_323] : memref<128x128xf32, #tpu.memory_space<vmem>> -> memref<16x128xf32, #tpu.memory_space<vmem>>
        %dma_start3A_325 = arith.constant 0 : i32
        %dma_start3A_326 = arith.constant 0 : i32
        %dma_start3A_327 = tpu.memref_slice %arg17[%dma_start3A_325, %dma_start3A_326] : memref<1040x128xf32, #tpu.memory_space<vmem_shared>> -> memref<1040x128xf32, #tpu.memory_space<vmem_shared>>
        tpu.enqueue_indirect_dma source(%dma_start3A_324 : memref<16x128xf32, #tpu.memory_space<vmem>>) target(%dma_start3A_327 : memref<1040x128xf32, #tpu.memory_space<vmem_shared>>) offsets(%get3A_293 : vector<16xi32>) semaphore(%run_scoped3A : memref<!tpu.dma_semaphore, #tpu.memory_space<semaphore_mem>>) {add = true}
        %dma_wait3A_328 = arith.constant 48 : i32
        %dma_wait3A_329 = arith.constant 0 : i32
        %dma_wait3A_330 = tpu.memref_slice %arg15[%dma_wait3A_328, %dma_wait3A_329] : memref<128x128xf32, #tpu.memory_space<vmem>> -> memref<16x128xf32, #tpu.memory_space<vmem>>
        %dma_wait3A_331 = arith.constant 0 : i32
        %dma_wait3A_332 = arith.constant 0 : i32
        %dma_wait3A_333 = tpu.memref_slice %arg17[%dma_wait3A_331, %dma_wait3A_332] : memref<1040x128xf32, #tpu.memory_space<vmem_shared>> -> memref<1040x128xf32, #tpu.memory_space<vmem_shared>>
        tpu.wait_indirect_dma semaphore(%run_scoped3A : memref<!tpu.dma_semaphore, #tpu.memory_space<semaphore_mem>>) src(%dma_wait3A_330 : memref<16x128xf32, #tpu.memory_space<vmem>>) dst(%dma_wait3A_333 : memref<1040x128xf32, #tpu.memory_space<vmem_shared>>)
        tpu.yield
      }) : () -> ()
      %mul3A_294 = arith.constant 128 : i32
      %mul3A_295 = arith.muli %while3A_255, %mul3A_294 : i32
      %add3A_296 = arith.constant 64 : i32
      %add3A_297 = arith.addi %mul3A_295, %add3A_296 : i32
      %get3A_298 = arith.index_cast %add3A_297 : i32 to index
      %get3A_299 = tpu.vector_load %arg14[%get3A_298] {strides = array<i32>} : memref<8448xi32, #tpu.memory_space<vmem>>, vector<16xi32>,
      %get3A_300 = vector.shape_cast %get3A_299 : vector<16xi32> to vector<16xi32>
      "tpu.region"() ({
        %run_scoped3A = tpu.sem_alloc : memref<!tpu.dma_semaphore, #tpu.memory_space<semaphore_mem>>
        %dma_start3A_322 = arith.constant 64 : i32
        %dma_start3A_323 = arith.constant 0 : i32
        %dma_start3A_324 = tpu.memref_slice %arg15[%dma_start3A_322, %dma_start3A_323] : memref<128x128xf32, #tpu.memory_space<vmem>> -> memref<16x128xf32, #tpu.memory_space<vmem>>
        %dma_start3A_325 = arith.constant 0 : i32
        %dma_start3A_326 = arith.constant 0 : i32
        %dma_start3A_327 = tpu.memref_slice %arg17[%dma_start3A_325, %dma_start3A_326] : memref<1040x128xf32, #tpu.memory_space<vmem_shared>> -> memref<1040x128xf32, #tpu.memory_space<vmem_shared>>
        tpu.enqueue_indirect_dma source(%dma_start3A_324 : memref<16x128xf32, #tpu.memory_space<vmem>>) target(%dma_start3A_327 : memref<1040x128xf32, #tpu.memory_space<vmem_shared>>) offsets(%get3A_300 : vector<16xi32>) semaphore(%run_scoped3A : memref<!tpu.dma_semaphore, #tpu.memory_space<semaphore_mem>>) {add = true}
        %dma_wait3A_328 = arith.constant 64 : i32
        %dma_wait3A_329 = arith.constant 0 : i32
        %dma_wait3A_330 = tpu.memref_slice %arg15[%dma_wait3A_328, %dma_wait3A_329] : memref<128x128xf32, #tpu.memory_space<vmem>> -> memref<16x128xf32, #tpu.memory_space<vmem>>
        %dma_wait3A_331 = arith.constant 0 : i32
        %dma_wait3A_332 = arith.constant 0 : i32
        %dma_wait3A_333 = tpu.memref_slice %arg17[%dma_wait3A_331, %dma_wait3A_332] : memref<1040x128xf32, #tpu.memory_space<vmem_shared>> -> memref<1040x128xf32, #tpu.memory_space<vmem_shared>>
        tpu.wait_indirect_dma semaphore(%run_scoped3A : memref<!tpu.dma_semaphore, #tpu.memory_space<semaphore_mem>>) src(%dma_wait3A_330 : memref<16x128xf32, #tpu.memory_space<vmem>>) dst(%dma_wait3A_333 : memref<1040x128xf32, #tpu.memory_space<vmem_shared>>)
        tpu.yield
      }) : () -> ()
      %mul3A_301 = arith.constant 128 : i32
      %mul3A_302 = arith.muli %while3A_255, %mul3A_301 : i32
      %add3A_303 = arith.constant 80 : i32
      %add3A_304 = arith.addi %mul3A_302, %add3A_303 : i32
      %get3A_305 = arith.index_cast %add3A_304 : i32 to index
      %get3A_306 = tpu.vector_load %arg14[%get3A_305] {strides = array<i32>} : memref<8448xi32, #tpu.memory_space<vmem>>, vector<16xi32>,
      %get3A_307 = vector.shape_cast %get3A_306 : vector<16xi32> to vector<16xi32>
      "tpu.region"() ({
        %run_scoped3A = tpu.sem_alloc : memref<!tpu.dma_semaphore, #tpu.memory_space<semaphore_mem>>
        %dma_start3A_322 = arith.constant 80 : i32
        %dma_start3A_323 = arith.constant 0 : i32
        %dma_start3A_324 = tpu.memref_slice %arg15[%dma_start3A_322, %dma_start3A_323] : memref<128x128xf32, #tpu.memory_space<vmem>> -> memref<16x128xf32, #tpu.memory_space<vmem>>
        %dma_start3A_325 = arith.constant 0 : i32
        %dma_start3A_326 = arith.constant 0 : i32
        %dma_start3A_327 = tpu.memref_slice %arg17[%dma_start3A_325, %dma_start3A_326] : memref<1040x128xf32, #tpu.memory_space<vmem_shared>> -> memref<1040x128xf32, #tpu.memory_space<vmem_shared>>
        tpu.enqueue_indirect_dma source(%dma_start3A_324 : memref<16x128xf32, #tpu.memory_space<vmem>>) target(%dma_start3A_327 : memref<1040x128xf32, #tpu.memory_space<vmem_shared>>) offsets(%get3A_307 : vector<16xi32>) semaphore(%run_scoped3A : memref<!tpu.dma_semaphore, #tpu.memory_space<semaphore_mem>>) {add = true}
        %dma_wait3A_328 = arith.constant 80 : i32
        %dma_wait3A_329 = arith.constant 0 : i32
        %dma_wait3A_330 = tpu.memref_slice %arg15[%dma_wait3A_328, %dma_wait3A_329] : memref<128x128xf32, #tpu.memory_space<vmem>> -> memref<16x128xf32, #tpu.memory_space<vmem>>
        %dma_wait3A_331 = arith.constant 0 : i32
        %dma_wait3A_332 = arith.constant 0 : i32
        %dma_wait3A_333 = tpu.memref_slice %arg17[%dma_wait3A_331, %dma_wait3A_332] : memref<1040x128xf32, #tpu.memory_space<vmem_shared>> -> memref<1040x128xf32, #tpu.memory_space<vmem_shared>>
        tpu.wait_indirect_dma semaphore(%run_scoped3A : memref<!tpu.dma_semaphore, #tpu.memory_space<semaphore_mem>>) src(%dma_wait3A_330 : memref<16x128xf32, #tpu.memory_space<vmem>>) dst(%dma_wait3A_333 : memref<1040x128xf32, #tpu.memory_space<vmem_shared>>)
        tpu.yield
      }) : () -> ()
      %mul3A_308 = arith.constant 128 : i32
      %mul3A_309 = arith.muli %while3A_255, %mul3A_308 : i32
      %add3A_310 = arith.constant 96 : i32
      %add3A_311 = arith.addi %mul3A_309, %add3A_310 : i32
      %get3A_312 = arith.index_cast %add3A_311 : i32 to index
      %get3A_313 = tpu.vector_load %arg14[%get3A_312] {strides = array<i32>} : memref<8448xi32, #tpu.memory_space<vmem>>, vector<16xi32>,
      %get3A_314 = vector.shape_cast %get3A_313 : vector<16xi32> to vector<16xi32>
      "tpu.region"() ({
        %run_scoped3A = tpu.sem_alloc : memref<!tpu.dma_semaphore, #tpu.memory_space<semaphore_mem>>
        %dma_start3A_322 = arith.constant 96 : i32
        %dma_start3A_323 = arith.constant 0 : i32
        %dma_start3A_324 = tpu.memref_slice %arg15[%dma_start3A_322, %dma_start3A_323] : memref<128x128xf32, #tpu.memory_space<vmem>> -> memref<16x128xf32, #tpu.memory_space<vmem>>
        %dma_start3A_325 = arith.constant 0 : i32
        %dma_start3A_326 = arith.constant 0 : i32
        %dma_start3A_327 = tpu.memref_slice %arg17[%dma_start3A_325, %dma_start3A_326] : memref<1040x128xf32, #tpu.memory_space<vmem_shared>> -> memref<1040x128xf32, #tpu.memory_space<vmem_shared>>
        tpu.enqueue_indirect_dma source(%dma_start3A_324 : memref<16x128xf32, #tpu.memory_space<vmem>>) target(%dma_start3A_327 : memref<1040x128xf32, #tpu.memory_space<vmem_shared>>) offsets(%get3A_314 : vector<16xi32>) semaphore(%run_scoped3A : memref<!tpu.dma_semaphore, #tpu.memory_space<semaphore_mem>>) {add = true}
        %dma_wait3A_328 = arith.constant 96 : i32
        %dma_wait3A_329 = arith.constant 0 : i32
        %dma_wait3A_330 = tpu.memref_slice %arg15[%dma_wait3A_328, %dma_wait3A_329] : memref<128x128xf32, #tpu.memory_space<vmem>> -> memref<16x128xf32, #tpu.memory_space<vmem>>
        %dma_wait3A_331 = arith.constant 0 : i32
        %dma_wait3A_332 = arith.constant 0 : i32
        %dma_wait3A_333 = tpu.memref_slice %arg17[%dma_wait3A_331, %dma_wait3A_332] : memref<1040x128xf32, #tpu.memory_space<vmem_shared>> -> memref<1040x128xf32, #tpu.memory_space<vmem_shared>>
        tpu.wait_indirect_dma semaphore(%run_scoped3A : memref<!tpu.dma_semaphore, #tpu.memory_space<semaphore_mem>>) src(%dma_wait3A_330 : memref<16x128xf32, #tpu.memory_space<vmem>>) dst(%dma_wait3A_333 : memref<1040x128xf32, #tpu.memory_space<vmem_shared>>)
        tpu.yield
      }) : () -> ()
      %mul3A_315 = arith.constant 128 : i32
      %mul3A_316 = arith.muli %while3A_255, %mul3A_315 : i32
      %add3A_317 = arith.constant 112 : i32
      %add3A_318 = arith.addi %mul3A_316, %add3A_317 : i32
      %get3A_319 = arith.index_cast %add3A_318 : i32 to index
      %get3A_320 = tpu.vector_load %arg14[%get3A_319] {strides = array<i32>} : memref<8448xi32, #tpu.memory_space<vmem>>, vector<16xi32>,
      %get3A_321 = vector.shape_cast %get3A_320 : vector<16xi32> to vector<16xi32>
      "tpu.region"() ({
        %run_scoped3A = tpu.sem_alloc : memref<!tpu.dma_semaphore, #tpu.memory_space<semaphore_mem>>
        %dma_start3A_322 = arith.constant 112 : i32
        %dma_start3A_323 = arith.constant 0 : i32
        %dma_start3A_324 = tpu.memref_slice %arg15[%dma_start3A_322, %dma_start3A_323] : memref<128x128xf32, #tpu.memory_space<vmem>> -> memref<16x128xf32, #tpu.memory_space<vmem>>
        %dma_start3A_325 = arith.constant 0 : i32
        %dma_start3A_326 = arith.constant 0 : i32
        %dma_start3A_327 = tpu.memref_slice %arg17[%dma_start3A_325, %dma_start3A_326] : memref<1040x128xf32, #tpu.memory_space<vmem_shared>> -> memref<1040x128xf32, #tpu.memory_space<vmem_shared>>
        tpu.enqueue_indirect_dma source(%dma_start3A_324 : memref<16x128xf32, #tpu.memory_space<vmem>>) target(%dma_start3A_327 : memref<1040x128xf32, #tpu.memory_space<vmem_shared>>) offsets(%get3A_321 : vector<16xi32>) semaphore(%run_scoped3A : memref<!tpu.dma_semaphore, #tpu.memory_space<semaphore_mem>>) {add = true}
        %dma_wait3A_328 = arith.constant 112 : i32
        %dma_wait3A_329 = arith.constant 0 : i32
        %dma_wait3A_330 = tpu.memref_slice %arg15[%dma_wait3A_328, %dma_wait3A_329] : memref<128x128xf32, #tpu.memory_space<vmem>> -> memref<16x128xf32, #tpu.memory_space<vmem>>
        %dma_wait3A_331 = arith.constant 0 : i32
        %dma_wait3A_332 = arith.constant 0 : i32
        %dma_wait3A_333 = tpu.memref_slice %arg17[%dma_wait3A_331, %dma_wait3A_332] : memref<1040x128xf32, #tpu.memory_space<vmem_shared>> -> memref<1040x128xf32, #tpu.memory_space<vmem_shared>>
        tpu.wait_indirect_dma semaphore(%run_scoped3A : memref<!tpu.dma_semaphore, #tpu.memory_space<semaphore_mem>>) src(%dma_wait3A_330 : memref<16x128xf32, #tpu.memory_space<vmem>>) dst(%dma_wait3A_333 : memref<1040x128xf32, #tpu.memory_space<vmem_shared>>)
        tpu.yield
      }) : () -> ()
    }
    %while3A_249 = arith.constant 1 : i32
    scf.for %while3A_255 = %while3A_247 to %while3A_243 step %while3A_249  : i32 {
      %mul3A_256 = arith.constant 128 : i32
      %mul3A_257 = arith.muli %while3A_255, %mul3A_256 : i32
      %dma_start3A_258 = tpu.memref_slice %arg13[%mul3A_257] : memref<8448xi32, #tpu.memory_space<vmem>> -> memref<128xi32, #tpu.memory_space<vmem>>
      %dma_start3A_259 = arith.constant 0 : i32
      %dma_start3A_260 = arith.constant 0 : i32
      %dma_start3A_261 = tpu.memref_slice %arg4[%dma_start3A_259, %dma_start3A_260] : memref<8192x128xf32, #tpu.memory_space<hbm>> -> memref<8192x128xf32, #tpu.memory_space<hbm>>
      tpu.enqueue_indirect_dma source(%dma_start3A_261 : memref<8192x128xf32, #tpu.memory_space<hbm>>) target(%arg15 : memref<128x128xf32, #tpu.memory_space<vmem>>) offsets(%dma_start3A_258 : memref<128xi32, #tpu.memory_space<vmem>>) semaphore(%arg20 : memref<!tpu.dma_semaphore, #tpu.memory_space<semaphore_mem>>)
      %dma_wait3A_262 = tpu.memref_slice %arg13[%mul3A_257] : memref<8448xi32, #tpu.memory_space<vmem>> -> memref<128xi32, #tpu.memory_space<vmem>>
      %dma_wait3A_263 = arith.constant 0 : i32
      %dma_wait3A_264 = arith.constant 0 : i32
      %dma_wait3A_265 = tpu.memref_slice %arg4[%dma_wait3A_263, %dma_wait3A_264] : memref<8192x128xf32, #tpu.memory_space<hbm>> -> memref<8192x128xf32, #tpu.memory_space<hbm>>
      tpu.wait_indirect_dma semaphore(%arg20 : memref<!tpu.dma_semaphore, #tpu.memory_space<semaphore_mem>>) src(%dma_wait3A_265 : memref<8192x128xf32, #tpu.memory_space<hbm>>) dst(%arg15 : memref<128x128xf32, #tpu.memory_space<vmem>>)
      %mul3A_266 = arith.constant 128 : i32
      %mul3A_267 = arith.muli %while3A_255, %mul3A_266 : i32
      %add3A_268 = arith.constant 0 : i32
      %add3A_269 = arith.addi %mul3A_267, %add3A_268 : i32
      %get3A_270 = arith.index_cast %add3A_269 : i32 to index
      %get3A_271 = tpu.vector_load %arg14[%get3A_270] {strides = array<i32>} : memref<8448xi32, #tpu.memory_space<vmem>>, vector<16xi32>,
      %get3A_272 = vector.shape_cast %get3A_271 : vector<16xi32> to vector<16xi32>
      "tpu.region"() ({
        %run_scoped3A = tpu.sem_alloc : memref<!tpu.dma_semaphore, #tpu.memory_space<semaphore_mem>>
        %dma_start3A_322 = arith.constant 0 : i32
        %dma_start3A_323 = arith.constant 0 : i32
        %dma_start3A_324 = tpu.memref_slice %arg15[%dma_start3A_322, %dma_start3A_323] : memref<128x128xf32, #tpu.memory_space<vmem>> -> memref<16x128xf32, #tpu.memory_space<vmem>>
        %dma_start3A_325 = arith.constant 0 : i32
        %dma_start3A_326 = arith.constant 0 : i32
        %dma_start3A_327 = tpu.memref_slice %arg17[%dma_start3A_325, %dma_start3A_326] : memref<1040x128xf32, #tpu.memory_space<vmem_shared>> -> memref<1040x128xf32, #tpu.memory_space<vmem_shared>>
        tpu.enqueue_indirect_dma source(%dma_start3A_324 : memref<16x128xf32, #tpu.memory_space<vmem>>) target(%dma_start3A_327 : memref<1040x128xf32, #tpu.memory_space<vmem_shared>>) offsets(%get3A_272 : vector<16xi32>) semaphore(%run_scoped3A : memref<!tpu.dma_semaphore, #tpu.memory_space<semaphore_mem>>) {add = true}
        %dma_wait3A_328 = arith.constant 0 : i32
        %dma_wait3A_329 = arith.constant 0 : i32
        %dma_wait3A_330 = tpu.memref_slice %arg15[%dma_wait3A_328, %dma_wait3A_329] : memref<128x128xf32, #tpu.memory_space<vmem>> -> memref<16x128xf32, #tpu.memory_space<vmem>>
        %dma_wait3A_331 = arith.constant 0 : i32
        %dma_wait3A_332 = arith.constant 0 : i32
        %dma_wait3A_333 = tpu.memref_slice %arg17[%dma_wait3A_331, %dma_wait3A_332] : memref<1040x128xf32, #tpu.memory_space<vmem_shared>> -> memref<1040x128xf32, #tpu.memory_space<vmem_shared>>
        tpu.wait_indirect_dma semaphore(%run_scoped3A : memref<!tpu.dma_semaphore, #tpu.memory_space<semaphore_mem>>) src(%dma_wait3A_330 : memref<16x128xf32, #tpu.memory_space<vmem>>) dst(%dma_wait3A_333 : memref<1040x128xf32, #tpu.memory_space<vmem_shared>>)
        tpu.yield
      }) : () -> ()
      %mul3A_273 = arith.constant 128 : i32
      %mul3A_274 = arith.muli %while3A_255, %mul3A_273 : i32
      %add3A_275 = arith.constant 16 : i32
      %add3A_276 = arith.addi %mul3A_274, %add3A_275 : i32
      %get3A_277 = arith.index_cast %add3A_276 : i32 to index
      %get3A_278 = tpu.vector_load %arg14[%get3A_277] {strides = array<i32>} : memref<8448xi32, #tpu.memory_space<vmem>>, vector<16xi32>,
      %get3A_279 = vector.shape_cast %get3A_278 : vector<16xi32> to vector<16xi32>
      "tpu.region"() ({
        %run_scoped3A = tpu.sem_alloc : memref<!tpu.dma_semaphore, #tpu.memory_space<semaphore_mem>>
        %dma_start3A_322 = arith.constant 16 : i32
        %dma_start3A_323 = arith.constant 0 : i32
        %dma_start3A_324 = tpu.memref_slice %arg15[%dma_start3A_322, %dma_start3A_323] : memref<128x128xf32, #tpu.memory_space<vmem>> -> memref<16x128xf32, #tpu.memory_space<vmem>>
        %dma_start3A_325 = arith.constant 0 : i32
        %dma_start3A_326 = arith.constant 0 : i32
        %dma_start3A_327 = tpu.memref_slice %arg17[%dma_start3A_325, %dma_start3A_326] : memref<1040x128xf32, #tpu.memory_space<vmem_shared>> -> memref<1040x128xf32, #tpu.memory_space<vmem_shared>>
        tpu.enqueue_indirect_dma source(%dma_start3A_324 : memref<16x128xf32, #tpu.memory_space<vmem>>) target(%dma_start3A_327 : memref<1040x128xf32, #tpu.memory_space<vmem_shared>>) offsets(%get3A_279 : vector<16xi32>) semaphore(%run_scoped3A : memref<!tpu.dma_semaphore, #tpu.memory_space<semaphore_mem>>) {add = true}
        %dma_wait3A_328 = arith.constant 16 : i32
        %dma_wait3A_329 = arith.constant 0 : i32
        %dma_wait3A_330 = tpu.memref_slice %arg15[%dma_wait3A_328, %dma_wait3A_329] : memref<128x128xf32, #tpu.memory_space<vmem>> -> memref<16x128xf32, #tpu.memory_space<vmem>>
        %dma_wait3A_331 = arith.constant 0 : i32
        %dma_wait3A_332 = arith.constant 0 : i32
        %dma_wait3A_333 = tpu.memref_slice %arg17[%dma_wait3A_331, %dma_wait3A_332] : memref<1040x128xf32, #tpu.memory_space<vmem_shared>> -> memref<1040x128xf32, #tpu.memory_space<vmem_shared>>
        tpu.wait_indirect_dma semaphore(%run_scoped3A : memref<!tpu.dma_semaphore, #tpu.memory_space<semaphore_mem>>) src(%dma_wait3A_330 : memref<16x128xf32, #tpu.memory_space<vmem>>) dst(%dma_wait3A_333 : memref<1040x128xf32, #tpu.memory_space<vmem_shared>>)
        tpu.yield
      }) : () -> ()
      %mul3A_280 = arith.constant 128 : i32
      %mul3A_281 = arith.muli %while3A_255, %mul3A_280 : i32
      %add3A_282 = arith.constant 32 : i32
      %add3A_283 = arith.addi %mul3A_281, %add3A_282 : i32
      %get3A_284 = arith.index_cast %add3A_283 : i32 to index
      %get3A_285 = tpu.vector_load %arg14[%get3A_284] {strides = array<i32>} : memref<8448xi32, #tpu.memory_space<vmem>>, vector<16xi32>,
      %get3A_286 = vector.shape_cast %get3A_285 : vector<16xi32> to vector<16xi32>
      "tpu.region"() ({
        %run_scoped3A = tpu.sem_alloc : memref<!tpu.dma_semaphore, #tpu.memory_space<semaphore_mem>>
        %dma_start3A_322 = arith.constant 32 : i32
        %dma_start3A_323 = arith.constant 0 : i32
        %dma_start3A_324 = tpu.memref_slice %arg15[%dma_start3A_322, %dma_start3A_323] : memref<128x128xf32, #tpu.memory_space<vmem>> -> memref<16x128xf32, #tpu.memory_space<vmem>>
        %dma_start3A_325 = arith.constant 0 : i32
        %dma_start3A_326 = arith.constant 0 : i32
        %dma_start3A_327 = tpu.memref_slice %arg17[%dma_start3A_325, %dma_start3A_326] : memref<1040x128xf32, #tpu.memory_space<vmem_shared>> -> memref<1040x128xf32, #tpu.memory_space<vmem_shared>>
        tpu.enqueue_indirect_dma source(%dma_start3A_324 : memref<16x128xf32, #tpu.memory_space<vmem>>) target(%dma_start3A_327 : memref<1040x128xf32, #tpu.memory_space<vmem_shared>>) offsets(%get3A_286 : vector<16xi32>) semaphore(%run_scoped3A : memref<!tpu.dma_semaphore, #tpu.memory_space<semaphore_mem>>) {add = true}
        %dma_wait3A_328 = arith.constant 32 : i32
        %dma_wait3A_329 = arith.constant 0 : i32
        %dma_wait3A_330 = tpu.memref_slice %arg15[%dma_wait3A_328, %dma_wait3A_329] : memref<128x128xf32, #tpu.memory_space<vmem>> -> memref<16x128xf32, #tpu.memory_space<vmem>>
        %dma_wait3A_331 = arith.constant 0 : i32
        %dma_wait3A_332 = arith.constant 0 : i32
        %dma_wait3A_333 = tpu.memref_slice %arg17[%dma_wait3A_331, %dma_wait3A_332] : memref<1040x128xf32, #tpu.memory_space<vmem_shared>> -> memref<1040x128xf32, #tpu.memory_space<vmem_shared>>
        tpu.wait_indirect_dma semaphore(%run_scoped3A : memref<!tpu.dma_semaphore, #tpu.memory_space<semaphore_mem>>) src(%dma_wait3A_330 : memref<16x128xf32, #tpu.memory_space<vmem>>) dst(%dma_wait3A_333 : memref<1040x128xf32, #tpu.memory_space<vmem_shared>>)
        tpu.yield
      }) : () -> ()
      %mul3A_287 = arith.constant 128 : i32
      %mul3A_288 = arith.muli %while3A_255, %mul3A_287 : i32
      %add3A_289 = arith.constant 48 : i32
      %add3A_290 = arith.addi %mul3A_288, %add3A_289 : i32
      %get3A_291 = arith.index_cast %add3A_290 : i32 to index
      %get3A_292 = tpu.vector_load %arg14[%get3A_291] {strides = array<i32>} : memref<8448xi32, #tpu.memory_space<vmem>>, vector<16xi32>,
      %get3A_293 = vector.shape_cast %get3A_292 : vector<16xi32> to vector<16xi32>
      "tpu.region"() ({
        %run_scoped3A = tpu.sem_alloc : memref<!tpu.dma_semaphore, #tpu.memory_space<semaphore_mem>>
        %dma_start3A_322 = arith.constant 48 : i32
        %dma_start3A_323 = arith.constant 0 : i32
        %dma_start3A_324 = tpu.memref_slice %arg15[%dma_start3A_322, %dma_start3A_323] : memref<128x128xf32, #tpu.memory_space<vmem>> -> memref<16x128xf32, #tpu.memory_space<vmem>>
        %dma_start3A_325 = arith.constant 0 : i32
        %dma_start3A_326 = arith.constant 0 : i32
        %dma_start3A_327 = tpu.memref_slice %arg17[%dma_start3A_325, %dma_start3A_326] : memref<1040x128xf32, #tpu.memory_space<vmem_shared>> -> memref<1040x128xf32, #tpu.memory_space<vmem_shared>>
        tpu.enqueue_indirect_dma source(%dma_start3A_324 : memref<16x128xf32, #tpu.memory_space<vmem>>) target(%dma_start3A_327 : memref<1040x128xf32, #tpu.memory_space<vmem_shared>>) offsets(%get3A_293 : vector<16xi32>) semaphore(%run_scoped3A : memref<!tpu.dma_semaphore, #tpu.memory_space<semaphore_mem>>) {add = true}
        %dma_wait3A_328 = arith.constant 48 : i32
        %dma_wait3A_329 = arith.constant 0 : i32
        %dma_wait3A_330 = tpu.memref_slice %arg15[%dma_wait3A_328, %dma_wait3A_329] : memref<128x128xf32, #tpu.memory_space<vmem>> -> memref<16x128xf32, #tpu.memory_space<vmem>>
        %dma_wait3A_331 = arith.constant 0 : i32
        %dma_wait3A_332 = arith.constant 0 : i32
        %dma_wait3A_333 = tpu.memref_slice %arg17[%dma_wait3A_331, %dma_wait3A_332] : memref<1040x128xf32, #tpu.memory_space<vmem_shared>> -> memref<1040x128xf32, #tpu.memory_space<vmem_shared>>
        tpu.wait_indirect_dma semaphore(%run_scoped3A : memref<!tpu.dma_semaphore, #tpu.memory_space<semaphore_mem>>) src(%dma_wait3A_330 : memref<16x128xf32, #tpu.memory_space<vmem>>) dst(%dma_wait3A_333 : memref<1040x128xf32, #tpu.memory_space<vmem_shared>>)
        tpu.yield
      }) : () -> ()
      %mul3A_294 = arith.constant 128 : i32
      %mul3A_295 = arith.muli %while3A_255, %mul3A_294 : i32
      %add3A_296 = arith.constant 64 : i32
      %add3A_297 = arith.addi %mul3A_295, %add3A_296 : i32
      %get3A_298 = arith.index_cast %add3A_297 : i32 to index
      %get3A_299 = tpu.vector_load %arg14[%get3A_298] {strides = array<i32>} : memref<8448xi32, #tpu.memory_space<vmem>>, vector<16xi32>,
      %get3A_300 = vector.shape_cast %get3A_299 : vector<16xi32> to vector<16xi32>
      "tpu.region"() ({
        %run_scoped3A = tpu.sem_alloc : memref<!tpu.dma_semaphore, #tpu.memory_space<semaphore_mem>>
        %dma_start3A_322 = arith.constant 64 : i32
        %dma_start3A_323 = arith.constant 0 : i32
        %dma_start3A_324 = tpu.memref_slice %arg15[%dma_start3A_322, %dma_start3A_323] : memref<128x128xf32, #tpu.memory_space<vmem>> -> memref<16x128xf32, #tpu.memory_space<vmem>>
        %dma_start3A_325 = arith.constant 0 : i32
        %dma_start3A_326 = arith.constant 0 : i32
        %dma_start3A_327 = tpu.memref_slice %arg17[%dma_start3A_325, %dma_start3A_326] : memref<1040x128xf32, #tpu.memory_space<vmem_shared>> -> memref<1040x128xf32, #tpu.memory_space<vmem_shared>>
        tpu.enqueue_indirect_dma source(%dma_start3A_324 : memref<16x128xf32, #tpu.memory_space<vmem>>) target(%dma_start3A_327 : memref<1040x128xf32, #tpu.memory_space<vmem_shared>>) offsets(%get3A_300 : vector<16xi32>) semaphore(%run_scoped3A : memref<!tpu.dma_semaphore, #tpu.memory_space<semaphore_mem>>) {add = true}
        %dma_wait3A_328 = arith.constant 64 : i32
        %dma_wait3A_329 = arith.constant 0 : i32
        %dma_wait3A_330 = tpu.memref_slice %arg15[%dma_wait3A_328, %dma_wait3A_329] : memref<128x128xf32, #tpu.memory_space<vmem>> -> memref<16x128xf32, #tpu.memory_space<vmem>>
        %dma_wait3A_331 = arith.constant 0 : i32
        %dma_wait3A_332 = arith.constant 0 : i32
        %dma_wait3A_333 = tpu.memref_slice %arg17[%dma_wait3A_331, %dma_wait3A_332] : memref<1040x128xf32, #tpu.memory_space<vmem_shared>> -> memref<1040x128xf32, #tpu.memory_space<vmem_shared>>
        tpu.wait_indirect_dma semaphore(%run_scoped3A : memref<!tpu.dma_semaphore, #tpu.memory_space<semaphore_mem>>) src(%dma_wait3A_330 : memref<16x128xf32, #tpu.memory_space<vmem>>) dst(%dma_wait3A_333 : memref<1040x128xf32, #tpu.memory_space<vmem_shared>>)
        tpu.yield
      }) : () -> ()
      %mul3A_301 = arith.constant 128 : i32
      %mul3A_302 = arith.muli %while3A_255, %mul3A_301 : i32
      %add3A_303 = arith.constant 80 : i32
      %add3A_304 = arith.addi %mul3A_302, %add3A_303 : i32
      %get3A_305 = arith.index_cast %add3A_304 : i32 to index
      %get3A_306 = tpu.vector_load %arg14[%get3A_305] {strides = array<i32>} : memref<8448xi32, #tpu.memory_space<vmem>>, vector<16xi32>,
      %get3A_307 = vector.shape_cast %get3A_306 : vector<16xi32> to vector<16xi32>
      "tpu.region"() ({
        %run_scoped3A = tpu.sem_alloc : memref<!tpu.dma_semaphore, #tpu.memory_space<semaphore_mem>>
        %dma_start3A_322 = arith.constant 80 : i32
        %dma_start3A_323 = arith.constant 0 : i32
        %dma_start3A_324 = tpu.memref_slice %arg15[%dma_start3A_322, %dma_start3A_323] : memref<128x128xf32, #tpu.memory_space<vmem>> -> memref<16x128xf32, #tpu.memory_space<vmem>>
        %dma_start3A_325 = arith.constant 0 : i32
        %dma_start3A_326 = arith.constant 0 : i32
        %dma_start3A_327 = tpu.memref_slice %arg17[%dma_start3A_325, %dma_start3A_326] : memref<1040x128xf32, #tpu.memory_space<vmem_shared>> -> memref<1040x128xf32, #tpu.memory_space<vmem_shared>>
        tpu.enqueue_indirect_dma source(%dma_start3A_324 : memref<16x128xf32, #tpu.memory_space<vmem>>) target(%dma_start3A_327 : memref<1040x128xf32, #tpu.memory_space<vmem_shared>>) offsets(%get3A_307 : vector<16xi32>) semaphore(%run_scoped3A : memref<!tpu.dma_semaphore, #tpu.memory_space<semaphore_mem>>) {add = true}
        %dma_wait3A_328 = arith.constant 80 : i32
        %dma_wait3A_329 = arith.constant 0 : i32
        %dma_wait3A_330 = tpu.memref_slice %arg15[%dma_wait3A_328, %dma_wait3A_329] : memref<128x128xf32, #tpu.memory_space<vmem>> -> memref<16x128xf32, #tpu.memory_space<vmem>>
        %dma_wait3A_331 = arith.constant 0 : i32
        %dma_wait3A_332 = arith.constant 0 : i32
        %dma_wait3A_333 = tpu.memref_slice %arg17[%dma_wait3A_331, %dma_wait3A_332] : memref<1040x128xf32, #tpu.memory_space<vmem_shared>> -> memref<1040x128xf32, #tpu.memory_space<vmem_shared>>
        tpu.wait_indirect_dma semaphore(%run_scoped3A : memref<!tpu.dma_semaphore, #tpu.memory_space<semaphore_mem>>) src(%dma_wait3A_330 : memref<16x128xf32, #tpu.memory_space<vmem>>) dst(%dma_wait3A_333 : memref<1040x128xf32, #tpu.memory_space<vmem_shared>>)
        tpu.yield
      }) : () -> ()
      %mul3A_308 = arith.constant 128 : i32
      %mul3A_309 = arith.muli %while3A_255, %mul3A_308 : i32
      %add3A_310 = arith.constant 96 : i32
      %add3A_311 = arith.addi %mul3A_309, %add3A_310 : i32
      %get3A_312 = arith.index_cast %add3A_311 : i32 to index
      %get3A_313 = tpu.vector_load %arg14[%get3A_312] {strides = array<i32>} : memref<8448xi32, #tpu.memory_space<vmem>>, vector<16xi32>,
      %get3A_314 = vector.shape_cast %get3A_313 : vector<16xi32> to vector<16xi32>
      "tpu.region"() ({
        %run_scoped3A = tpu.sem_alloc : memref<!tpu.dma_semaphore, #tpu.memory_space<semaphore_mem>>
        %dma_start3A_322 = arith.constant 96 : i32
        %dma_start3A_323 = arith.constant 0 : i32
        %dma_start3A_324 = tpu.memref_slice %arg15[%dma_start3A_322, %dma_start3A_323] : memref<128x128xf32, #tpu.memory_space<vmem>> -> memref<16x128xf32, #tpu.memory_space<vmem>>
        %dma_start3A_325 = arith.constant 0 : i32
        %dma_start3A_326 = arith.constant 0 : i32
        %dma_start3A_327 = tpu.memref_slice %arg17[%dma_start3A_325, %dma_start3A_326] : memref<1040x128xf32, #tpu.memory_space<vmem_shared>> -> memref<1040x128xf32, #tpu.memory_space<vmem_shared>>
        tpu.enqueue_indirect_dma source(%dma_start3A_324 : memref<16x128xf32, #tpu.memory_space<vmem>>) target(%dma_start3A_327 : memref<1040x128xf32, #tpu.memory_space<vmem_shared>>) offsets(%get3A_314 : vector<16xi32>) semaphore(%run_scoped3A : memref<!tpu.dma_semaphore, #tpu.memory_space<semaphore_mem>>) {add = true}
        %dma_wait3A_328 = arith.constant 96 : i32
        %dma_wait3A_329 = arith.constant 0 : i32
        %dma_wait3A_330 = tpu.memref_slice %arg15[%dma_wait3A_328, %dma_wait3A_329] : memref<128x128xf32, #tpu.memory_space<vmem>> -> memref<16x128xf32, #tpu.memory_space<vmem>>
        %dma_wait3A_331 = arith.constant 0 : i32
        %dma_wait3A_332 = arith.constant 0 : i32
        %dma_wait3A_333 = tpu.memref_slice %arg17[%dma_wait3A_331, %dma_wait3A_332] : memref<1040x128xf32, #tpu.memory_space<vmem_shared>> -> memref<1040x128xf32, #tpu.memory_space<vmem_shared>>
        tpu.wait_indirect_dma semaphore(%run_scoped3A : memref<!tpu.dma_semaphore, #tpu.memory_space<semaphore_mem>>) src(%dma_wait3A_330 : memref<16x128xf32, #tpu.memory_space<vmem>>) dst(%dma_wait3A_333 : memref<1040x128xf32, #tpu.memory_space<vmem_shared>>)
        tpu.yield
      }) : () -> ()
      %mul3A_315 = arith.constant 128 : i32
      %mul3A_316 = arith.muli %while3A_255, %mul3A_315 : i32
      %add3A_317 = arith.constant 112 : i32
      %add3A_318 = arith.addi %mul3A_316, %add3A_317 : i32
      %get3A_319 = arith.index_cast %add3A_318 : i32 to index
      %get3A_320 = tpu.vector_load %arg14[%get3A_319] {strides = array<i32>} : memref<8448xi32, #tpu.memory_space<vmem>>, vector<16xi32>,
      %get3A_321 = vector.shape_cast %get3A_320 : vector<16xi32> to vector<16xi32>
      "tpu.region"() ({
        %run_scoped3A = tpu.sem_alloc : memref<!tpu.dma_semaphore, #tpu.memory_space<semaphore_mem>>
        %dma_start3A_322 = arith.constant 112 : i32
        %dma_start3A_323 = arith.constant 0 : i32
        %dma_start3A_324 = tpu.memref_slice %arg15[%dma_start3A_322, %dma_start3A_323] : memref<128x128xf32, #tpu.memory_space<vmem>> -> memref<16x128xf32, #tpu.memory_space<vmem>>
        %dma_start3A_325 = arith.constant 0 : i32
        %dma_start3A_326 = arith.constant 0 : i32
        %dma_start3A_327 = tpu.memref_slice %arg17[%dma_start3A_325, %dma_start3A_326] : memref<1040x128xf32, #tpu.memory_space<vmem_shared>> -> memref<1040x128xf32, #tpu.memory_space<vmem_shared>>
        tpu.enqueue_indirect_dma source(%dma_start3A_324 : memref<16x128xf32, #tpu.memory_space<vmem>>) target(%dma_start3A_327 : memref<1040x128xf32, #tpu.memory_space<vmem_shared>>) offsets(%get3A_321 : vector<16xi32>) semaphore(%run_scoped3A : memref<!tpu.dma_semaphore, #tpu.memory_space<semaphore_mem>>) {add = true}
        %dma_wait3A_328 = arith.constant 112 : i32
        %dma_wait3A_329 = arith.constant 0 : i32
        %dma_wait3A_330 = tpu.memref_slice %arg15[%dma_wait3A_328, %dma_wait3A_329] : memref<128x128xf32, #tpu.memory_space<vmem>> -> memref<16x128xf32, #tpu.memory_space<vmem>>
        %dma_wait3A_331 = arith.constant 0 : i32
        %dma_wait3A_332 = arith.constant 0 : i32
        %dma_wait3A_333 = tpu.memref_slice %arg17[%dma_wait3A_331, %dma_wait3A_332] : memref<1040x128xf32, #tpu.memory_space<vmem_shared>> -> memref<1040x128xf32, #tpu.memory_space<vmem_shared>>
        tpu.wait_indirect_dma semaphore(%run_scoped3A : memref<!tpu.dma_semaphore, #tpu.memory_space<semaphore_mem>>) src(%dma_wait3A_330 : memref<16x128xf32, #tpu.memory_space<vmem>>) dst(%dma_wait3A_333 : memref<1040x128xf32, #tpu.memory_space<vmem_shared>>)
        tpu.yield
      }) : () -> ()
    }
    %barrier3A_250 = arith.constant 0 : index
    tpu.barrier barrier_id(%barrier3A_250)
    %mul3A_251 = arith.constant 64 : i32
    %mul3A_252 = arith.muli %arg1, %mul3A_251 : i32
    "tpu.region"() ({
      %run_scoped3A = tpu.sem_alloc : memref<!tpu.dma_semaphore, #tpu.memory_space<semaphore_mem>>
      %dma_start3A_255 = arith.constant 0 : i32
      %dma_start3A_256 = arith.constant 0 : i32
      %dma_start3A_257 = tpu.memref_slice %arg16[%dma_start3A_255, %dma_start3A_256] : memref<65x128xf32, #tpu.memory_space<vmem>> -> memref<64x128xf32, #tpu.memory_space<vmem>>
      %dma_start3A_258 = arith.constant 0 : i32
      %dma_start3A_259 = tpu.memref_slice %arg17[%mul3A_252, %dma_start3A_258] : memref<1040x128xf32, #tpu.memory_space<vmem_shared>> -> memref<64x128xf32, #tpu.memory_space<vmem_shared>>
      %dma_start3A_260 = arith.constant 0 : i32
      %dma_start3A_261 = arith.constant 0 : i32
      %dma_start3A_262 = tpu.memref_slice %arg16[%dma_start3A_260, %dma_start3A_261] : memref<65x128xf32, #tpu.memory_space<vmem>> -> memref<64x128xf32, #tpu.memory_space<vmem>>
      %dma_start3A_263 = arith.constant 0 : i32
      %dma_start3A_264 = tpu.memref_slice %arg17[%mul3A_252, %dma_start3A_263] : memref<1040x128xf32, #tpu.memory_space<vmem_shared>> -> memref<64x128xf32, #tpu.memory_space<vmem_shared>>
      tpu.enqueue_dma source(%dma_start3A_264 : memref<64x128xf32, #tpu.memory_space<vmem_shared>>) target(%dma_start3A_262 : memref<64x128xf32, #tpu.memory_space<vmem>>) target_semaphore(%run_scoped3A : memref<!tpu.dma_semaphore, #tpu.memory_space<semaphore_mem>>)
      %dma_wait3A_265 = arith.constant 0 : i32
      %dma_wait3A_266 = arith.constant 0 : i32
      %dma_wait3A_267 = tpu.memref_slice %arg16[%dma_wait3A_265, %dma_wait3A_266] : memref<65x128xf32, #tpu.memory_space<vmem>> -> memref<64x128xf32, #tpu.memory_space<vmem>>
      %dma_wait3A_268 = arith.constant 0 : i32
      %dma_wait3A_269 = tpu.memref_slice %arg17[%mul3A_252, %dma_wait3A_268] : memref<1040x128xf32, #tpu.memory_space<vmem_shared>> -> memref<64x128xf32, #tpu.memory_space<vmem_shared>>
      %dma_wait3A_270 = arith.constant 0 : i32
      %dma_wait3A_271 = arith.constant 0 : i32
      %dma_wait3A_272 = tpu.memref_slice %arg16[%dma_wait3A_270, %dma_wait3A_271] : memref<65x128xf32, #tpu.memory_space<vmem>> -> memref<64x128xf32, #tpu.memory_space<vmem>>
      %dma_wait3A_273 = arith.constant 0 : i32
      %dma_wait3A_274 = tpu.memref_slice %arg17[%mul3A_252, %dma_wait3A_273] : memref<1040x128xf32, #tpu.memory_space<vmem_shared>> -> memref<64x128xf32, #tpu.memory_space<vmem_shared>>
      tpu.wait_dma2 semaphore(%run_scoped3A : memref<!tpu.dma_semaphore, #tpu.memory_space<semaphore_mem>>) src(%dma_wait3A_274 : memref<64x128xf32, #tpu.memory_space<vmem_shared>>) dst(%dma_wait3A_272 : memref<64x128xf32, #tpu.memory_space<vmem>>)
      tpu.yield
    }) : () -> ()
    %mul3A_253 = arith.constant 64 : i32
    %mul3A_254 = arith.muli %arg1, %mul3A_253 : i32
    "tpu.region"() ({
      %run_scoped3A = tpu.sem_alloc : memref<!tpu.dma_semaphore, #tpu.memory_space<semaphore_mem>>
      %dma_start3A_255 = arith.constant 0 : i32
      %dma_start3A_256 = arith.constant 0 : i32
      %dma_start3A_257 = tpu.memref_slice %arg16[%dma_start3A_255, %dma_start3A_256] : memref<65x128xf32, #tpu.memory_space<vmem>> -> memref<64x128xf32, #tpu.memory_space<vmem>>
      %dma_start3A_258 = arith.constant 0 : i32
      %dma_start3A_259 = tpu.memref_slice %arg8[%arg0, %mul3A_254, %dma_start3A_258] : memref<2x1024x128xf32, #tpu.memory_space<hbm>> -> memref<1x64x128xf32, #tpu.memory_space<hbm>>
      %dma_start3A_260 = tpu.memref_squeeze %dma_start3A_259 : memref<1x64x128xf32, #tpu.memory_space<hbm>> -> memref<64x128xf32, #tpu.memory_space<hbm>>
      %dma_start3A_261 = arith.constant 0 : i32
      %dma_start3A_262 = tpu.memref_slice %arg8[%arg0, %mul3A_254, %dma_start3A_261] : memref<2x1024x128xf32, #tpu.memory_space<hbm>> -> memref<1x64x128xf32, #tpu.memory_space<hbm>>
      %dma_start3A_263 = tpu.memref_squeeze %dma_start3A_262 : memref<1x64x128xf32, #tpu.memory_space<hbm>> -> memref<64x128xf32, #tpu.memory_space<hbm>>
      %dma_start3A_264 = arith.constant 0 : i32
      %dma_start3A_265 = arith.constant 0 : i32
      %dma_start3A_266 = tpu.memref_slice %arg16[%dma_start3A_264, %dma_start3A_265] : memref<65x128xf32, #tpu.memory_space<vmem>> -> memref<64x128xf32, #tpu.memory_space<vmem>>
      tpu.enqueue_dma source(%dma_start3A_266 : memref<64x128xf32, #tpu.memory_space<vmem>>) target(%dma_start3A_263 : memref<64x128xf32, #tpu.memory_space<hbm>>) target_semaphore(%run_scoped3A : memref<!tpu.dma_semaphore, #tpu.memory_space<semaphore_mem>>)
      %dma_wait3A_267 = arith.constant 0 : i32
      %dma_wait3A_268 = arith.constant 0 : i32
      %dma_wait3A_269 = tpu.memref_slice %arg16[%dma_wait3A_267, %dma_wait3A_268] : memref<65x128xf32, #tpu.memory_space<vmem>> -> memref<64x128xf32, #tpu.memory_space<vmem>>
      %dma_wait3A_270 = arith.constant 0 : i32
      %dma_wait3A_271 = tpu.memref_slice %arg8[%arg0, %mul3A_254, %dma_wait3A_270] : memref<2x1024x128xf32, #tpu.memory_space<hbm>> -> memref<1x64x128xf32, #tpu.memory_space<hbm>>
      %dma_wait3A_272 = tpu.memref_squeeze %dma_wait3A_271 : memref<1x64x128xf32, #tpu.memory_space<hbm>> -> memref<64x128xf32, #tpu.memory_space<hbm>>
      %dma_wait3A_273 = arith.constant 0 : i32
      %dma_wait3A_274 = tpu.memref_slice %arg8[%arg0, %mul3A_254, %dma_wait3A_273] : memref<2x1024x128xf32, #tpu.memory_space<hbm>> -> memref<1x64x128xf32, #tpu.memory_space<hbm>>
      %dma_wait3A_275 = tpu.memref_squeeze %dma_wait3A_274 : memref<1x64x128xf32, #tpu.memory_space<hbm>> -> memref<64x128xf32, #tpu.memory_space<hbm>>
      %dma_wait3A_276 = arith.constant 0 : i32
      %dma_wait3A_277 = arith.constant 0 : i32
      %dma_wait3A_278 = tpu.memref_slice %arg16[%dma_wait3A_276, %dma_wait3A_277] : memref<65x128xf32, #tpu.memory_space<vmem>> -> memref<64x128xf32, #tpu.memory_space<vmem>>
      tpu.wait_dma2 semaphore(%run_scoped3A : memref<!tpu.dma_semaphore, #tpu.memory_space<semaphore_mem>>) src(%dma_wait3A_278 : memref<64x128xf32, #tpu.memory_space<vmem>>) dst(%dma_wait3A_275 : memref<64x128xf32, #tpu.memory_space<hbm>>)
      tpu.yield
    }) : () -> ()
    return
  }
}

#map = affine_map<(d0, d1) -> (0, 0, 0)>
#map1 = affine_map<(d0, d1) -> (0, 0)>
module attributes {stable_mosaic.version = 14 : i64} {
  func.func @k(%arg0: i32, %arg1: i32, %arg2: memref<32x64x128xi32, #tpu.memory_space<hbm>>, %arg3: memref<32x8x128xi32, #tpu.memory_space<hbm>>, %arg4: memref<64x128xf32, #tpu.memory_space<hbm>>, %arg5: memref<2x8192xf32, #tpu.memory_space<hbm>>, %arg6: memref<2x1024xf32, #tpu.memory_space<hbm>>, %arg7: memref<64x128xi32, #tpu.memory_space<vmem>>, %arg8: memref<8x128xi32, #tpu.memory_space<vmem>>, %arg9: memref<64x128xf32, #tpu.memory_space<vmem>>, %arg10: memref<512xf32, #tpu.memory_space<vmem>>, %arg11: memref<8192xf32, #tpu.memory_space<vmem_shared>>, %arg12: memref<1024xf32, #tpu.memory_space<vmem_shared>>, %arg13: memref<!tpu.dma_semaphore, #tpu.memory_space<semaphore_mem>>, %arg14: memref<!tpu.dma_semaphore, #tpu.memory_space<semaphore_mem>>) attributes {dimension_semantics = [#tpu.dimension_semantics<core_parallel>, #tpu.dimension_semantics<subcore_parallel>], iteration_bounds = array<i64: 2, 16>, scalar_prefetch = 0 : i64, scratch_operands = 8 : i64, tpu.core_type = #tpu.core_type<sc_vector_subcore>, window_params = [{transform_indices = #map}, {transform_indices = #map}, {transform_indices = #map1}, {transform_indices = #map1}, {transform_indices = #map1}]} {
    %mul3A = arith.constant 2 : i32
    %mul3A_0 = arith.muli %arg1, %mul3A : i32
    %add3A = arith.addi %mul3A_0, %arg0 : i32
    %scan3A = arith.constant 0 : i32
    %scan3A_1 = arith.constant 0 : i32
    %scan3A_2 = arith.constant 32 : i32
    %scan3A_3 = arith.addi %scan3A_1, %scan3A_2 : i32
    %scan3A_4 = arith.constant 1 : i32
    scf.for %scan3A_31 = %scan3A_1 to %scan3A_3 step %scan3A_4  : i32 {
      %broadcast_in_dim3A = arith.constant 0.000000e+00 : f32
      %broadcast_in_dim3A_32 = vector.broadcast %broadcast_in_dim3A : f32 to vector<16xf32>
      %mul3A_33 = arith.constant 16 : i32
      %mul3A_34 = arith.muli %scan3A_31, %mul3A_33 : i32
      %swap3A = arith.index_cast %mul3A_34 : i32 to index
      %swap3A_35 = tpu.vector_load %arg10[%swap3A] {strides = array<i32>} : memref<512xf32, #tpu.memory_space<vmem>>, vector<16xf32>,
      %swap3A_36 = vector.shape_cast %swap3A_35 : vector<16xf32> to vector<16xf32>
      %swap3A_37 = vector.shape_cast %broadcast_in_dim3A_32 : vector<16xf32> to vector<16xf32>
      tpu.vector_store %arg10[%swap3A], %swap3A_37 {strides = array<i32>} : memref<512xf32, #tpu.memory_space<vmem>>, vector<16xf32>,
    }
    %scan3A_5 = arith.constant 32 : i32
    %mul3A_6 = arith.constant 512 : i32
    %mul3A_7 = arith.muli %arg1, %mul3A_6 : i32
    "tpu.region"() ({
      %run_scoped3A = tpu.sem_alloc : memref<!tpu.dma_semaphore, #tpu.memory_space<semaphore_mem>>
      %dma_start3A = tpu.memref_slice %arg11[%mul3A_7] : memref<8192xf32, #tpu.memory_space<vmem_shared>> -> memref<512xf32, #tpu.memory_space<vmem_shared>>
      %dma_start3A_31 = tpu.memref_slice %arg11[%mul3A_7] : memref<8192xf32, #tpu.memory_space<vmem_shared>> -> memref<512xf32, #tpu.memory_space<vmem_shared>>
      tpu.enqueue_dma source(%arg10 : memref<512xf32, #tpu.memory_space<vmem>>) target(%dma_start3A_31 : memref<512xf32, #tpu.memory_space<vmem_shared>>) target_semaphore(%run_scoped3A : memref<!tpu.dma_semaphore, #tpu.memory_space<semaphore_mem>>)
      %dma_wait3A = tpu.memref_slice %arg11[%mul3A_7] : memref<8192xf32, #tpu.memory_space<vmem_shared>> -> memref<512xf32, #tpu.memory_space<vmem_shared>>
      %dma_wait3A_32 = tpu.memref_slice %arg11[%mul3A_7] : memref<8192xf32, #tpu.memory_space<vmem_shared>> -> memref<512xf32, #tpu.memory_space<vmem_shared>>
      tpu.wait_dma2 semaphore(%run_scoped3A : memref<!tpu.dma_semaphore, #tpu.memory_space<semaphore_mem>>) src(%arg10 : memref<512xf32, #tpu.memory_space<vmem>>) dst(%dma_wait3A_32 : memref<512xf32, #tpu.memory_space<vmem_shared>>)
      tpu.yield
    }) : () -> ()
    %mul3A_8 = arith.constant 64 : i32
    %mul3A_9 = arith.muli %arg1, %mul3A_8 : i32
    "tpu.region"() ({
      %run_scoped3A = tpu.sem_alloc : memref<!tpu.dma_semaphore, #tpu.memory_space<semaphore_mem>>
      %dma_start3A = arith.constant 0 : i32
      %dma_start3A_31 = tpu.memref_slice %arg10[%dma_start3A] : memref<512xf32, #tpu.memory_space<vmem>> -> memref<64xf32, #tpu.memory_space<vmem>>
      %dma_start3A_32 = tpu.memref_slice %arg12[%mul3A_9] : memref<1024xf32, #tpu.memory_space<vmem_shared>> -> memref<64xf32, #tpu.memory_space<vmem_shared>>
      %dma_start3A_33 = tpu.memref_slice %arg12[%mul3A_9] : memref<1024xf32, #tpu.memory_space<vmem_shared>> -> memref<64xf32, #tpu.memory_space<vmem_shared>>
      %dma_start3A_34 = arith.constant 0 : i32
      %dma_start3A_35 = tpu.memref_slice %arg10[%dma_start3A_34] : memref<512xf32, #tpu.memory_space<vmem>> -> memref<64xf32, #tpu.memory_space<vmem>>
      tpu.enqueue_dma source(%dma_start3A_35 : memref<64xf32, #tpu.memory_space<vmem>>) target(%dma_start3A_33 : memref<64xf32, #tpu.memory_space<vmem_shared>>) target_semaphore(%run_scoped3A : memref<!tpu.dma_semaphore, #tpu.memory_space<semaphore_mem>>)
      %dma_wait3A = arith.constant 0 : i32
      %dma_wait3A_36 = tpu.memref_slice %arg10[%dma_wait3A] : memref<512xf32, #tpu.memory_space<vmem>> -> memref<64xf32, #tpu.memory_space<vmem>>
      %dma_wait3A_37 = tpu.memref_slice %arg12[%mul3A_9] : memref<1024xf32, #tpu.memory_space<vmem_shared>> -> memref<64xf32, #tpu.memory_space<vmem_shared>>
      %dma_wait3A_38 = tpu.memref_slice %arg12[%mul3A_9] : memref<1024xf32, #tpu.memory_space<vmem_shared>> -> memref<64xf32, #tpu.memory_space<vmem_shared>>
      %dma_wait3A_39 = arith.constant 0 : i32
      %dma_wait3A_40 = tpu.memref_slice %arg10[%dma_wait3A_39] : memref<512xf32, #tpu.memory_space<vmem>> -> memref<64xf32, #tpu.memory_space<vmem>>
      tpu.wait_dma2 semaphore(%run_scoped3A : memref<!tpu.dma_semaphore, #tpu.memory_space<semaphore_mem>>) src(%dma_wait3A_40 : memref<64xf32, #tpu.memory_space<vmem>>) dst(%dma_wait3A_38 : memref<64xf32, #tpu.memory_space<vmem_shared>>)
      tpu.yield
    }) : () -> ()
    "tpu.region"() ({
      %run_scoped3A = tpu.sem_alloc : memref<!tpu.dma_semaphore, #tpu.memory_space<semaphore_mem>>
      tpu.enqueue_dma source(%arg4 : memref<64x128xf32, #tpu.memory_space<hbm>>) target(%arg9 : memref<64x128xf32, #tpu.memory_space<vmem>>) target_semaphore(%run_scoped3A : memref<!tpu.dma_semaphore, #tpu.memory_space<semaphore_mem>>)
      tpu.wait_dma2 semaphore(%run_scoped3A : memref<!tpu.dma_semaphore, #tpu.memory_space<semaphore_mem>>) src(%arg4 : memref<64x128xf32, #tpu.memory_space<hbm>>) dst(%arg9 : memref<64x128xf32, #tpu.memory_space<vmem>>)
      tpu.yield
    }) : () -> ()
    "tpu.region"() ({
      %run_scoped3A = tpu.sem_alloc : memref<!tpu.dma_semaphore, #tpu.memory_space<semaphore_mem>>
      %dma_start3A = arith.constant 0 : i32
      %dma_start3A_31 = arith.constant 0 : i32
      %dma_start3A_32 = tpu.memref_slice %arg2[%add3A, %dma_start3A, %dma_start3A_31] : memref<32x64x128xi32, #tpu.memory_space<hbm>> -> memref<1x64x128xi32, #tpu.memory_space<hbm>>
      %dma_start3A_33 = tpu.memref_squeeze %dma_start3A_32 : memref<1x64x128xi32, #tpu.memory_space<hbm>> -> memref<64x128xi32, #tpu.memory_space<hbm>>
      %dma_start3A_34 = arith.constant 0 : i32
      %dma_start3A_35 = arith.constant 0 : i32
      %dma_start3A_36 = tpu.memref_slice %arg2[%add3A, %dma_start3A_34, %dma_start3A_35] : memref<32x64x128xi32, #tpu.memory_space<hbm>> -> memref<1x64x128xi32, #tpu.memory_space<hbm>>
      %dma_start3A_37 = tpu.memref_squeeze %dma_start3A_36 : memref<1x64x128xi32, #tpu.memory_space<hbm>> -> memref<64x128xi32, #tpu.memory_space<hbm>>
      tpu.enqueue_dma source(%dma_start3A_37 : memref<64x128xi32, #tpu.memory_space<hbm>>) target(%arg7 : memref<64x128xi32, #tpu.memory_space<vmem>>) target_semaphore(%run_scoped3A : memref<!tpu.dma_semaphore, #tpu.memory_space<semaphore_mem>>)
      %dma_wait3A = arith.constant 0 : i32
      %dma_wait3A_38 = arith.constant 0 : i32
      %dma_wait3A_39 = tpu.memref_slice %arg2[%add3A, %dma_wait3A, %dma_wait3A_38] : memref<32x64x128xi32, #tpu.memory_space<hbm>> -> memref<1x64x128xi32, #tpu.memory_space<hbm>>
      %dma_wait3A_40 = tpu.memref_squeeze %dma_wait3A_39 : memref<1x64x128xi32, #tpu.memory_space<hbm>> -> memref<64x128xi32, #tpu.memory_space<hbm>>
      %dma_wait3A_41 = arith.constant 0 : i32
      %dma_wait3A_42 = arith.constant 0 : i32
      %dma_wait3A_43 = tpu.memref_slice %arg2[%add3A, %dma_wait3A_41, %dma_wait3A_42] : memref<32x64x128xi32, #tpu.memory_space<hbm>> -> memref<1x64x128xi32, #tpu.memory_space<hbm>>
      %dma_wait3A_44 = tpu.memref_squeeze %dma_wait3A_43 : memref<1x64x128xi32, #tpu.memory_space<hbm>> -> memref<64x128xi32, #tpu.memory_space<hbm>>
      tpu.wait_dma2 semaphore(%run_scoped3A : memref<!tpu.dma_semaphore, #tpu.memory_space<semaphore_mem>>) src(%dma_wait3A_44 : memref<64x128xi32, #tpu.memory_space<hbm>>) dst(%arg7 : memref<64x128xi32, #tpu.memory_space<vmem>>)
      tpu.yield
    }) : () -> ()
    "tpu.region"() ({
      %run_scoped3A = tpu.sem_alloc : memref<!tpu.dma_semaphore, #tpu.memory_space<semaphore_mem>>
      %dma_start3A = arith.constant 0 : i32
      %dma_start3A_31 = arith.constant 0 : i32
      %dma_start3A_32 = tpu.memref_slice %arg3[%add3A, %dma_start3A, %dma_start3A_31] : memref<32x8x128xi32, #tpu.memory_space<hbm>> -> memref<1x8x128xi32, #tpu.memory_space<hbm>>
      %dma_start3A_33 = tpu.memref_squeeze %dma_start3A_32 : memref<1x8x128xi32, #tpu.memory_space<hbm>> -> memref<8x128xi32, #tpu.memory_space<hbm>>
      %dma_start3A_34 = arith.constant 0 : i32
      %dma_start3A_35 = arith.constant 0 : i32
      %dma_start3A_36 = tpu.memref_slice %arg3[%add3A, %dma_start3A_34, %dma_start3A_35] : memref<32x8x128xi32, #tpu.memory_space<hbm>> -> memref<1x8x128xi32, #tpu.memory_space<hbm>>
      %dma_start3A_37 = tpu.memref_squeeze %dma_start3A_36 : memref<1x8x128xi32, #tpu.memory_space<hbm>> -> memref<8x128xi32, #tpu.memory_space<hbm>>
      tpu.enqueue_dma source(%dma_start3A_37 : memref<8x128xi32, #tpu.memory_space<hbm>>) target(%arg8 : memref<8x128xi32, #tpu.memory_space<vmem>>) target_semaphore(%run_scoped3A : memref<!tpu.dma_semaphore, #tpu.memory_space<semaphore_mem>>)
      %dma_wait3A = arith.constant 0 : i32
      %dma_wait3A_38 = arith.constant 0 : i32
      %dma_wait3A_39 = tpu.memref_slice %arg3[%add3A, %dma_wait3A, %dma_wait3A_38] : memref<32x8x128xi32, #tpu.memory_space<hbm>> -> memref<1x8x128xi32, #tpu.memory_space<hbm>>
      %dma_wait3A_40 = tpu.memref_squeeze %dma_wait3A_39 : memref<1x8x128xi32, #tpu.memory_space<hbm>> -> memref<8x128xi32, #tpu.memory_space<hbm>>
      %dma_wait3A_41 = arith.constant 0 : i32
      %dma_wait3A_42 = arith.constant 0 : i32
      %dma_wait3A_43 = tpu.memref_slice %arg3[%add3A, %dma_wait3A_41, %dma_wait3A_42] : memref<32x8x128xi32, #tpu.memory_space<hbm>> -> memref<1x8x128xi32, #tpu.memory_space<hbm>>
      %dma_wait3A_44 = tpu.memref_squeeze %dma_wait3A_43 : memref<1x8x128xi32, #tpu.memory_space<hbm>> -> memref<8x128xi32, #tpu.memory_space<hbm>>
      tpu.wait_dma2 semaphore(%run_scoped3A : memref<!tpu.dma_semaphore, #tpu.memory_space<semaphore_mem>>) src(%dma_wait3A_44 : memref<8x128xi32, #tpu.memory_space<hbm>>) dst(%arg8 : memref<8x128xi32, #tpu.memory_space<vmem>>)
      tpu.yield
    }) : () -> ()
    %barrier3A = arith.constant 0 : index
    tpu.barrier barrier_id(%barrier3A)
    %scan3A_10 = arith.constant 0 : i32
    %scan3A_11 = arith.constant 0 : i32
    %scan3A_12 = arith.constant 64 : i32
    %scan3A_13 = arith.addi %scan3A_11, %scan3A_12 : i32
    %scan3A_14 = arith.constant 1 : i32
    scf.for %scan3A_31 = %scan3A_11 to %scan3A_13 step %scan3A_14  : i32 {
      "tpu.region"() ({
        %run_scoped3A = tpu.sem_alloc : memref<!tpu.dma_semaphore, #tpu.memory_space<semaphore_mem>>
        %dma_start3A = arith.constant 0 : i32
        %dma_start3A_32 = tpu.memref_slice %arg9[%scan3A_31, %dma_start3A] : memref<64x128xf32, #tpu.memory_space<vmem>> -> memref<1x128xf32, #tpu.memory_space<vmem>>
        %dma_start3A_33 = tpu.memref_squeeze %dma_start3A_32 : memref<1x128xf32, #tpu.memory_space<vmem>> -> memref<128xf32, #tpu.memory_space<vmem>>
        %dma_start3A_34 = arith.constant 0 : i32
        %dma_start3A_35 = tpu.memref_slice %arg7[%scan3A_31, %dma_start3A_34] : memref<64x128xi32, #tpu.memory_space<vmem>> -> memref<1x128xi32, #tpu.memory_space<vmem>>
        %dma_start3A_36 = tpu.memref_squeeze %dma_start3A_35 : memref<1x128xi32, #tpu.memory_space<vmem>> -> memref<128xi32, #tpu.memory_space<vmem>>
        %dma_start3A_37 = arith.constant 0 : i32
        %dma_start3A_38 = tpu.memref_slice %arg11[%dma_start3A_37] : memref<8192xf32, #tpu.memory_space<vmem_shared>> -> memref<8192xf32, #tpu.memory_space<vmem_shared>>
        tpu.enqueue_indirect_dma source(%dma_start3A_33 : memref<128xf32, #tpu.memory_space<vmem>>) target(%dma_start3A_38 : memref<8192xf32, #tpu.memory_space<vmem_shared>>) offsets(%dma_start3A_36 : memref<128xi32, #tpu.memory_space<vmem>>) semaphore(%run_scoped3A : memref<!tpu.dma_semaphore, #tpu.memory_space<semaphore_mem>>) {add = true}
        %dma_wait3A = arith.constant 0 : i32
        %dma_wait3A_39 = tpu.memref_slice %arg9[%scan3A_31, %dma_wait3A] : memref<64x128xf32, #tpu.memory_space<vmem>> -> memref<1x128xf32, #tpu.memory_space<vmem>>
        %dma_wait3A_40 = tpu.memref_squeeze %dma_wait3A_39 : memref<1x128xf32, #tpu.memory_space<vmem>> -> memref<128xf32, #tpu.memory_space<vmem>>
        %dma_wait3A_41 = arith.constant 0 : i32
        %dma_wait3A_42 = tpu.memref_slice %arg7[%scan3A_31, %dma_wait3A_41] : memref<64x128xi32, #tpu.memory_space<vmem>> -> memref<1x128xi32, #tpu.memory_space<vmem>>
        %dma_wait3A_43 = tpu.memref_squeeze %dma_wait3A_42 : memref<1x128xi32, #tpu.memory_space<vmem>> -> memref<128xi32, #tpu.memory_space<vmem>>
        %dma_wait3A_44 = arith.constant 0 : i32
        %dma_wait3A_45 = tpu.memref_slice %arg11[%dma_wait3A_44] : memref<8192xf32, #tpu.memory_space<vmem_shared>> -> memref<8192xf32, #tpu.memory_space<vmem_shared>>
        tpu.wait_indirect_dma semaphore(%run_scoped3A : memref<!tpu.dma_semaphore, #tpu.memory_space<semaphore_mem>>) src(%dma_wait3A_40 : memref<128xf32, #tpu.memory_space<vmem>>) dst(%dma_wait3A_45 : memref<8192xf32, #tpu.memory_space<vmem_shared>>)
        tpu.yield
      }) : () -> ()
    }
    %scan3A_15 = arith.constant 64 : i32
    %scan3A_16 = arith.constant 0 : i32
    %scan3A_17 = arith.constant 0 : i32
    %scan3A_18 = arith.constant 8 : i32
    %scan3A_19 = arith.addi %scan3A_17, %scan3A_18 : i32
    %scan3A_20 = arith.constant 1 : i32
    scf.for %scan3A_31 = %scan3A_17 to %scan3A_19 step %scan3A_20  : i32 {
      "tpu.region"() ({
        %run_scoped3A = tpu.sem_alloc : memref<!tpu.dma_semaphore, #tpu.memory_space<semaphore_mem>>
        %dma_start3A = arith.constant 0 : i32
        %dma_start3A_32 = tpu.memref_slice %arg9[%scan3A_31, %dma_start3A] : memref<64x128xf32, #tpu.memory_space<vmem>> -> memref<1x128xf32, #tpu.memory_space<vmem>>
        %dma_start3A_33 = tpu.memref_squeeze %dma_start3A_32 : memref<1x128xf32, #tpu.memory_space<vmem>> -> memref<128xf32, #tpu.memory_space<vmem>>
        %dma_start3A_34 = arith.constant 0 : i32
        %dma_start3A_35 = tpu.memref_slice %arg8[%scan3A_31, %dma_start3A_34] : memref<8x128xi32, #tpu.memory_space<vmem>> -> memref<1x128xi32, #tpu.memory_space<vmem>>
        %dma_start3A_36 = tpu.memref_squeeze %dma_start3A_35 : memref<1x128xi32, #tpu.memory_space<vmem>> -> memref<128xi32, #tpu.memory_space<vmem>>
        %dma_start3A_37 = arith.constant 0 : i32
        %dma_start3A_38 = tpu.memref_slice %arg12[%dma_start3A_37] : memref<1024xf32, #tpu.memory_space<vmem_shared>> -> memref<1024xf32, #tpu.memory_space<vmem_shared>>
        tpu.enqueue_indirect_dma source(%dma_start3A_33 : memref<128xf32, #tpu.memory_space<vmem>>) target(%dma_start3A_38 : memref<1024xf32, #tpu.memory_space<vmem_shared>>) offsets(%dma_start3A_36 : memref<128xi32, #tpu.memory_space<vmem>>) semaphore(%run_scoped3A : memref<!tpu.dma_semaphore, #tpu.memory_space<semaphore_mem>>) {add = true}
        %dma_wait3A = arith.constant 0 : i32
        %dma_wait3A_39 = tpu.memref_slice %arg9[%scan3A_31, %dma_wait3A] : memref<64x128xf32, #tpu.memory_space<vmem>> -> memref<1x128xf32, #tpu.memory_space<vmem>>
        %dma_wait3A_40 = tpu.memref_squeeze %dma_wait3A_39 : memref<1x128xf32, #tpu.memory_space<vmem>> -> memref<128xf32, #tpu.memory_space<vmem>>
        %dma_wait3A_41 = arith.constant 0 : i32
        %dma_wait3A_42 = tpu.memref_slice %arg8[%scan3A_31, %dma_wait3A_41] : memref<8x128xi32, #tpu.memory_space<vmem>> -> memref<1x128xi32, #tpu.memory_space<vmem>>
        %dma_wait3A_43 = tpu.memref_squeeze %dma_wait3A_42 : memref<1x128xi32, #tpu.memory_space<vmem>> -> memref<128xi32, #tpu.memory_space<vmem>>
        %dma_wait3A_44 = arith.constant 0 : i32
        %dma_wait3A_45 = tpu.memref_slice %arg12[%dma_wait3A_44] : memref<1024xf32, #tpu.memory_space<vmem_shared>> -> memref<1024xf32, #tpu.memory_space<vmem_shared>>
        tpu.wait_indirect_dma semaphore(%run_scoped3A : memref<!tpu.dma_semaphore, #tpu.memory_space<semaphore_mem>>) src(%dma_wait3A_40 : memref<128xf32, #tpu.memory_space<vmem>>) dst(%dma_wait3A_45 : memref<1024xf32, #tpu.memory_space<vmem_shared>>)
        tpu.yield
      }) : () -> ()
    }
    %scan3A_21 = arith.constant 8 : i32
    %barrier3A_22 = arith.constant 0 : index
    tpu.barrier barrier_id(%barrier3A_22)
    %mul3A_23 = arith.constant 512 : i32
    %mul3A_24 = arith.muli %arg1, %mul3A_23 : i32
    "tpu.region"() ({
      %run_scoped3A = tpu.sem_alloc : memref<!tpu.dma_semaphore, #tpu.memory_space<semaphore_mem>>
      %dma_start3A = tpu.memref_slice %arg11[%mul3A_24] : memref<8192xf32, #tpu.memory_space<vmem_shared>> -> memref<512xf32, #tpu.memory_space<vmem_shared>>
      %dma_start3A_31 = tpu.memref_slice %arg11[%mul3A_24] : memref<8192xf32, #tpu.memory_space<vmem_shared>> -> memref<512xf32, #tpu.memory_space<vmem_shared>>
      tpu.enqueue_dma source(%dma_start3A_31 : memref<512xf32, #tpu.memory_space<vmem_shared>>) target(%arg10 : memref<512xf32, #tpu.memory_space<vmem>>) target_semaphore(%run_scoped3A : memref<!tpu.dma_semaphore, #tpu.memory_space<semaphore_mem>>)
      %dma_wait3A = tpu.memref_slice %arg11[%mul3A_24] : memref<8192xf32, #tpu.memory_space<vmem_shared>> -> memref<512xf32, #tpu.memory_space<vmem_shared>>
      %dma_wait3A_32 = tpu.memref_slice %arg11[%mul3A_24] : memref<8192xf32, #tpu.memory_space<vmem_shared>> -> memref<512xf32, #tpu.memory_space<vmem_shared>>
      tpu.wait_dma2 semaphore(%run_scoped3A : memref<!tpu.dma_semaphore, #tpu.memory_space<semaphore_mem>>) src(%dma_wait3A_32 : memref<512xf32, #tpu.memory_space<vmem_shared>>) dst(%arg10 : memref<512xf32, #tpu.memory_space<vmem>>)
      tpu.yield
    }) : () -> ()
    %mul3A_25 = arith.constant 512 : i32
    %mul3A_26 = arith.muli %arg1, %mul3A_25 : i32
    "tpu.region"() ({
      %run_scoped3A = tpu.sem_alloc : memref<!tpu.dma_semaphore, #tpu.memory_space<semaphore_mem>>
      %dma_start3A = tpu.memref_slice %arg5[%arg0, %mul3A_26] : memref<2x8192xf32, #tpu.memory_space<hbm>> -> memref<1x512xf32, #tpu.memory_space<hbm>>
      %dma_start3A_31 = tpu.memref_squeeze %dma_start3A : memref<1x512xf32, #tpu.memory_space<hbm>> -> memref<512xf32, #tpu.memory_space<hbm>>
      %dma_start3A_32 = tpu.memref_slice %arg5[%arg0, %mul3A_26] : memref<2x8192xf32, #tpu.memory_space<hbm>> -> memref<1x512xf32, #tpu.memory_space<hbm>>
      %dma_start3A_33 = tpu.memref_squeeze %dma_start3A_32 : memref<1x512xf32, #tpu.memory_space<hbm>> -> memref<512xf32, #tpu.memory_space<hbm>>
      tpu.enqueue_dma source(%arg10 : memref<512xf32, #tpu.memory_space<vmem>>) target(%dma_start3A_33 : memref<512xf32, #tpu.memory_space<hbm>>) target_semaphore(%run_scoped3A : memref<!tpu.dma_semaphore, #tpu.memory_space<semaphore_mem>>)
      %dma_wait3A = tpu.memref_slice %arg5[%arg0, %mul3A_26] : memref<2x8192xf32, #tpu.memory_space<hbm>> -> memref<1x512xf32, #tpu.memory_space<hbm>>
      %dma_wait3A_34 = tpu.memref_squeeze %dma_wait3A : memref<1x512xf32, #tpu.memory_space<hbm>> -> memref<512xf32, #tpu.memory_space<hbm>>
      %dma_wait3A_35 = tpu.memref_slice %arg5[%arg0, %mul3A_26] : memref<2x8192xf32, #tpu.memory_space<hbm>> -> memref<1x512xf32, #tpu.memory_space<hbm>>
      %dma_wait3A_36 = tpu.memref_squeeze %dma_wait3A_35 : memref<1x512xf32, #tpu.memory_space<hbm>> -> memref<512xf32, #tpu.memory_space<hbm>>
      tpu.wait_dma2 semaphore(%run_scoped3A : memref<!tpu.dma_semaphore, #tpu.memory_space<semaphore_mem>>) src(%arg10 : memref<512xf32, #tpu.memory_space<vmem>>) dst(%dma_wait3A_36 : memref<512xf32, #tpu.memory_space<hbm>>)
      tpu.yield
    }) : () -> ()
    %mul3A_27 = arith.constant 64 : i32
    %mul3A_28 = arith.muli %arg1, %mul3A_27 : i32
    "tpu.region"() ({
      %run_scoped3A = tpu.sem_alloc : memref<!tpu.dma_semaphore, #tpu.memory_space<semaphore_mem>>
      %dma_start3A = arith.constant 0 : i32
      %dma_start3A_31 = tpu.memref_slice %arg10[%dma_start3A] : memref<512xf32, #tpu.memory_space<vmem>> -> memref<64xf32, #tpu.memory_space<vmem>>
      %dma_start3A_32 = tpu.memref_slice %arg12[%mul3A_28] : memref<1024xf32, #tpu.memory_space<vmem_shared>> -> memref<64xf32, #tpu.memory_space<vmem_shared>>
      %dma_start3A_33 = arith.constant 0 : i32
      %dma_start3A_34 = tpu.memref_slice %arg10[%dma_start3A_33] : memref<512xf32, #tpu.memory_space<vmem>> -> memref<64xf32, #tpu.memory_space<vmem>>
      %dma_start3A_35 = tpu.memref_slice %arg12[%mul3A_28] : memref<1024xf32, #tpu.memory_space<vmem_shared>> -> memref<64xf32, #tpu.memory_space<vmem_shared>>
      tpu.enqueue_dma source(%dma_start3A_35 : memref<64xf32, #tpu.memory_space<vmem_shared>>) target(%dma_start3A_34 : memref<64xf32, #tpu.memory_space<vmem>>) target_semaphore(%run_scoped3A : memref<!tpu.dma_semaphore, #tpu.memory_space<semaphore_mem>>)
      %dma_wait3A = arith.constant 0 : i32
      %dma_wait3A_36 = tpu.memref_slice %arg10[%dma_wait3A] : memref<512xf32, #tpu.memory_space<vmem>> -> memref<64xf32, #tpu.memory_space<vmem>>
      %dma_wait3A_37 = tpu.memref_slice %arg12[%mul3A_28] : memref<1024xf32, #tpu.memory_space<vmem_shared>> -> memref<64xf32, #tpu.memory_space<vmem_shared>>
      %dma_wait3A_38 = arith.constant 0 : i32
      %dma_wait3A_39 = tpu.memref_slice %arg10[%dma_wait3A_38] : memref<512xf32, #tpu.memory_space<vmem>> -> memref<64xf32, #tpu.memory_space<vmem>>
      %dma_wait3A_40 = tpu.memref_slice %arg12[%mul3A_28] : memref<1024xf32, #tpu.memory_space<vmem_shared>> -> memref<64xf32, #tpu.memory_space<vmem_shared>>
      tpu.wait_dma2 semaphore(%run_scoped3A : memref<!tpu.dma_semaphore, #tpu.memory_space<semaphore_mem>>) src(%dma_wait3A_40 : memref<64xf32, #tpu.memory_space<vmem_shared>>) dst(%dma_wait3A_39 : memref<64xf32, #tpu.memory_space<vmem>>)
      tpu.yield
    }) : () -> ()
    %mul3A_29 = arith.constant 64 : i32
    %mul3A_30 = arith.muli %arg1, %mul3A_29 : i32
    "tpu.region"() ({
      %run_scoped3A = tpu.sem_alloc : memref<!tpu.dma_semaphore, #tpu.memory_space<semaphore_mem>>
      %dma_start3A = arith.constant 0 : i32
      %dma_start3A_31 = tpu.memref_slice %arg10[%dma_start3A] : memref<512xf32, #tpu.memory_space<vmem>> -> memref<64xf32, #tpu.memory_space<vmem>>
      %dma_start3A_32 = tpu.memref_slice %arg6[%arg0, %mul3A_30] : memref<2x1024xf32, #tpu.memory_space<hbm>> -> memref<1x64xf32, #tpu.memory_space<hbm>>
      %dma_start3A_33 = tpu.memref_squeeze %dma_start3A_32 : memref<1x64xf32, #tpu.memory_space<hbm>> -> memref<64xf32, #tpu.memory_space<hbm>>
      %dma_start3A_34 = tpu.memref_slice %arg6[%arg0, %mul3A_30] : memref<2x1024xf32, #tpu.memory_space<hbm>> -> memref<1x64xf32, #tpu.memory_space<hbm>>
      %dma_start3A_35 = tpu.memref_squeeze %dma_start3A_34 : memref<1x64xf32, #tpu.memory_space<hbm>> -> memref<64xf32, #tpu.memory_space<hbm>>
      %dma_start3A_36 = arith.constant 0 : i32
      %dma_start3A_37 = tpu.memref_slice %arg10[%dma_start3A_36] : memref<512xf32, #tpu.memory_space<vmem>> -> memref<64xf32, #tpu.memory_space<vmem>>
      tpu.enqueue_dma source(%dma_start3A_37 : memref<64xf32, #tpu.memory_space<vmem>>) target(%dma_start3A_35 : memref<64xf32, #tpu.memory_space<hbm>>) target_semaphore(%run_scoped3A : memref<!tpu.dma_semaphore, #tpu.memory_space<semaphore_mem>>)
      %dma_wait3A = arith.constant 0 : i32
      %dma_wait3A_38 = tpu.memref_slice %arg10[%dma_wait3A] : memref<512xf32, #tpu.memory_space<vmem>> -> memref<64xf32, #tpu.memory_space<vmem>>
      %dma_wait3A_39 = tpu.memref_slice %arg6[%arg0, %mul3A_30] : memref<2x1024xf32, #tpu.memory_space<hbm>> -> memref<1x64xf32, #tpu.memory_space<hbm>>
      %dma_wait3A_40 = tpu.memref_squeeze %dma_wait3A_39 : memref<1x64xf32, #tpu.memory_space<hbm>> -> memref<64xf32, #tpu.memory_space<hbm>>
      %dma_wait3A_41 = tpu.memref_slice %arg6[%arg0, %mul3A_30] : memref<2x1024xf32, #tpu.memory_space<hbm>> -> memref<1x64xf32, #tpu.memory_space<hbm>>
      %dma_wait3A_42 = tpu.memref_squeeze %dma_wait3A_41 : memref<1x64xf32, #tpu.memory_space<hbm>> -> memref<64xf32, #tpu.memory_space<hbm>>
      %dma_wait3A_43 = arith.constant 0 : i32
      %dma_wait3A_44 = tpu.memref_slice %arg10[%dma_wait3A_43] : memref<512xf32, #tpu.memory_space<vmem>> -> memref<64xf32, #tpu.memory_space<vmem>>
      tpu.wait_dma2 semaphore(%run_scoped3A : memref<!tpu.dma_semaphore, #tpu.memory_space<semaphore_mem>>) src(%dma_wait3A_44 : memref<64xf32, #tpu.memory_space<vmem>>) dst(%dma_wait3A_42 : memref<64xf32, #tpu.memory_space<hbm>>)
      tpu.yield
    }) : () -> ()
    return
  }
}

#map = affine_map<(d0, d1) -> (0, 0)>
#map1 = affine_map<(d0, d1) -> (0, 0, 0)>
module attributes {stable_mosaic.version = 14 : i64} {
  func.func @k(%arg0: i32, %arg1: i32, %arg2: memref<32x1024xi32, #tpu.memory_space<hbm>>, %arg3: memref<32x1024xi32, #tpu.memory_space<hbm>>, %arg4: memref<1024x128xf32, #tpu.memory_space<hbm>>, %arg5: memref<32x8x128xi32, #tpu.memory_space<hbm>>, %arg6: memref<32x128xi32, #tpu.memory_space<hbm>>, %arg7: memref<65x128xf32, #tpu.memory_space<hbm>>, %arg8: memref<2x1024x128xf32, #tpu.memory_space<hbm>>, %arg9: memref<1024xi32, #tpu.memory_space<vmem>>, %arg10: memref<1024xi32, #tpu.memory_space<vmem>>, %arg11: memref<8x128xi32, #tpu.memory_space<vmem>>, %arg12: memref<128xi32, #tpu.memory_space<vmem>>, %arg13: memref<1280xi32, #tpu.memory_space<vmem>>, %arg14: memref<1280xi32, #tpu.memory_space<vmem>>, %arg15: memref<128x128xf32, #tpu.memory_space<vmem>>, %arg16: memref<65x128xf32, #tpu.memory_space<vmem>>, %arg17: memref<1040x128xf32, #tpu.memory_space<vmem_shared>>, %arg18: memref<20480xi32, #tpu.memory_space<vmem_shared>>, %arg19: memref<20480xi32, #tpu.memory_space<vmem_shared>>, %arg20: memref<!tpu.dma_semaphore, #tpu.memory_space<semaphore_mem>>, %arg21: memref<!tpu.dma_semaphore, #tpu.memory_space<semaphore_mem>>) attributes {dimension_semantics = [#tpu.dimension_semantics<core_parallel>, #tpu.dimension_semantics<subcore_parallel>], iteration_bounds = array<i64: 2, 16>, scalar_prefetch = 0 : i64, scratch_operands = 13 : i64, tpu.core_type = #tpu.core_type<sc_vector_subcore>, window_params = [{transform_indices = #map}, {transform_indices = #map}, {transform_indices = #map}, {transform_indices = #map1}, {transform_indices = #map}, {transform_indices = #map}, {transform_indices = #map1}]} {
    %mul3A = arith.constant 2 : i32
    %mul3A_0 = arith.muli %arg1, %mul3A : i32
    %add3A = arith.addi %mul3A_0, %arg0 : i32
    %iota3A = tpu.iota {dimensions = array<i32: 0>} : vector<16xi32>
    "tpu.region"() ({
      %run_scoped3A = tpu.sem_alloc : memref<!tpu.dma_semaphore, #tpu.memory_space<semaphore_mem>>
      tpu.enqueue_dma source(%arg7 : memref<65x128xf32, #tpu.memory_space<hbm>>) target(%arg16 : memref<65x128xf32, #tpu.memory_space<vmem>>) target_semaphore(%run_scoped3A : memref<!tpu.dma_semaphore, #tpu.memory_space<semaphore_mem>>)
      tpu.wait_dma2 semaphore(%run_scoped3A : memref<!tpu.dma_semaphore, #tpu.memory_space<semaphore_mem>>) src(%arg7 : memref<65x128xf32, #tpu.memory_space<hbm>>) dst(%arg16 : memref<65x128xf32, #tpu.memory_space<vmem>>)
      tpu.yield
    }) : () -> ()
    %mul3A_1 = arith.constant 65 : i32
    %mul3A_2 = arith.muli %arg1, %mul3A_1 : i32
    "tpu.region"() ({
      %run_scoped3A = tpu.sem_alloc : memref<!tpu.dma_semaphore, #tpu.memory_space<semaphore_mem>>
      %dma_start3A_255 = arith.constant 0 : i32
      %dma_start3A_256 = tpu.memref_slice %arg17[%mul3A_2, %dma_start3A_255] : memref<1040x128xf32, #tpu.memory_space<vmem_shared>> -> memref<65x128xf32, #tpu.memory_space<vmem_shared>>
      %dma_start3A_257 = arith.constant 0 : i32
      %dma_start3A_258 = tpu.memref_slice %arg17[%mul3A_2, %dma_start3A_257] : memref<1040x128xf32, #tpu.memory_space<vmem_shared>> -> memref<65x128xf32, #tpu.memory_space<vmem_shared>>
      tpu.enqueue_dma source(%arg16 : memref<65x128xf32, #tpu.memory_space<vmem>>) target(%dma_start3A_258 : memref<65x128xf32, #tpu.memory_space<vmem_shared>>) target_semaphore(%run_scoped3A : memref<!tpu.dma_semaphore, #tpu.memory_space<semaphore_mem>>)
      %dma_wait3A_259 = arith.constant 0 : i32
      %dma_wait3A_260 = tpu.memref_slice %arg17[%mul3A_2, %dma_wait3A_259] : memref<1040x128xf32, #tpu.memory_space<vmem_shared>> -> memref<65x128xf32, #tpu.memory_space<vmem_shared>>
      %dma_wait3A_261 = arith.constant 0 : i32
      %dma_wait3A_262 = tpu.memref_slice %arg17[%mul3A_2, %dma_wait3A_261] : memref<1040x128xf32, #tpu.memory_space<vmem_shared>> -> memref<65x128xf32, #tpu.memory_space<vmem_shared>>
      tpu.wait_dma2 semaphore(%run_scoped3A : memref<!tpu.dma_semaphore, #tpu.memory_space<semaphore_mem>>) src(%arg16 : memref<65x128xf32, #tpu.memory_space<vmem>>) dst(%dma_wait3A_262 : memref<65x128xf32, #tpu.memory_space<vmem_shared>>)
      tpu.yield
    }) : () -> ()
    %dma_start3A = arith.constant 0 : i32
    %dma_start3A_3 = tpu.memref_slice %arg2[%add3A, %dma_start3A] : memref<32x1024xi32, #tpu.memory_space<hbm>> -> memref<1x1024xi32, #tpu.memory_space<hbm>>
    %dma_start3A_4 = tpu.memref_squeeze %dma_start3A_3 : memref<1x1024xi32, #tpu.memory_space<hbm>> -> memref<1024xi32, #tpu.memory_space<hbm>>
    %dma_start3A_5 = arith.constant 0 : i32
    %dma_start3A_6 = tpu.memref_slice %arg2[%add3A, %dma_start3A_5] : memref<32x1024xi32, #tpu.memory_space<hbm>> -> memref<1x1024xi32, #tpu.memory_space<hbm>>
    %dma_start3A_7 = tpu.memref_squeeze %dma_start3A_6 : memref<1x1024xi32, #tpu.memory_space<hbm>> -> memref<1024xi32, #tpu.memory_space<hbm>>
    tpu.enqueue_dma source(%dma_start3A_7 : memref<1024xi32, #tpu.memory_space<hbm>>) target(%arg9 : memref<1024xi32, #tpu.memory_space<vmem>>) target_semaphore(%arg20 : memref<!tpu.dma_semaphore, #tpu.memory_space<semaphore_mem>>)
    %dma_start3A_8 = arith.constant 0 : i32
    %dma_start3A_9 = tpu.memref_slice %arg3[%add3A, %dma_start3A_8] : memref<32x1024xi32, #tpu.memory_space<hbm>> -> memref<1x1024xi32, #tpu.memory_space<hbm>>
    %dma_start3A_10 = tpu.memref_squeeze %dma_start3A_9 : memref<1x1024xi32, #tpu.memory_space<hbm>> -> memref<1024xi32, #tpu.memory_space<hbm>>
    %dma_start3A_11 = arith.constant 0 : i32
    %dma_start3A_12 = tpu.memref_slice %arg3[%add3A, %dma_start3A_11] : memref<32x1024xi32, #tpu.memory_space<hbm>> -> memref<1x1024xi32, #tpu.memory_space<hbm>>
    %dma_start3A_13 = tpu.memref_squeeze %dma_start3A_12 : memref<1x1024xi32, #tpu.memory_space<hbm>> -> memref<1024xi32, #tpu.memory_space<hbm>>
    tpu.enqueue_dma source(%dma_start3A_13 : memref<1024xi32, #tpu.memory_space<hbm>>) target(%arg10 : memref<1024xi32, #tpu.memory_space<vmem>>) target_semaphore(%arg21 : memref<!tpu.dma_semaphore, #tpu.memory_space<semaphore_mem>>)
    %dma_wait3A = arith.constant 0 : i32
    %dma_wait3A_14 = tpu.memref_slice %arg2[%add3A, %dma_wait3A] : memref<32x1024xi32, #tpu.memory_space<hbm>> -> memref<1x1024xi32, #tpu.memory_space<hbm>>
    %dma_wait3A_15 = tpu.memref_squeeze %dma_wait3A_14 : memref<1x1024xi32, #tpu.memory_space<hbm>> -> memref<1024xi32, #tpu.memory_space<hbm>>
    %dma_wait3A_16 = arith.constant 0 : i32
    %dma_wait3A_17 = tpu.memref_slice %arg2[%add3A, %dma_wait3A_16] : memref<32x1024xi32, #tpu.memory_space<hbm>> -> memref<1x1024xi32, #tpu.memory_space<hbm>>
    %dma_wait3A_18 = tpu.memref_squeeze %dma_wait3A_17 : memref<1x1024xi32, #tpu.memory_space<hbm>> -> memref<1024xi32, #tpu.memory_space<hbm>>
    tpu.wait_dma2 semaphore(%arg20 : memref<!tpu.dma_semaphore, #tpu.memory_space<semaphore_mem>>) src(%dma_wait3A_18 : memref<1024xi32, #tpu.memory_space<hbm>>) dst(%arg9 : memref<1024xi32, #tpu.memory_space<vmem>>)
    %dma_wait3A_19 = arith.constant 0 : i32
    %dma_wait3A_20 = tpu.memref_slice %arg3[%add3A, %dma_wait3A_19] : memref<32x1024xi32, #tpu.memory_space<hbm>> -> memref<1x1024xi32, #tpu.memory_space<hbm>>
    %dma_wait3A_21 = tpu.memref_squeeze %dma_wait3A_20 : memref<1x1024xi32, #tpu.memory_space<hbm>> -> memref<1024xi32, #tpu.memory_space<hbm>>
    %dma_wait3A_22 = arith.constant 0 : i32
    %dma_wait3A_23 = tpu.memref_slice %arg3[%add3A, %dma_wait3A_22] : memref<32x1024xi32, #tpu.memory_space<hbm>> -> memref<1x1024xi32, #tpu.memory_space<hbm>>
    %dma_wait3A_24 = tpu.memref_squeeze %dma_wait3A_23 : memref<1x1024xi32, #tpu.memory_space<hbm>> -> memref<1024xi32, #tpu.memory_space<hbm>>
    tpu.wait_dma2 semaphore(%arg21 : memref<!tpu.dma_semaphore, #tpu.memory_space<semaphore_mem>>) src(%dma_wait3A_24 : memref<1024xi32, #tpu.memory_space<hbm>>) dst(%arg10 : memref<1024xi32, #tpu.memory_space<vmem>>)
    %dma_start3A_25 = arith.constant 0 : i32
    %dma_start3A_26 = arith.constant 0 : i32
    %dma_start3A_27 = tpu.memref_slice %arg5[%add3A, %dma_start3A_25, %dma_start3A_26] : memref<32x8x128xi32, #tpu.memory_space<hbm>> -> memref<1x8x128xi32, #tpu.memory_space<hbm>>
    %dma_start3A_28 = tpu.memref_squeeze %dma_start3A_27 : memref<1x8x128xi32, #tpu.memory_space<hbm>> -> memref<8x128xi32, #tpu.memory_space<hbm>>
    %dma_start3A_29 = arith.constant 0 : i32
    %dma_start3A_30 = arith.constant 0 : i32
    %dma_start3A_31 = tpu.memref_slice %arg5[%add3A, %dma_start3A_29, %dma_start3A_30] : memref<32x8x128xi32, #tpu.memory_space<hbm>> -> memref<1x8x128xi32, #tpu.memory_space<hbm>>
    %dma_start3A_32 = tpu.memref_squeeze %dma_start3A_31 : memref<1x8x128xi32, #tpu.memory_space<hbm>> -> memref<8x128xi32, #tpu.memory_space<hbm>>
    tpu.enqueue_dma source(%dma_start3A_32 : memref<8x128xi32, #tpu.memory_space<hbm>>) target(%arg11 : memref<8x128xi32, #tpu.memory_space<vmem>>) target_semaphore(%arg20 : memref<!tpu.dma_semaphore, #tpu.memory_space<semaphore_mem>>)
    %dma_start3A_33 = arith.constant 0 : i32
    %dma_start3A_34 = tpu.memref_slice %arg6[%add3A, %dma_start3A_33] : memref<32x128xi32, #tpu.memory_space<hbm>> -> memref<1x128xi32, #tpu.memory_space<hbm>>
    %dma_start3A_35 = tpu.memref_squeeze %dma_start3A_34 : memref<1x128xi32, #tpu.memory_space<hbm>> -> memref<128xi32, #tpu.memory_space<hbm>>
    %dma_start3A_36 = arith.constant 0 : i32
    %dma_start3A_37 = tpu.memref_slice %arg6[%add3A, %dma_start3A_36] : memref<32x128xi32, #tpu.memory_space<hbm>> -> memref<1x128xi32, #tpu.memory_space<hbm>>
    %dma_start3A_38 = tpu.memref_squeeze %dma_start3A_37 : memref<1x128xi32, #tpu.memory_space<hbm>> -> memref<128xi32, #tpu.memory_space<hbm>>
    tpu.enqueue_dma source(%dma_start3A_38 : memref<128xi32, #tpu.memory_space<hbm>>) target(%arg12 : memref<128xi32, #tpu.memory_space<vmem>>) target_semaphore(%arg21 : memref<!tpu.dma_semaphore, #tpu.memory_space<semaphore_mem>>)
    %dma_wait3A_39 = arith.constant 0 : i32
    %dma_wait3A_40 = arith.constant 0 : i32
    %dma_wait3A_41 = tpu.memref_slice %arg5[%add3A, %dma_wait3A_39, %dma_wait3A_40] : memref<32x8x128xi32, #tpu.memory_space<hbm>> -> memref<1x8x128xi32, #tpu.memory_space<hbm>>
    %dma_wait3A_42 = tpu.memref_squeeze %dma_wait3A_41 : memref<1x8x128xi32, #tpu.memory_space<hbm>> -> memref<8x128xi32, #tpu.memory_space<hbm>>
    %dma_wait3A_43 = arith.constant 0 : i32
    %dma_wait3A_44 = arith.constant 0 : i32
    %dma_wait3A_45 = tpu.memref_slice %arg5[%add3A, %dma_wait3A_43, %dma_wait3A_44] : memref<32x8x128xi32, #tpu.memory_space<hbm>> -> memref<1x8x128xi32, #tpu.memory_space<hbm>>
    %dma_wait3A_46 = tpu.memref_squeeze %dma_wait3A_45 : memref<1x8x128xi32, #tpu.memory_space<hbm>> -> memref<8x128xi32, #tpu.memory_space<hbm>>
    tpu.wait_dma2 semaphore(%arg20 : memref<!tpu.dma_semaphore, #tpu.memory_space<semaphore_mem>>) src(%dma_wait3A_46 : memref<8x128xi32, #tpu.memory_space<hbm>>) dst(%arg11 : memref<8x128xi32, #tpu.memory_space<vmem>>)
    %dma_wait3A_47 = arith.constant 0 : i32
    %dma_wait3A_48 = tpu.memref_slice %arg6[%add3A, %dma_wait3A_47] : memref<32x128xi32, #tpu.memory_space<hbm>> -> memref<1x128xi32, #tpu.memory_space<hbm>>
    %dma_wait3A_49 = tpu.memref_squeeze %dma_wait3A_48 : memref<1x128xi32, #tpu.memory_space<hbm>> -> memref<128xi32, #tpu.memory_space<hbm>>
    %dma_wait3A_50 = arith.constant 0 : i32
    %dma_wait3A_51 = tpu.memref_slice %arg6[%add3A, %dma_wait3A_50] : memref<32x128xi32, #tpu.memory_space<hbm>> -> memref<1x128xi32, #tpu.memory_space<hbm>>
    %dma_wait3A_52 = tpu.memref_squeeze %dma_wait3A_51 : memref<1x128xi32, #tpu.memory_space<hbm>> -> memref<128xi32, #tpu.memory_space<hbm>>
    tpu.wait_dma2 semaphore(%arg21 : memref<!tpu.dma_semaphore, #tpu.memory_space<semaphore_mem>>) src(%dma_wait3A_52 : memref<128xi32, #tpu.memory_space<hbm>>) dst(%arg12 : memref<128xi32, #tpu.memory_space<vmem>>)
    %barrier3A = arith.constant 0 : index
    tpu.barrier barrier_id(%barrier3A)
    %get3A = arith.constant 0 : index
    %get3A_53 = tpu.vector_load %arg12[%get3A] {strides = array<i32>} : memref<128xi32, #tpu.memory_space<vmem>>, vector<16xi32>,
    %get3A_54 = vector.shape_cast %get3A_53 : vector<16xi32> to vector<16xi32>
    %slice3A = vector.extract_strided_slice %get3A_54 {offsets = [0], sizes = [1], strides = [1]} : vector<16xi32> to vector<1xi32>
    %squeeze3A = vector.extract %slice3A[0] : i32 from vector<1xi32>
    %slice3A_55 = vector.extract_strided_slice %get3A_54 {offsets = [1], sizes = [1], strides = [1]} : vector<16xi32> to vector<1xi32>
    %squeeze3A_56 = vector.extract %slice3A_55[0] : i32 from vector<1xi32>
    %scan3A = arith.constant 0 : i32
    %scan3A_57 = arith.constant 0 : i32
    %scan3A_58 = arith.constant 8 : i32
    %scan3A_59 = arith.addi %scan3A_57, %scan3A_58 : i32
    %scan3A_60 = arith.constant 1 : i32
    scf.for %scan3A_255 = %scan3A_57 to %scan3A_59 step %scan3A_60  : i32 {
      %mul3A_256 = arith.constant 128 : i32
      %mul3A_257 = arith.muli %scan3A_255, %mul3A_256 : i32
      %dma_start3A_258 = tpu.memref_slice %arg9[%mul3A_257] : memref<1024xi32, #tpu.memory_space<vmem>> -> memref<128xi32, #tpu.memory_space<vmem>>
      %dma_start3A_259 = arith.constant 0 : i32
      %dma_start3A_260 = tpu.memref_slice %arg11[%scan3A_255, %dma_start3A_259] : memref<8x128xi32, #tpu.memory_space<vmem>> -> memref<1x128xi32, #tpu.memory_space<vmem>>
      %dma_start3A_261 = tpu.memref_squeeze %dma_start3A_260 : memref<1x128xi32, #tpu.memory_space<vmem>> -> memref<128xi32, #tpu.memory_space<vmem>>
      %dma_start3A_262 = arith.constant 0 : i32
      %dma_start3A_263 = tpu.memref_slice %arg18[%dma_start3A_262] : memref<20480xi32, #tpu.memory_space<vmem_shared>> -> memref<20480xi32, #tpu.memory_space<vmem_shared>>
      tpu.enqueue_indirect_dma source(%dma_start3A_258 : memref<128xi32, #tpu.memory_space<vmem>>) target(%dma_start3A_263 : memref<20480xi32, #tpu.memory_space<vmem_shared>>) offsets(%dma_start3A_261 : memref<128xi32, #tpu.memory_space<vmem>>) semaphore(%arg20 : memref<!tpu.dma_semaphore, #tpu.memory_space<semaphore_mem>>)
      %mul3A_264 = arith.constant 128 : i32
      %mul3A_265 = arith.muli %scan3A_255, %mul3A_264 : i32
      %dma_start3A_266 = tpu.memref_slice %arg10[%mul3A_265] : memref<1024xi32, #tpu.memory_space<vmem>> -> memref<128xi32, #tpu.memory_space<vmem>>
      %dma_start3A_267 = arith.constant 0 : i32
      %dma_start3A_268 = tpu.memref_slice %arg11[%scan3A_255, %dma_start3A_267] : memref<8x128xi32, #tpu.memory_space<vmem>> -> memref<1x128xi32, #tpu.memory_space<vmem>>
      %dma_start3A_269 = tpu.memref_squeeze %dma_start3A_268 : memref<1x128xi32, #tpu.memory_space<vmem>> -> memref<128xi32, #tpu.memory_space<vmem>>
      %dma_start3A_270 = arith.constant 0 : i32
      %dma_start3A_271 = tpu.memref_slice %arg19[%dma_start3A_270] : memref<20480xi32, #tpu.memory_space<vmem_shared>> -> memref<20480xi32, #tpu.memory_space<vmem_shared>>
      tpu.enqueue_indirect_dma source(%dma_start3A_266 : memref<128xi32, #tpu.memory_space<vmem>>) target(%dma_start3A_271 : memref<20480xi32, #tpu.memory_space<vmem_shared>>) offsets(%dma_start3A_269 : memref<128xi32, #tpu.memory_space<vmem>>) semaphore(%arg21 : memref<!tpu.dma_semaphore, #tpu.memory_space<semaphore_mem>>)
      %dma_wait3A_272 = tpu.memref_slice %arg9[%mul3A_257] : memref<1024xi32, #tpu.memory_space<vmem>> -> memref<128xi32, #tpu.memory_space<vmem>>
      %dma_wait3A_273 = arith.constant 0 : i32
      %dma_wait3A_274 = tpu.memref_slice %arg11[%scan3A_255, %dma_wait3A_273] : memref<8x128xi32, #tpu.memory_space<vmem>> -> memref<1x128xi32, #tpu.memory_space<vmem>>
      %dma_wait3A_275 = tpu.memref_squeeze %dma_wait3A_274 : memref<1x128xi32, #tpu.memory_space<vmem>> -> memref<128xi32, #tpu.memory_space<vmem>>
      %dma_wait3A_276 = arith.constant 0 : i32
      %dma_wait3A_277 = tpu.memref_slice %arg18[%dma_wait3A_276] : memref<20480xi32, #tpu.memory_space<vmem_shared>> -> memref<20480xi32, #tpu.memory_space<vmem_shared>>
      tpu.wait_indirect_dma semaphore(%arg20 : memref<!tpu.dma_semaphore, #tpu.memory_space<semaphore_mem>>) src(%dma_wait3A_272 : memref<128xi32, #tpu.memory_space<vmem>>) dst(%dma_wait3A_277 : memref<20480xi32, #tpu.memory_space<vmem_shared>>)
      %dma_wait3A_278 = tpu.memref_slice %arg10[%mul3A_265] : memref<1024xi32, #tpu.memory_space<vmem>> -> memref<128xi32, #tpu.memory_space<vmem>>
      %dma_wait3A_279 = arith.constant 0 : i32
      %dma_wait3A_280 = tpu.memref_slice %arg11[%scan3A_255, %dma_wait3A_279] : memref<8x128xi32, #tpu.memory_space<vmem>> -> memref<1x128xi32, #tpu.memory_space<vmem>>
      %dma_wait3A_281 = tpu.memref_squeeze %dma_wait3A_280 : memref<1x128xi32, #tpu.memory_space<vmem>> -> memref<128xi32, #tpu.memory_space<vmem>>
      %dma_wait3A_282 = arith.constant 0 : i32
      %dma_wait3A_283 = tpu.memref_slice %arg19[%dma_wait3A_282] : memref<20480xi32, #tpu.memory_space<vmem_shared>> -> memref<20480xi32, #tpu.memory_space<vmem_shared>>
      tpu.wait_indirect_dma semaphore(%arg21 : memref<!tpu.dma_semaphore, #tpu.memory_space<semaphore_mem>>) src(%dma_wait3A_278 : memref<128xi32, #tpu.memory_space<vmem>>) dst(%dma_wait3A_283 : memref<20480xi32, #tpu.memory_space<vmem_shared>>)
    }
    %scan3A_61 = arith.constant 8 : i32
    %mul3A_62 = arith.constant 1280 : i32
    %mul3A_63 = arith.muli %arg1, %mul3A_62 : i32
    "tpu.region"() ({
      %run_scoped3A = tpu.sem_alloc : memref<!tpu.dma_semaphore, #tpu.memory_space<semaphore_mem>>
      %dma_start3A_255 = tpu.memref_slice %arg18[%mul3A_63] : memref<20480xi32, #tpu.memory_space<vmem_shared>> -> memref<1280xi32, #tpu.memory_space<vmem_shared>>
      %dma_start3A_256 = tpu.memref_slice %arg18[%mul3A_63] : memref<20480xi32, #tpu.memory_space<vmem_shared>> -> memref<1280xi32, #tpu.memory_space<vmem_shared>>
      tpu.enqueue_dma source(%dma_start3A_256 : memref<1280xi32, #tpu.memory_space<vmem_shared>>) target(%arg13 : memref<1280xi32, #tpu.memory_space<vmem>>) target_semaphore(%run_scoped3A : memref<!tpu.dma_semaphore, #tpu.memory_space<semaphore_mem>>)
      %dma_wait3A_257 = tpu.memref_slice %arg18[%mul3A_63] : memref<20480xi32, #tpu.memory_space<vmem_shared>> -> memref<1280xi32, #tpu.memory_space<vmem_shared>>
      %dma_wait3A_258 = tpu.memref_slice %arg18[%mul3A_63] : memref<20480xi32, #tpu.memory_space<vmem_shared>> -> memref<1280xi32, #tpu.memory_space<vmem_shared>>
      tpu.wait_dma2 semaphore(%run_scoped3A : memref<!tpu.dma_semaphore, #tpu.memory_space<semaphore_mem>>) src(%dma_wait3A_258 : memref<1280xi32, #tpu.memory_space<vmem_shared>>) dst(%arg13 : memref<1280xi32, #tpu.memory_space<vmem>>)
      tpu.yield
    }) : () -> ()
    %mul3A_64 = arith.constant 1280 : i32
    %mul3A_65 = arith.muli %arg1, %mul3A_64 : i32
    "tpu.region"() ({
      %run_scoped3A = tpu.sem_alloc : memref<!tpu.dma_semaphore, #tpu.memory_space<semaphore_mem>>
      %dma_start3A_255 = tpu.memref_slice %arg19[%mul3A_65] : memref<20480xi32, #tpu.memory_space<vmem_shared>> -> memref<1280xi32, #tpu.memory_space<vmem_shared>>
      %dma_start3A_256 = tpu.memref_slice %arg19[%mul3A_65] : memref<20480xi32, #tpu.memory_space<vmem_shared>> -> memref<1280xi32, #tpu.memory_space<vmem_shared>>
      tpu.enqueue_dma source(%dma_start3A_256 : memref<1280xi32, #tpu.memory_space<vmem_shared>>) target(%arg14 : memref<1280xi32, #tpu.memory_space<vmem>>) target_semaphore(%run_scoped3A : memref<!tpu.dma_semaphore, #tpu.memory_space<semaphore_mem>>)
      %dma_wait3A_257 = tpu.memref_slice %arg19[%mul3A_65] : memref<20480xi32, #tpu.memory_space<vmem_shared>> -> memref<1280xi32, #tpu.memory_space<vmem_shared>>
      %dma_wait3A_258 = tpu.memref_slice %arg19[%mul3A_65] : memref<20480xi32, #tpu.memory_space<vmem_shared>> -> memref<1280xi32, #tpu.memory_space<vmem_shared>>
      tpu.wait_dma2 semaphore(%run_scoped3A : memref<!tpu.dma_semaphore, #tpu.memory_space<semaphore_mem>>) src(%dma_wait3A_258 : memref<1280xi32, #tpu.memory_space<vmem_shared>>) dst(%arg14 : memref<1280xi32, #tpu.memory_space<vmem>>)
      tpu.yield
    }) : () -> ()
    %mul3A_66 = arith.constant 64 : i32
    %mul3A_67 = vector.broadcast %mul3A_66 : i32 to vector<16xi32>
    %mul3A_68 = arith.muli %iota3A, %mul3A_67 : vector<16xi32>
    %add3A_69 = arith.constant 0 : i32
    %add3A_70 = vector.broadcast %add3A_69 : i32 to vector<16xi32>
    %add3A_71 = arith.addi %mul3A_68, %add3A_70 : vector<16xi32>
    %add3A_72 = arith.constant 0 : i32
    %add3A_73 = arith.addi %squeeze3A, %add3A_72 : i32
    %swap3A = arith.index_cast %add3A_73 : i32 to index
    %swap3A_74 = tpu.vector_load %arg13[%swap3A] {strides = array<i32>} : memref<1280xi32, #tpu.memory_space<vmem>>, vector<16xi32>,
    %swap3A_75 = vector.shape_cast %swap3A_74 : vector<16xi32> to vector<16xi32>
    %swap3A_76 = vector.shape_cast %add3A_71 : vector<16xi32> to vector<16xi32>
    tpu.vector_store %arg13[%swap3A], %swap3A_76 {strides = array<i32>} : memref<1280xi32, #tpu.memory_space<vmem>>, vector<16xi32>,
    %broadcast_in_dim3A = arith.constant 1024 : i32
    %broadcast_in_dim3A_77 = vector.broadcast %broadcast_in_dim3A : i32 to vector<16xi32>
    %add3A_78 = vector.broadcast %arg1 : i32 to vector<16xi32>
    %add3A_79 = arith.addi %broadcast_in_dim3A_77, %add3A_78 : vector<16xi32>
    %add3A_80 = arith.constant 0 : i32
    %add3A_81 = arith.addi %squeeze3A, %add3A_80 : i32
    %swap3A_82 = arith.index_cast %add3A_81 : i32 to index
    %swap3A_83 = tpu.vector_load %arg14[%swap3A_82] {strides = array<i32>} : memref<1280xi32, #tpu.memory_space<vmem>>, vector<16xi32>,
    %swap3A_84 = vector.shape_cast %swap3A_83 : vector<16xi32> to vector<16xi32>
    %swap3A_85 = vector.shape_cast %add3A_79 : vector<16xi32> to vector<16xi32>
    tpu.vector_store %arg14[%swap3A_82], %swap3A_85 {strides = array<i32>} : memref<1280xi32, #tpu.memory_space<vmem>>, vector<16xi32>,
    %mul3A_86 = arith.constant 64 : i32
    %mul3A_87 = vector.broadcast %mul3A_86 : i32 to vector<16xi32>
    %mul3A_88 = arith.muli %iota3A, %mul3A_87 : vector<16xi32>
    %add3A_89 = arith.constant 7 : i32
    %add3A_90 = vector.broadcast %add3A_89 : i32 to vector<16xi32>
    %add3A_91 = arith.addi %mul3A_88, %add3A_90 : vector<16xi32>
    %add3A_92 = arith.constant 16 : i32
    %add3A_93 = arith.addi %squeeze3A, %add3A_92 : i32
    %swap3A_94 = arith.index_cast %add3A_93 : i32 to index
    %swap3A_95 = tpu.vector_load %arg13[%swap3A_94] {strides = array<i32>} : memref<1280xi32, #tpu.memory_space<vmem>>, vector<16xi32>,
    %swap3A_96 = vector.shape_cast %swap3A_95 : vector<16xi32> to vector<16xi32>
    %swap3A_97 = vector.shape_cast %add3A_91 : vector<16xi32> to vector<16xi32>
    tpu.vector_store %arg13[%swap3A_94], %swap3A_97 {strides = array<i32>} : memref<1280xi32, #tpu.memory_space<vmem>>, vector<16xi32>,
    %broadcast_in_dim3A_98 = arith.constant 1024 : i32
    %broadcast_in_dim3A_99 = vector.broadcast %broadcast_in_dim3A_98 : i32 to vector<16xi32>
    %add3A_100 = vector.broadcast %arg1 : i32 to vector<16xi32>
    %add3A_101 = arith.addi %broadcast_in_dim3A_99, %add3A_100 : vector<16xi32>
    %add3A_102 = arith.constant 16 : i32
    %add3A_103 = arith.addi %squeeze3A, %add3A_102 : i32
    %swap3A_104 = arith.index_cast %add3A_103 : i32 to index
    %swap3A_105 = tpu.vector_load %arg14[%swap3A_104] {strides = array<i32>} : memref<1280xi32, #tpu.memory_space<vmem>>, vector<16xi32>,
    %swap3A_106 = vector.shape_cast %swap3A_105 : vector<16xi32> to vector<16xi32>
    %swap3A_107 = vector.shape_cast %add3A_101 : vector<16xi32> to vector<16xi32>
    tpu.vector_store %arg14[%swap3A_104], %swap3A_107 {strides = array<i32>} : memref<1280xi32, #tpu.memory_space<vmem>>, vector<16xi32>,
    %mul3A_108 = arith.constant 64 : i32
    %mul3A_109 = vector.broadcast %mul3A_108 : i32 to vector<16xi32>
    %mul3A_110 = arith.muli %iota3A, %mul3A_109 : vector<16xi32>
    %add3A_111 = arith.constant 14 : i32
    %add3A_112 = vector.broadcast %add3A_111 : i32 to vector<16xi32>
    %add3A_113 = arith.addi %mul3A_110, %add3A_112 : vector<16xi32>
    %add3A_114 = arith.constant 32 : i32
    %add3A_115 = arith.addi %squeeze3A, %add3A_114 : i32
    %swap3A_116 = arith.index_cast %add3A_115 : i32 to index
    %swap3A_117 = tpu.vector_load %arg13[%swap3A_116] {strides = array<i32>} : memref<1280xi32, #tpu.memory_space<vmem>>, vector<16xi32>,
    %swap3A_118 = vector.shape_cast %swap3A_117 : vector<16xi32> to vector<16xi32>
    %swap3A_119 = vector.shape_cast %add3A_113 : vector<16xi32> to vector<16xi32>
    tpu.vector_store %arg13[%swap3A_116], %swap3A_119 {strides = array<i32>} : memref<1280xi32, #tpu.memory_space<vmem>>, vector<16xi32>,
    %broadcast_in_dim3A_120 = arith.constant 1024 : i32
    %broadcast_in_dim3A_121 = vector.broadcast %broadcast_in_dim3A_120 : i32 to vector<16xi32>
    %add3A_122 = vector.broadcast %arg1 : i32 to vector<16xi32>
    %add3A_123 = arith.addi %broadcast_in_dim3A_121, %add3A_122 : vector<16xi32>
    %add3A_124 = arith.constant 32 : i32
    %add3A_125 = arith.addi %squeeze3A, %add3A_124 : i32
    %swap3A_126 = arith.index_cast %add3A_125 : i32 to index
    %swap3A_127 = tpu.vector_load %arg14[%swap3A_126] {strides = array<i32>} : memref<1280xi32, #tpu.memory_space<vmem>>, vector<16xi32>,
    %swap3A_128 = vector.shape_cast %swap3A_127 : vector<16xi32> to vector<16xi32>
    %swap3A_129 = vector.shape_cast %add3A_123 : vector<16xi32> to vector<16xi32>
    tpu.vector_store %arg14[%swap3A_126], %swap3A_129 {strides = array<i32>} : memref<1280xi32, #tpu.memory_space<vmem>>, vector<16xi32>,
    %mul3A_130 = arith.constant 64 : i32
    %mul3A_131 = vector.broadcast %mul3A_130 : i32 to vector<16xi32>
    %mul3A_132 = arith.muli %iota3A, %mul3A_131 : vector<16xi32>
    %add3A_133 = arith.constant 21 : i32
    %add3A_134 = vector.broadcast %add3A_133 : i32 to vector<16xi32>
    %add3A_135 = arith.addi %mul3A_132, %add3A_134 : vector<16xi32>
    %add3A_136 = arith.constant 48 : i32
    %add3A_137 = arith.addi %squeeze3A, %add3A_136 : i32
    %swap3A_138 = arith.index_cast %add3A_137 : i32 to index
    %swap3A_139 = tpu.vector_load %arg13[%swap3A_138] {strides = array<i32>} : memref<1280xi32, #tpu.memory_space<vmem>>, vector<16xi32>,
    %swap3A_140 = vector.shape_cast %swap3A_139 : vector<16xi32> to vector<16xi32>
    %swap3A_141 = vector.shape_cast %add3A_135 : vector<16xi32> to vector<16xi32>
    tpu.vector_store %arg13[%swap3A_138], %swap3A_141 {strides = array<i32>} : memref<1280xi32, #tpu.memory_space<vmem>>, vector<16xi32>,
    %broadcast_in_dim3A_142 = arith.constant 1024 : i32
    %broadcast_in_dim3A_143 = vector.broadcast %broadcast_in_dim3A_142 : i32 to vector<16xi32>
    %add3A_144 = vector.broadcast %arg1 : i32 to vector<16xi32>
    %add3A_145 = arith.addi %broadcast_in_dim3A_143, %add3A_144 : vector<16xi32>
    %add3A_146 = arith.constant 48 : i32
    %add3A_147 = arith.addi %squeeze3A, %add3A_146 : i32
    %swap3A_148 = arith.index_cast %add3A_147 : i32 to index
    %swap3A_149 = tpu.vector_load %arg14[%swap3A_148] {strides = array<i32>} : memref<1280xi32, #tpu.memory_space<vmem>>, vector<16xi32>,
    %swap3A_150 = vector.shape_cast %swap3A_149 : vector<16xi32> to vector<16xi32>
    %swap3A_151 = vector.shape_cast %add3A_145 : vector<16xi32> to vector<16xi32>
    tpu.vector_store %arg14[%swap3A_148], %swap3A_151 {strides = array<i32>} : memref<1280xi32, #tpu.memory_space<vmem>>, vector<16xi32>,
    %mul3A_152 = arith.constant 64 : i32
    %mul3A_153 = vector.broadcast %mul3A_152 : i32 to vector<16xi32>
    %mul3A_154 = arith.muli %iota3A, %mul3A_153 : vector<16xi32>
    %add3A_155 = arith.constant 28 : i32
    %add3A_156 = vector.broadcast %add3A_155 : i32 to vector<16xi32>
    %add3A_157 = arith.addi %mul3A_154, %add3A_156 : vector<16xi32>
    %add3A_158 = arith.constant 64 : i32
    %add3A_159 = arith.addi %squeeze3A, %add3A_158 : i32
    %swap3A_160 = arith.index_cast %add3A_159 : i32 to index
    %swap3A_161 = tpu.vector_load %arg13[%swap3A_160] {strides = array<i32>} : memref<1280xi32, #tpu.memory_space<vmem>>, vector<16xi32>,
    %swap3A_162 = vector.shape_cast %swap3A_161 : vector<16xi32> to vector<16xi32>
    %swap3A_163 = vector.shape_cast %add3A_157 : vector<16xi32> to vector<16xi32>
    tpu.vector_store %arg13[%swap3A_160], %swap3A_163 {strides = array<i32>} : memref<1280xi32, #tpu.memory_space<vmem>>, vector<16xi32>,
    %broadcast_in_dim3A_164 = arith.constant 1024 : i32
    %broadcast_in_dim3A_165 = vector.broadcast %broadcast_in_dim3A_164 : i32 to vector<16xi32>
    %add3A_166 = vector.broadcast %arg1 : i32 to vector<16xi32>
    %add3A_167 = arith.addi %broadcast_in_dim3A_165, %add3A_166 : vector<16xi32>
    %add3A_168 = arith.constant 64 : i32
    %add3A_169 = arith.addi %squeeze3A, %add3A_168 : i32
    %swap3A_170 = arith.index_cast %add3A_169 : i32 to index
    %swap3A_171 = tpu.vector_load %arg14[%swap3A_170] {strides = array<i32>} : memref<1280xi32, #tpu.memory_space<vmem>>, vector<16xi32>,
    %swap3A_172 = vector.shape_cast %swap3A_171 : vector<16xi32> to vector<16xi32>
    %swap3A_173 = vector.shape_cast %add3A_167 : vector<16xi32> to vector<16xi32>
    tpu.vector_store %arg14[%swap3A_170], %swap3A_173 {strides = array<i32>} : memref<1280xi32, #tpu.memory_space<vmem>>, vector<16xi32>,
    %mul3A_174 = arith.constant 64 : i32
    %mul3A_175 = vector.broadcast %mul3A_174 : i32 to vector<16xi32>
    %mul3A_176 = arith.muli %iota3A, %mul3A_175 : vector<16xi32>
    %add3A_177 = arith.constant 35 : i32
    %add3A_178 = vector.broadcast %add3A_177 : i32 to vector<16xi32>
    %add3A_179 = arith.addi %mul3A_176, %add3A_178 : vector<16xi32>
    %add3A_180 = arith.constant 80 : i32
    %add3A_181 = arith.addi %squeeze3A, %add3A_180 : i32
    %swap3A_182 = arith.index_cast %add3A_181 : i32 to index
    %swap3A_183 = tpu.vector_load %arg13[%swap3A_182] {strides = array<i32>} : memref<1280xi32, #tpu.memory_space<vmem>>, vector<16xi32>,
    %swap3A_184 = vector.shape_cast %swap3A_183 : vector<16xi32> to vector<16xi32>
    %swap3A_185 = vector.shape_cast %add3A_179 : vector<16xi32> to vector<16xi32>
    tpu.vector_store %arg13[%swap3A_182], %swap3A_185 {strides = array<i32>} : memref<1280xi32, #tpu.memory_space<vmem>>, vector<16xi32>,
    %broadcast_in_dim3A_186 = arith.constant 1024 : i32
    %broadcast_in_dim3A_187 = vector.broadcast %broadcast_in_dim3A_186 : i32 to vector<16xi32>
    %add3A_188 = vector.broadcast %arg1 : i32 to vector<16xi32>
    %add3A_189 = arith.addi %broadcast_in_dim3A_187, %add3A_188 : vector<16xi32>
    %add3A_190 = arith.constant 80 : i32
    %add3A_191 = arith.addi %squeeze3A, %add3A_190 : i32
    %swap3A_192 = arith.index_cast %add3A_191 : i32 to index
    %swap3A_193 = tpu.vector_load %arg14[%swap3A_192] {strides = array<i32>} : memref<1280xi32, #tpu.memory_space<vmem>>, vector<16xi32>,
    %swap3A_194 = vector.shape_cast %swap3A_193 : vector<16xi32> to vector<16xi32>
    %swap3A_195 = vector.shape_cast %add3A_189 : vector<16xi32> to vector<16xi32>
    tpu.vector_store %arg14[%swap3A_192], %swap3A_195 {strides = array<i32>} : memref<1280xi32, #tpu.memory_space<vmem>>, vector<16xi32>,
    %mul3A_196 = arith.constant 64 : i32
    %mul3A_197 = vector.broadcast %mul3A_196 : i32 to vector<16xi32>
    %mul3A_198 = arith.muli %iota3A, %mul3A_197 : vector<16xi32>
    %add3A_199 = arith.constant 42 : i32
    %add3A_200 = vector.broadcast %add3A_199 : i32 to vector<16xi32>
    %add3A_201 = arith.addi %mul3A_198, %add3A_200 : vector<16xi32>
    %add3A_202 = arith.constant 96 : i32
    %add3A_203 = arith.addi %squeeze3A, %add3A_202 : i32
    %swap3A_204 = arith.index_cast %add3A_203 : i32 to index
    %swap3A_205 = tpu.vector_load %arg13[%swap3A_204] {strides = array<i32>} : memref<1280xi32, #tpu.memory_space<vmem>>, vector<16xi32>,
    %swap3A_206 = vector.shape_cast %swap3A_205 : vector<16xi32> to vector<16xi32>
    %swap3A_207 = vector.shape_cast %add3A_201 : vector<16xi32> to vector<16xi32>
    tpu.vector_store %arg13[%swap3A_204], %swap3A_207 {strides = array<i32>} : memref<1280xi32, #tpu.memory_space<vmem>>, vector<16xi32>,
    %broadcast_in_dim3A_208 = arith.constant 1024 : i32
    %broadcast_in_dim3A_209 = vector.broadcast %broadcast_in_dim3A_208 : i32 to vector<16xi32>
    %add3A_210 = vector.broadcast %arg1 : i32 to vector<16xi32>
    %add3A_211 = arith.addi %broadcast_in_dim3A_209, %add3A_210 : vector<16xi32>
    %add3A_212 = arith.constant 96 : i32
    %add3A_213 = arith.addi %squeeze3A, %add3A_212 : i32
    %swap3A_214 = arith.index_cast %add3A_213 : i32 to index
    %swap3A_215 = tpu.vector_load %arg14[%swap3A_214] {strides = array<i32>} : memref<1280xi32, #tpu.memory_space<vmem>>, vector<16xi32>,
    %swap3A_216 = vector.shape_cast %swap3A_215 : vector<16xi32> to vector<16xi32>
    %swap3A_217 = vector.shape_cast %add3A_211 : vector<16xi32> to vector<16xi32>
    tpu.vector_store %arg14[%swap3A_214], %swap3A_217 {strides = array<i32>} : memref<1280xi32, #tpu.memory_space<vmem>>, vector<16xi32>,
    %mul3A_218 = arith.constant 64 : i32
    %mul3A_219 = vector.broadcast %mul3A_218 : i32 to vector<16xi32>
    %mul3A_220 = arith.muli %iota3A, %mul3A_219 : vector<16xi32>
    %add3A_221 = arith.constant 49 : i32
    %add3A_222 = vector.broadcast %add3A_221 : i32 to vector<16xi32>
    %add3A_223 = arith.addi %mul3A_220, %add3A_222 : vector<16xi32>
    %add3A_224 = arith.constant 112 : i32
    %add3A_225 = arith.addi %squeeze3A, %add3A_224 : i32
    %swap3A_226 = arith.index_cast %add3A_225 : i32 to index
    %swap3A_227 = tpu.vector_load %arg13[%swap3A_226] {strides = array<i32>} : memref<1280xi32, #tpu.memory_space<vmem>>, vector<16xi32>,
    %swap3A_228 = vector.shape_cast %swap3A_227 : vector<16xi32> to vector<16xi32>
    %swap3A_229 = vector.shape_cast %add3A_223 : vector<16xi32> to vector<16xi32>
    tpu.vector_store %arg13[%swap3A_226], %swap3A_229 {strides = array<i32>} : memref<1280xi32, #tpu.memory_space<vmem>>, vector<16xi32>,
    %broadcast_in_dim3A_230 = arith.constant 1024 : i32
    %broadcast_in_dim3A_231 = vector.broadcast %broadcast_in_dim3A_230 : i32 to vector<16xi32>
    %add3A_232 = vector.broadcast %arg1 : i32 to vector<16xi32>
    %add3A_233 = arith.addi %broadcast_in_dim3A_231, %add3A_232 : vector<16xi32>
    %add3A_234 = arith.constant 112 : i32
    %add3A_235 = arith.addi %squeeze3A, %add3A_234 : i32
    %swap3A_236 = arith.index_cast %add3A_235 : i32 to index
    %swap3A_237 = tpu.vector_load %arg14[%swap3A_236] {strides = array<i32>} : memref<1280xi32, #tpu.memory_space<vmem>>, vector<16xi32>,
    %swap3A_238 = vector.shape_cast %swap3A_237 : vector<16xi32> to vector<16xi32>
    %swap3A_239 = vector.shape_cast %add3A_233 : vector<16xi32> to vector<16xi32>
    tpu.vector_store %arg14[%swap3A_236], %swap3A_239 {strides = array<i32>} : memref<1280xi32, #tpu.memory_space<vmem>>, vector<16xi32>,
    %barrier3A_240 = arith.constant 0 : index
    tpu.barrier barrier_id(%barrier3A_240)
    %while3A = arith.constant 0 : i32
    %while3A_241 = arith.constant 0 : i32
    %while3A_242 = arith.subi %squeeze3A_56, %while3A_241 : i32
    %while3A_243 = arith.addi %while3A_241, %while3A_242 : i32
    %while3A_244 = arith.constant 1 : i32
    %while3A_245 = arith.divsi %while3A_242, %while3A_244 : i32
    %while3A_246 = arith.muli %while3A_245, %while3A_244 : i32
    %while3A_247 = arith.addi %while3A_241, %while3A_246 : i32
    %while3A_248 = arith.constant 1 : i32
    scf.for %while3A_255 = %while3A_241 to %while3A_247 step %while3A_248  : i32 {
      %mul3A_256 = arith.constant 128 : i32
      %mul3A_257 = arith.muli %while3A_255, %mul3A_256 : i32
      %dma_start3A_258 = tpu.memref_slice %arg13[%mul3A_257] : memref<1280xi32, #tpu.memory_space<vmem>> -> memref<128xi32, #tpu.memory_space<vmem>>
      %dma_start3A_259 = arith.constant 0 : i32
      %dma_start3A_260 = arith.constant 0 : i32
      %dma_start3A_261 = tpu.memref_slice %arg4[%dma_start3A_259, %dma_start3A_260] : memref<1024x128xf32, #tpu.memory_space<hbm>> -> memref<1024x128xf32, #tpu.memory_space<hbm>>
      tpu.enqueue_indirect_dma source(%dma_start3A_261 : memref<1024x128xf32, #tpu.memory_space<hbm>>) target(%arg15 : memref<128x128xf32, #tpu.memory_space<vmem>>) offsets(%dma_start3A_258 : memref<128xi32, #tpu.memory_space<vmem>>) semaphore(%arg20 : memref<!tpu.dma_semaphore, #tpu.memory_space<semaphore_mem>>)
      %dma_wait3A_262 = tpu.memref_slice %arg13[%mul3A_257] : memref<1280xi32, #tpu.memory_space<vmem>> -> memref<128xi32, #tpu.memory_space<vmem>>
      %dma_wait3A_263 = arith.constant 0 : i32
      %dma_wait3A_264 = arith.constant 0 : i32
      %dma_wait3A_265 = tpu.memref_slice %arg4[%dma_wait3A_263, %dma_wait3A_264] : memref<1024x128xf32, #tpu.memory_space<hbm>> -> memref<1024x128xf32, #tpu.memory_space<hbm>>
      tpu.wait_indirect_dma semaphore(%arg20 : memref<!tpu.dma_semaphore, #tpu.memory_space<semaphore_mem>>) src(%dma_wait3A_265 : memref<1024x128xf32, #tpu.memory_space<hbm>>) dst(%arg15 : memref<128x128xf32, #tpu.memory_space<vmem>>)
      %mul3A_266 = arith.constant 128 : i32
      %mul3A_267 = arith.muli %while3A_255, %mul3A_266 : i32
      %add3A_268 = arith.constant 0 : i32
      %add3A_269 = arith.addi %mul3A_267, %add3A_268 : i32
      %get3A_270 = arith.index_cast %add3A_269 : i32 to index
      %get3A_271 = tpu.vector_load %arg14[%get3A_270] {strides = array<i32>} : memref<1280xi32, #tpu.memory_space<vmem>>, vector<16xi32>,
      %get3A_272 = vector.shape_cast %get3A_271 : vector<16xi32> to vector<16xi32>
      "tpu.region"() ({
        %run_scoped3A = tpu.sem_alloc : memref<!tpu.dma_semaphore, #tpu.memory_space<semaphore_mem>>
        %dma_start3A_322 = arith.constant 0 : i32
        %dma_start3A_323 = arith.constant 0 : i32
        %dma_start3A_324 = tpu.memref_slice %arg15[%dma_start3A_322, %dma_start3A_323] : memref<128x128xf32, #tpu.memory_space<vmem>> -> memref<16x128xf32, #tpu.memory_space<vmem>>
        %dma_start3A_325 = arith.constant 0 : i32
        %dma_start3A_326 = arith.constant 0 : i32
        %dma_start3A_327 = tpu.memref_slice %arg17[%dma_start3A_325, %dma_start3A_326] : memref<1040x128xf32, #tpu.memory_space<vmem_shared>> -> memref<1040x128xf32, #tpu.memory_space<vmem_shared>>
        tpu.enqueue_indirect_dma source(%dma_start3A_324 : memref<16x128xf32, #tpu.memory_space<vmem>>) target(%dma_start3A_327 : memref<1040x128xf32, #tpu.memory_space<vmem_shared>>) offsets(%get3A_272 : vector<16xi32>) semaphore(%run_scoped3A : memref<!tpu.dma_semaphore, #tpu.memory_space<semaphore_mem>>) {add = true}
        %dma_wait3A_328 = arith.constant 0 : i32
        %dma_wait3A_329 = arith.constant 0 : i32
        %dma_wait3A_330 = tpu.memref_slice %arg15[%dma_wait3A_328, %dma_wait3A_329] : memref<128x128xf32, #tpu.memory_space<vmem>> -> memref<16x128xf32, #tpu.memory_space<vmem>>
        %dma_wait3A_331 = arith.constant 0 : i32
        %dma_wait3A_332 = arith.constant 0 : i32
        %dma_wait3A_333 = tpu.memref_slice %arg17[%dma_wait3A_331, %dma_wait3A_332] : memref<1040x128xf32, #tpu.memory_space<vmem_shared>> -> memref<1040x128xf32, #tpu.memory_space<vmem_shared>>
        tpu.wait_indirect_dma semaphore(%run_scoped3A : memref<!tpu.dma_semaphore, #tpu.memory_space<semaphore_mem>>) src(%dma_wait3A_330 : memref<16x128xf32, #tpu.memory_space<vmem>>) dst(%dma_wait3A_333 : memref<1040x128xf32, #tpu.memory_space<vmem_shared>>)
        tpu.yield
      }) : () -> ()
      %mul3A_273 = arith.constant 128 : i32
      %mul3A_274 = arith.muli %while3A_255, %mul3A_273 : i32
      %add3A_275 = arith.constant 16 : i32
      %add3A_276 = arith.addi %mul3A_274, %add3A_275 : i32
      %get3A_277 = arith.index_cast %add3A_276 : i32 to index
      %get3A_278 = tpu.vector_load %arg14[%get3A_277] {strides = array<i32>} : memref<1280xi32, #tpu.memory_space<vmem>>, vector<16xi32>,
      %get3A_279 = vector.shape_cast %get3A_278 : vector<16xi32> to vector<16xi32>
      "tpu.region"() ({
        %run_scoped3A = tpu.sem_alloc : memref<!tpu.dma_semaphore, #tpu.memory_space<semaphore_mem>>
        %dma_start3A_322 = arith.constant 16 : i32
        %dma_start3A_323 = arith.constant 0 : i32
        %dma_start3A_324 = tpu.memref_slice %arg15[%dma_start3A_322, %dma_start3A_323] : memref<128x128xf32, #tpu.memory_space<vmem>> -> memref<16x128xf32, #tpu.memory_space<vmem>>
        %dma_start3A_325 = arith.constant 0 : i32
        %dma_start3A_326 = arith.constant 0 : i32
        %dma_start3A_327 = tpu.memref_slice %arg17[%dma_start3A_325, %dma_start3A_326] : memref<1040x128xf32, #tpu.memory_space<vmem_shared>> -> memref<1040x128xf32, #tpu.memory_space<vmem_shared>>
        tpu.enqueue_indirect_dma source(%dma_start3A_324 : memref<16x128xf32, #tpu.memory_space<vmem>>) target(%dma_start3A_327 : memref<1040x128xf32, #tpu.memory_space<vmem_shared>>) offsets(%get3A_279 : vector<16xi32>) semaphore(%run_scoped3A : memref<!tpu.dma_semaphore, #tpu.memory_space<semaphore_mem>>) {add = true}
        %dma_wait3A_328 = arith.constant 16 : i32
        %dma_wait3A_329 = arith.constant 0 : i32
        %dma_wait3A_330 = tpu.memref_slice %arg15[%dma_wait3A_328, %dma_wait3A_329] : memref<128x128xf32, #tpu.memory_space<vmem>> -> memref<16x128xf32, #tpu.memory_space<vmem>>
        %dma_wait3A_331 = arith.constant 0 : i32
        %dma_wait3A_332 = arith.constant 0 : i32
        %dma_wait3A_333 = tpu.memref_slice %arg17[%dma_wait3A_331, %dma_wait3A_332] : memref<1040x128xf32, #tpu.memory_space<vmem_shared>> -> memref<1040x128xf32, #tpu.memory_space<vmem_shared>>
        tpu.wait_indirect_dma semaphore(%run_scoped3A : memref<!tpu.dma_semaphore, #tpu.memory_space<semaphore_mem>>) src(%dma_wait3A_330 : memref<16x128xf32, #tpu.memory_space<vmem>>) dst(%dma_wait3A_333 : memref<1040x128xf32, #tpu.memory_space<vmem_shared>>)
        tpu.yield
      }) : () -> ()
      %mul3A_280 = arith.constant 128 : i32
      %mul3A_281 = arith.muli %while3A_255, %mul3A_280 : i32
      %add3A_282 = arith.constant 32 : i32
      %add3A_283 = arith.addi %mul3A_281, %add3A_282 : i32
      %get3A_284 = arith.index_cast %add3A_283 : i32 to index
      %get3A_285 = tpu.vector_load %arg14[%get3A_284] {strides = array<i32>} : memref<1280xi32, #tpu.memory_space<vmem>>, vector<16xi32>,
      %get3A_286 = vector.shape_cast %get3A_285 : vector<16xi32> to vector<16xi32>
      "tpu.region"() ({
        %run_scoped3A = tpu.sem_alloc : memref<!tpu.dma_semaphore, #tpu.memory_space<semaphore_mem>>
        %dma_start3A_322 = arith.constant 32 : i32
        %dma_start3A_323 = arith.constant 0 : i32
        %dma_start3A_324 = tpu.memref_slice %arg15[%dma_start3A_322, %dma_start3A_323] : memref<128x128xf32, #tpu.memory_space<vmem>> -> memref<16x128xf32, #tpu.memory_space<vmem>>
        %dma_start3A_325 = arith.constant 0 : i32
        %dma_start3A_326 = arith.constant 0 : i32
        %dma_start3A_327 = tpu.memref_slice %arg17[%dma_start3A_325, %dma_start3A_326] : memref<1040x128xf32, #tpu.memory_space<vmem_shared>> -> memref<1040x128xf32, #tpu.memory_space<vmem_shared>>
        tpu.enqueue_indirect_dma source(%dma_start3A_324 : memref<16x128xf32, #tpu.memory_space<vmem>>) target(%dma_start3A_327 : memref<1040x128xf32, #tpu.memory_space<vmem_shared>>) offsets(%get3A_286 : vector<16xi32>) semaphore(%run_scoped3A : memref<!tpu.dma_semaphore, #tpu.memory_space<semaphore_mem>>) {add = true}
        %dma_wait3A_328 = arith.constant 32 : i32
        %dma_wait3A_329 = arith.constant 0 : i32
        %dma_wait3A_330 = tpu.memref_slice %arg15[%dma_wait3A_328, %dma_wait3A_329] : memref<128x128xf32, #tpu.memory_space<vmem>> -> memref<16x128xf32, #tpu.memory_space<vmem>>
        %dma_wait3A_331 = arith.constant 0 : i32
        %dma_wait3A_332 = arith.constant 0 : i32
        %dma_wait3A_333 = tpu.memref_slice %arg17[%dma_wait3A_331, %dma_wait3A_332] : memref<1040x128xf32, #tpu.memory_space<vmem_shared>> -> memref<1040x128xf32, #tpu.memory_space<vmem_shared>>
        tpu.wait_indirect_dma semaphore(%run_scoped3A : memref<!tpu.dma_semaphore, #tpu.memory_space<semaphore_mem>>) src(%dma_wait3A_330 : memref<16x128xf32, #tpu.memory_space<vmem>>) dst(%dma_wait3A_333 : memref<1040x128xf32, #tpu.memory_space<vmem_shared>>)
        tpu.yield
      }) : () -> ()
      %mul3A_287 = arith.constant 128 : i32
      %mul3A_288 = arith.muli %while3A_255, %mul3A_287 : i32
      %add3A_289 = arith.constant 48 : i32
      %add3A_290 = arith.addi %mul3A_288, %add3A_289 : i32
      %get3A_291 = arith.index_cast %add3A_290 : i32 to index
      %get3A_292 = tpu.vector_load %arg14[%get3A_291] {strides = array<i32>} : memref<1280xi32, #tpu.memory_space<vmem>>, vector<16xi32>,
      %get3A_293 = vector.shape_cast %get3A_292 : vector<16xi32> to vector<16xi32>
      "tpu.region"() ({
        %run_scoped3A = tpu.sem_alloc : memref<!tpu.dma_semaphore, #tpu.memory_space<semaphore_mem>>
        %dma_start3A_322 = arith.constant 48 : i32
        %dma_start3A_323 = arith.constant 0 : i32
        %dma_start3A_324 = tpu.memref_slice %arg15[%dma_start3A_322, %dma_start3A_323] : memref<128x128xf32, #tpu.memory_space<vmem>> -> memref<16x128xf32, #tpu.memory_space<vmem>>
        %dma_start3A_325 = arith.constant 0 : i32
        %dma_start3A_326 = arith.constant 0 : i32
        %dma_start3A_327 = tpu.memref_slice %arg17[%dma_start3A_325, %dma_start3A_326] : memref<1040x128xf32, #tpu.memory_space<vmem_shared>> -> memref<1040x128xf32, #tpu.memory_space<vmem_shared>>
        tpu.enqueue_indirect_dma source(%dma_start3A_324 : memref<16x128xf32, #tpu.memory_space<vmem>>) target(%dma_start3A_327 : memref<1040x128xf32, #tpu.memory_space<vmem_shared>>) offsets(%get3A_293 : vector<16xi32>) semaphore(%run_scoped3A : memref<!tpu.dma_semaphore, #tpu.memory_space<semaphore_mem>>) {add = true}
        %dma_wait3A_328 = arith.constant 48 : i32
        %dma_wait3A_329 = arith.constant 0 : i32
        %dma_wait3A_330 = tpu.memref_slice %arg15[%dma_wait3A_328, %dma_wait3A_329] : memref<128x128xf32, #tpu.memory_space<vmem>> -> memref<16x128xf32, #tpu.memory_space<vmem>>
        %dma_wait3A_331 = arith.constant 0 : i32
        %dma_wait3A_332 = arith.constant 0 : i32
        %dma_wait3A_333 = tpu.memref_slice %arg17[%dma_wait3A_331, %dma_wait3A_332] : memref<1040x128xf32, #tpu.memory_space<vmem_shared>> -> memref<1040x128xf32, #tpu.memory_space<vmem_shared>>
        tpu.wait_indirect_dma semaphore(%run_scoped3A : memref<!tpu.dma_semaphore, #tpu.memory_space<semaphore_mem>>) src(%dma_wait3A_330 : memref<16x128xf32, #tpu.memory_space<vmem>>) dst(%dma_wait3A_333 : memref<1040x128xf32, #tpu.memory_space<vmem_shared>>)
        tpu.yield
      }) : () -> ()
      %mul3A_294 = arith.constant 128 : i32
      %mul3A_295 = arith.muli %while3A_255, %mul3A_294 : i32
      %add3A_296 = arith.constant 64 : i32
      %add3A_297 = arith.addi %mul3A_295, %add3A_296 : i32
      %get3A_298 = arith.index_cast %add3A_297 : i32 to index
      %get3A_299 = tpu.vector_load %arg14[%get3A_298] {strides = array<i32>} : memref<1280xi32, #tpu.memory_space<vmem>>, vector<16xi32>,
      %get3A_300 = vector.shape_cast %get3A_299 : vector<16xi32> to vector<16xi32>
      "tpu.region"() ({
        %run_scoped3A = tpu.sem_alloc : memref<!tpu.dma_semaphore, #tpu.memory_space<semaphore_mem>>
        %dma_start3A_322 = arith.constant 64 : i32
        %dma_start3A_323 = arith.constant 0 : i32
        %dma_start3A_324 = tpu.memref_slice %arg15[%dma_start3A_322, %dma_start3A_323] : memref<128x128xf32, #tpu.memory_space<vmem>> -> memref<16x128xf32, #tpu.memory_space<vmem>>
        %dma_start3A_325 = arith.constant 0 : i32
        %dma_start3A_326 = arith.constant 0 : i32
        %dma_start3A_327 = tpu.memref_slice %arg17[%dma_start3A_325, %dma_start3A_326] : memref<1040x128xf32, #tpu.memory_space<vmem_shared>> -> memref<1040x128xf32, #tpu.memory_space<vmem_shared>>
        tpu.enqueue_indirect_dma source(%dma_start3A_324 : memref<16x128xf32, #tpu.memory_space<vmem>>) target(%dma_start3A_327 : memref<1040x128xf32, #tpu.memory_space<vmem_shared>>) offsets(%get3A_300 : vector<16xi32>) semaphore(%run_scoped3A : memref<!tpu.dma_semaphore, #tpu.memory_space<semaphore_mem>>) {add = true}
        %dma_wait3A_328 = arith.constant 64 : i32
        %dma_wait3A_329 = arith.constant 0 : i32
        %dma_wait3A_330 = tpu.memref_slice %arg15[%dma_wait3A_328, %dma_wait3A_329] : memref<128x128xf32, #tpu.memory_space<vmem>> -> memref<16x128xf32, #tpu.memory_space<vmem>>
        %dma_wait3A_331 = arith.constant 0 : i32
        %dma_wait3A_332 = arith.constant 0 : i32
        %dma_wait3A_333 = tpu.memref_slice %arg17[%dma_wait3A_331, %dma_wait3A_332] : memref<1040x128xf32, #tpu.memory_space<vmem_shared>> -> memref<1040x128xf32, #tpu.memory_space<vmem_shared>>
        tpu.wait_indirect_dma semaphore(%run_scoped3A : memref<!tpu.dma_semaphore, #tpu.memory_space<semaphore_mem>>) src(%dma_wait3A_330 : memref<16x128xf32, #tpu.memory_space<vmem>>) dst(%dma_wait3A_333 : memref<1040x128xf32, #tpu.memory_space<vmem_shared>>)
        tpu.yield
      }) : () -> ()
      %mul3A_301 = arith.constant 128 : i32
      %mul3A_302 = arith.muli %while3A_255, %mul3A_301 : i32
      %add3A_303 = arith.constant 80 : i32
      %add3A_304 = arith.addi %mul3A_302, %add3A_303 : i32
      %get3A_305 = arith.index_cast %add3A_304 : i32 to index
      %get3A_306 = tpu.vector_load %arg14[%get3A_305] {strides = array<i32>} : memref<1280xi32, #tpu.memory_space<vmem>>, vector<16xi32>,
      %get3A_307 = vector.shape_cast %get3A_306 : vector<16xi32> to vector<16xi32>
      "tpu.region"() ({
        %run_scoped3A = tpu.sem_alloc : memref<!tpu.dma_semaphore, #tpu.memory_space<semaphore_mem>>
        %dma_start3A_322 = arith.constant 80 : i32
        %dma_start3A_323 = arith.constant 0 : i32
        %dma_start3A_324 = tpu.memref_slice %arg15[%dma_start3A_322, %dma_start3A_323] : memref<128x128xf32, #tpu.memory_space<vmem>> -> memref<16x128xf32, #tpu.memory_space<vmem>>
        %dma_start3A_325 = arith.constant 0 : i32
        %dma_start3A_326 = arith.constant 0 : i32
        %dma_start3A_327 = tpu.memref_slice %arg17[%dma_start3A_325, %dma_start3A_326] : memref<1040x128xf32, #tpu.memory_space<vmem_shared>> -> memref<1040x128xf32, #tpu.memory_space<vmem_shared>>
        tpu.enqueue_indirect_dma source(%dma_start3A_324 : memref<16x128xf32, #tpu.memory_space<vmem>>) target(%dma_start3A_327 : memref<1040x128xf32, #tpu.memory_space<vmem_shared>>) offsets(%get3A_307 : vector<16xi32>) semaphore(%run_scoped3A : memref<!tpu.dma_semaphore, #tpu.memory_space<semaphore_mem>>) {add = true}
        %dma_wait3A_328 = arith.constant 80 : i32
        %dma_wait3A_329 = arith.constant 0 : i32
        %dma_wait3A_330 = tpu.memref_slice %arg15[%dma_wait3A_328, %dma_wait3A_329] : memref<128x128xf32, #tpu.memory_space<vmem>> -> memref<16x128xf32, #tpu.memory_space<vmem>>
        %dma_wait3A_331 = arith.constant 0 : i32
        %dma_wait3A_332 = arith.constant 0 : i32
        %dma_wait3A_333 = tpu.memref_slice %arg17[%dma_wait3A_331, %dma_wait3A_332] : memref<1040x128xf32, #tpu.memory_space<vmem_shared>> -> memref<1040x128xf32, #tpu.memory_space<vmem_shared>>
        tpu.wait_indirect_dma semaphore(%run_scoped3A : memref<!tpu.dma_semaphore, #tpu.memory_space<semaphore_mem>>) src(%dma_wait3A_330 : memref<16x128xf32, #tpu.memory_space<vmem>>) dst(%dma_wait3A_333 : memref<1040x128xf32, #tpu.memory_space<vmem_shared>>)
        tpu.yield
      }) : () -> ()
      %mul3A_308 = arith.constant 128 : i32
      %mul3A_309 = arith.muli %while3A_255, %mul3A_308 : i32
      %add3A_310 = arith.constant 96 : i32
      %add3A_311 = arith.addi %mul3A_309, %add3A_310 : i32
      %get3A_312 = arith.index_cast %add3A_311 : i32 to index
      %get3A_313 = tpu.vector_load %arg14[%get3A_312] {strides = array<i32>} : memref<1280xi32, #tpu.memory_space<vmem>>, vector<16xi32>,
      %get3A_314 = vector.shape_cast %get3A_313 : vector<16xi32> to vector<16xi32>
      "tpu.region"() ({
        %run_scoped3A = tpu.sem_alloc : memref<!tpu.dma_semaphore, #tpu.memory_space<semaphore_mem>>
        %dma_start3A_322 = arith.constant 96 : i32
        %dma_start3A_323 = arith.constant 0 : i32
        %dma_start3A_324 = tpu.memref_slice %arg15[%dma_start3A_322, %dma_start3A_323] : memref<128x128xf32, #tpu.memory_space<vmem>> -> memref<16x128xf32, #tpu.memory_space<vmem>>
        %dma_start3A_325 = arith.constant 0 : i32
        %dma_start3A_326 = arith.constant 0 : i32
        %dma_start3A_327 = tpu.memref_slice %arg17[%dma_start3A_325, %dma_start3A_326] : memref<1040x128xf32, #tpu.memory_space<vmem_shared>> -> memref<1040x128xf32, #tpu.memory_space<vmem_shared>>
        tpu.enqueue_indirect_dma source(%dma_start3A_324 : memref<16x128xf32, #tpu.memory_space<vmem>>) target(%dma_start3A_327 : memref<1040x128xf32, #tpu.memory_space<vmem_shared>>) offsets(%get3A_314 : vector<16xi32>) semaphore(%run_scoped3A : memref<!tpu.dma_semaphore, #tpu.memory_space<semaphore_mem>>) {add = true}
        %dma_wait3A_328 = arith.constant 96 : i32
        %dma_wait3A_329 = arith.constant 0 : i32
        %dma_wait3A_330 = tpu.memref_slice %arg15[%dma_wait3A_328, %dma_wait3A_329] : memref<128x128xf32, #tpu.memory_space<vmem>> -> memref<16x128xf32, #tpu.memory_space<vmem>>
        %dma_wait3A_331 = arith.constant 0 : i32
        %dma_wait3A_332 = arith.constant 0 : i32
        %dma_wait3A_333 = tpu.memref_slice %arg17[%dma_wait3A_331, %dma_wait3A_332] : memref<1040x128xf32, #tpu.memory_space<vmem_shared>> -> memref<1040x128xf32, #tpu.memory_space<vmem_shared>>
        tpu.wait_indirect_dma semaphore(%run_scoped3A : memref<!tpu.dma_semaphore, #tpu.memory_space<semaphore_mem>>) src(%dma_wait3A_330 : memref<16x128xf32, #tpu.memory_space<vmem>>) dst(%dma_wait3A_333 : memref<1040x128xf32, #tpu.memory_space<vmem_shared>>)
        tpu.yield
      }) : () -> ()
      %mul3A_315 = arith.constant 128 : i32
      %mul3A_316 = arith.muli %while3A_255, %mul3A_315 : i32
      %add3A_317 = arith.constant 112 : i32
      %add3A_318 = arith.addi %mul3A_316, %add3A_317 : i32
      %get3A_319 = arith.index_cast %add3A_318 : i32 to index
      %get3A_320 = tpu.vector_load %arg14[%get3A_319] {strides = array<i32>} : memref<1280xi32, #tpu.memory_space<vmem>>, vector<16xi32>,
      %get3A_321 = vector.shape_cast %get3A_320 : vector<16xi32> to vector<16xi32>
      "tpu.region"() ({
        %run_scoped3A = tpu.sem_alloc : memref<!tpu.dma_semaphore, #tpu.memory_space<semaphore_mem>>
        %dma_start3A_322 = arith.constant 112 : i32
        %dma_start3A_323 = arith.constant 0 : i32
        %dma_start3A_324 = tpu.memref_slice %arg15[%dma_start3A_322, %dma_start3A_323] : memref<128x128xf32, #tpu.memory_space<vmem>> -> memref<16x128xf32, #tpu.memory_space<vmem>>
        %dma_start3A_325 = arith.constant 0 : i32
        %dma_start3A_326 = arith.constant 0 : i32
        %dma_start3A_327 = tpu.memref_slice %arg17[%dma_start3A_325, %dma_start3A_326] : memref<1040x128xf32, #tpu.memory_space<vmem_shared>> -> memref<1040x128xf32, #tpu.memory_space<vmem_shared>>
        tpu.enqueue_indirect_dma source(%dma_start3A_324 : memref<16x128xf32, #tpu.memory_space<vmem>>) target(%dma_start3A_327 : memref<1040x128xf32, #tpu.memory_space<vmem_shared>>) offsets(%get3A_321 : vector<16xi32>) semaphore(%run_scoped3A : memref<!tpu.dma_semaphore, #tpu.memory_space<semaphore_mem>>) {add = true}
        %dma_wait3A_328 = arith.constant 112 : i32
        %dma_wait3A_329 = arith.constant 0 : i32
        %dma_wait3A_330 = tpu.memref_slice %arg15[%dma_wait3A_328, %dma_wait3A_329] : memref<128x128xf32, #tpu.memory_space<vmem>> -> memref<16x128xf32, #tpu.memory_space<vmem>>
        %dma_wait3A_331 = arith.constant 0 : i32
        %dma_wait3A_332 = arith.constant 0 : i32
        %dma_wait3A_333 = tpu.memref_slice %arg17[%dma_wait3A_331, %dma_wait3A_332] : memref<1040x128xf32, #tpu.memory_space<vmem_shared>> -> memref<1040x128xf32, #tpu.memory_space<vmem_shared>>
        tpu.wait_indirect_dma semaphore(%run_scoped3A : memref<!tpu.dma_semaphore, #tpu.memory_space<semaphore_mem>>) src(%dma_wait3A_330 : memref<16x128xf32, #tpu.memory_space<vmem>>) dst(%dma_wait3A_333 : memref<1040x128xf32, #tpu.memory_space<vmem_shared>>)
        tpu.yield
      }) : () -> ()
    }
    %while3A_249 = arith.constant 1 : i32
    scf.for %while3A_255 = %while3A_247 to %while3A_243 step %while3A_249  : i32 {
      %mul3A_256 = arith.constant 128 : i32
      %mul3A_257 = arith.muli %while3A_255, %mul3A_256 : i32
      %dma_start3A_258 = tpu.memref_slice %arg13[%mul3A_257] : memref<1280xi32, #tpu.memory_space<vmem>> -> memref<128xi32, #tpu.memory_space<vmem>>
      %dma_start3A_259 = arith.constant 0 : i32
      %dma_start3A_260 = arith.constant 0 : i32
      %dma_start3A_261 = tpu.memref_slice %arg4[%dma_start3A_259, %dma_start3A_260] : memref<1024x128xf32, #tpu.memory_space<hbm>> -> memref<1024x128xf32, #tpu.memory_space<hbm>>
      tpu.enqueue_indirect_dma source(%dma_start3A_261 : memref<1024x128xf32, #tpu.memory_space<hbm>>) target(%arg15 : memref<128x128xf32, #tpu.memory_space<vmem>>) offsets(%dma_start3A_258 : memref<128xi32, #tpu.memory_space<vmem>>) semaphore(%arg20 : memref<!tpu.dma_semaphore, #tpu.memory_space<semaphore_mem>>)
      %dma_wait3A_262 = tpu.memref_slice %arg13[%mul3A_257] : memref<1280xi32, #tpu.memory_space<vmem>> -> memref<128xi32, #tpu.memory_space<vmem>>
      %dma_wait3A_263 = arith.constant 0 : i32
      %dma_wait3A_264 = arith.constant 0 : i32
      %dma_wait3A_265 = tpu.memref_slice %arg4[%dma_wait3A_263, %dma_wait3A_264] : memref<1024x128xf32, #tpu.memory_space<hbm>> -> memref<1024x128xf32, #tpu.memory_space<hbm>>
      tpu.wait_indirect_dma semaphore(%arg20 : memref<!tpu.dma_semaphore, #tpu.memory_space<semaphore_mem>>) src(%dma_wait3A_265 : memref<1024x128xf32, #tpu.memory_space<hbm>>) dst(%arg15 : memref<128x128xf32, #tpu.memory_space<vmem>>)
      %mul3A_266 = arith.constant 128 : i32
      %mul3A_267 = arith.muli %while3A_255, %mul3A_266 : i32
      %add3A_268 = arith.constant 0 : i32
      %add3A_269 = arith.addi %mul3A_267, %add3A_268 : i32
      %get3A_270 = arith.index_cast %add3A_269 : i32 to index
      %get3A_271 = tpu.vector_load %arg14[%get3A_270] {strides = array<i32>} : memref<1280xi32, #tpu.memory_space<vmem>>, vector<16xi32>,
      %get3A_272 = vector.shape_cast %get3A_271 : vector<16xi32> to vector<16xi32>
      "tpu.region"() ({
        %run_scoped3A = tpu.sem_alloc : memref<!tpu.dma_semaphore, #tpu.memory_space<semaphore_mem>>
        %dma_start3A_322 = arith.constant 0 : i32
        %dma_start3A_323 = arith.constant 0 : i32
        %dma_start3A_324 = tpu.memref_slice %arg15[%dma_start3A_322, %dma_start3A_323] : memref<128x128xf32, #tpu.memory_space<vmem>> -> memref<16x128xf32, #tpu.memory_space<vmem>>
        %dma_start3A_325 = arith.constant 0 : i32
        %dma_start3A_326 = arith.constant 0 : i32
        %dma_start3A_327 = tpu.memref_slice %arg17[%dma_start3A_325, %dma_start3A_326] : memref<1040x128xf32, #tpu.memory_space<vmem_shared>> -> memref<1040x128xf32, #tpu.memory_space<vmem_shared>>
        tpu.enqueue_indirect_dma source(%dma_start3A_324 : memref<16x128xf32, #tpu.memory_space<vmem>>) target(%dma_start3A_327 : memref<1040x128xf32, #tpu.memory_space<vmem_shared>>) offsets(%get3A_272 : vector<16xi32>) semaphore(%run_scoped3A : memref<!tpu.dma_semaphore, #tpu.memory_space<semaphore_mem>>) {add = true}
        %dma_wait3A_328 = arith.constant 0 : i32
        %dma_wait3A_329 = arith.constant 0 : i32
        %dma_wait3A_330 = tpu.memref_slice %arg15[%dma_wait3A_328, %dma_wait3A_329] : memref<128x128xf32, #tpu.memory_space<vmem>> -> memref<16x128xf32, #tpu.memory_space<vmem>>
        %dma_wait3A_331 = arith.constant 0 : i32
        %dma_wait3A_332 = arith.constant 0 : i32
        %dma_wait3A_333 = tpu.memref_slice %arg17[%dma_wait3A_331, %dma_wait3A_332] : memref<1040x128xf32, #tpu.memory_space<vmem_shared>> -> memref<1040x128xf32, #tpu.memory_space<vmem_shared>>
        tpu.wait_indirect_dma semaphore(%run_scoped3A : memref<!tpu.dma_semaphore, #tpu.memory_space<semaphore_mem>>) src(%dma_wait3A_330 : memref<16x128xf32, #tpu.memory_space<vmem>>) dst(%dma_wait3A_333 : memref<1040x128xf32, #tpu.memory_space<vmem_shared>>)
        tpu.yield
      }) : () -> ()
      %mul3A_273 = arith.constant 128 : i32
      %mul3A_274 = arith.muli %while3A_255, %mul3A_273 : i32
      %add3A_275 = arith.constant 16 : i32
      %add3A_276 = arith.addi %mul3A_274, %add3A_275 : i32
      %get3A_277 = arith.index_cast %add3A_276 : i32 to index
      %get3A_278 = tpu.vector_load %arg14[%get3A_277] {strides = array<i32>} : memref<1280xi32, #tpu.memory_space<vmem>>, vector<16xi32>,
      %get3A_279 = vector.shape_cast %get3A_278 : vector<16xi32> to vector<16xi32>
      "tpu.region"() ({
        %run_scoped3A = tpu.sem_alloc : memref<!tpu.dma_semaphore, #tpu.memory_space<semaphore_mem>>
        %dma_start3A_322 = arith.constant 16 : i32
        %dma_start3A_323 = arith.constant 0 : i32
        %dma_start3A_324 = tpu.memref_slice %arg15[%dma_start3A_322, %dma_start3A_323] : memref<128x128xf32, #tpu.memory_space<vmem>> -> memref<16x128xf32, #tpu.memory_space<vmem>>
        %dma_start3A_325 = arith.constant 0 : i32
        %dma_start3A_326 = arith.constant 0 : i32
        %dma_start3A_327 = tpu.memref_slice %arg17[%dma_start3A_325, %dma_start3A_326] : memref<1040x128xf32, #tpu.memory_space<vmem_shared>> -> memref<1040x128xf32, #tpu.memory_space<vmem_shared>>
        tpu.enqueue_indirect_dma source(%dma_start3A_324 : memref<16x128xf32, #tpu.memory_space<vmem>>) target(%dma_start3A_327 : memref<1040x128xf32, #tpu.memory_space<vmem_shared>>) offsets(%get3A_279 : vector<16xi32>) semaphore(%run_scoped3A : memref<!tpu.dma_semaphore, #tpu.memory_space<semaphore_mem>>) {add = true}
        %dma_wait3A_328 = arith.constant 16 : i32
        %dma_wait3A_329 = arith.constant 0 : i32
        %dma_wait3A_330 = tpu.memref_slice %arg15[%dma_wait3A_328, %dma_wait3A_329] : memref<128x128xf32, #tpu.memory_space<vmem>> -> memref<16x128xf32, #tpu.memory_space<vmem>>
        %dma_wait3A_331 = arith.constant 0 : i32
        %dma_wait3A_332 = arith.constant 0 : i32
        %dma_wait3A_333 = tpu.memref_slice %arg17[%dma_wait3A_331, %dma_wait3A_332] : memref<1040x128xf32, #tpu.memory_space<vmem_shared>> -> memref<1040x128xf32, #tpu.memory_space<vmem_shared>>
        tpu.wait_indirect_dma semaphore(%run_scoped3A : memref<!tpu.dma_semaphore, #tpu.memory_space<semaphore_mem>>) src(%dma_wait3A_330 : memref<16x128xf32, #tpu.memory_space<vmem>>) dst(%dma_wait3A_333 : memref<1040x128xf32, #tpu.memory_space<vmem_shared>>)
        tpu.yield
      }) : () -> ()
      %mul3A_280 = arith.constant 128 : i32
      %mul3A_281 = arith.muli %while3A_255, %mul3A_280 : i32
      %add3A_282 = arith.constant 32 : i32
      %add3A_283 = arith.addi %mul3A_281, %add3A_282 : i32
      %get3A_284 = arith.index_cast %add3A_283 : i32 to index
      %get3A_285 = tpu.vector_load %arg14[%get3A_284] {strides = array<i32>} : memref<1280xi32, #tpu.memory_space<vmem>>, vector<16xi32>,
      %get3A_286 = vector.shape_cast %get3A_285 : vector<16xi32> to vector<16xi32>
      "tpu.region"() ({
        %run_scoped3A = tpu.sem_alloc : memref<!tpu.dma_semaphore, #tpu.memory_space<semaphore_mem>>
        %dma_start3A_322 = arith.constant 32 : i32
        %dma_start3A_323 = arith.constant 0 : i32
        %dma_start3A_324 = tpu.memref_slice %arg15[%dma_start3A_322, %dma_start3A_323] : memref<128x128xf32, #tpu.memory_space<vmem>> -> memref<16x128xf32, #tpu.memory_space<vmem>>
        %dma_start3A_325 = arith.constant 0 : i32
        %dma_start3A_326 = arith.constant 0 : i32
        %dma_start3A_327 = tpu.memref_slice %arg17[%dma_start3A_325, %dma_start3A_326] : memref<1040x128xf32, #tpu.memory_space<vmem_shared>> -> memref<1040x128xf32, #tpu.memory_space<vmem_shared>>
        tpu.enqueue_indirect_dma source(%dma_start3A_324 : memref<16x128xf32, #tpu.memory_space<vmem>>) target(%dma_start3A_327 : memref<1040x128xf32, #tpu.memory_space<vmem_shared>>) offsets(%get3A_286 : vector<16xi32>) semaphore(%run_scoped3A : memref<!tpu.dma_semaphore, #tpu.memory_space<semaphore_mem>>) {add = true}
        %dma_wait3A_328 = arith.constant 32 : i32
        %dma_wait3A_329 = arith.constant 0 : i32
        %dma_wait3A_330 = tpu.memref_slice %arg15[%dma_wait3A_328, %dma_wait3A_329] : memref<128x128xf32, #tpu.memory_space<vmem>> -> memref<16x128xf32, #tpu.memory_space<vmem>>
        %dma_wait3A_331 = arith.constant 0 : i32
        %dma_wait3A_332 = arith.constant 0 : i32
        %dma_wait3A_333 = tpu.memref_slice %arg17[%dma_wait3A_331, %dma_wait3A_332] : memref<1040x128xf32, #tpu.memory_space<vmem_shared>> -> memref<1040x128xf32, #tpu.memory_space<vmem_shared>>
        tpu.wait_indirect_dma semaphore(%run_scoped3A : memref<!tpu.dma_semaphore, #tpu.memory_space<semaphore_mem>>) src(%dma_wait3A_330 : memref<16x128xf32, #tpu.memory_space<vmem>>) dst(%dma_wait3A_333 : memref<1040x128xf32, #tpu.memory_space<vmem_shared>>)
        tpu.yield
      }) : () -> ()
      %mul3A_287 = arith.constant 128 : i32
      %mul3A_288 = arith.muli %while3A_255, %mul3A_287 : i32
      %add3A_289 = arith.constant 48 : i32
      %add3A_290 = arith.addi %mul3A_288, %add3A_289 : i32
      %get3A_291 = arith.index_cast %add3A_290 : i32 to index
      %get3A_292 = tpu.vector_load %arg14[%get3A_291] {strides = array<i32>} : memref<1280xi32, #tpu.memory_space<vmem>>, vector<16xi32>,
      %get3A_293 = vector.shape_cast %get3A_292 : vector<16xi32> to vector<16xi32>
      "tpu.region"() ({
        %run_scoped3A = tpu.sem_alloc : memref<!tpu.dma_semaphore, #tpu.memory_space<semaphore_mem>>
        %dma_start3A_322 = arith.constant 48 : i32
        %dma_start3A_323 = arith.constant 0 : i32
        %dma_start3A_324 = tpu.memref_slice %arg15[%dma_start3A_322, %dma_start3A_323] : memref<128x128xf32, #tpu.memory_space<vmem>> -> memref<16x128xf32, #tpu.memory_space<vmem>>
        %dma_start3A_325 = arith.constant 0 : i32
        %dma_start3A_326 = arith.constant 0 : i32
        %dma_start3A_327 = tpu.memref_slice %arg17[%dma_start3A_325, %dma_start3A_326] : memref<1040x128xf32, #tpu.memory_space<vmem_shared>> -> memref<1040x128xf32, #tpu.memory_space<vmem_shared>>
        tpu.enqueue_indirect_dma source(%dma_start3A_324 : memref<16x128xf32, #tpu.memory_space<vmem>>) target(%dma_start3A_327 : memref<1040x128xf32, #tpu.memory_space<vmem_shared>>) offsets(%get3A_293 : vector<16xi32>) semaphore(%run_scoped3A : memref<!tpu.dma_semaphore, #tpu.memory_space<semaphore_mem>>) {add = true}
        %dma_wait3A_328 = arith.constant 48 : i32
        %dma_wait3A_329 = arith.constant 0 : i32
        %dma_wait3A_330 = tpu.memref_slice %arg15[%dma_wait3A_328, %dma_wait3A_329] : memref<128x128xf32, #tpu.memory_space<vmem>> -> memref<16x128xf32, #tpu.memory_space<vmem>>
        %dma_wait3A_331 = arith.constant 0 : i32
        %dma_wait3A_332 = arith.constant 0 : i32
        %dma_wait3A_333 = tpu.memref_slice %arg17[%dma_wait3A_331, %dma_wait3A_332] : memref<1040x128xf32, #tpu.memory_space<vmem_shared>> -> memref<1040x128xf32, #tpu.memory_space<vmem_shared>>
        tpu.wait_indirect_dma semaphore(%run_scoped3A : memref<!tpu.dma_semaphore, #tpu.memory_space<semaphore_mem>>) src(%dma_wait3A_330 : memref<16x128xf32, #tpu.memory_space<vmem>>) dst(%dma_wait3A_333 : memref<1040x128xf32, #tpu.memory_space<vmem_shared>>)
        tpu.yield
      }) : () -> ()
      %mul3A_294 = arith.constant 128 : i32
      %mul3A_295 = arith.muli %while3A_255, %mul3A_294 : i32
      %add3A_296 = arith.constant 64 : i32
      %add3A_297 = arith.addi %mul3A_295, %add3A_296 : i32
      %get3A_298 = arith.index_cast %add3A_297 : i32 to index
      %get3A_299 = tpu.vector_load %arg14[%get3A_298] {strides = array<i32>} : memref<1280xi32, #tpu.memory_space<vmem>>, vector<16xi32>,
      %get3A_300 = vector.shape_cast %get3A_299 : vector<16xi32> to vector<16xi32>
      "tpu.region"() ({
        %run_scoped3A = tpu.sem_alloc : memref<!tpu.dma_semaphore, #tpu.memory_space<semaphore_mem>>
        %dma_start3A_322 = arith.constant 64 : i32
        %dma_start3A_323 = arith.constant 0 : i32
        %dma_start3A_324 = tpu.memref_slice %arg15[%dma_start3A_322, %dma_start3A_323] : memref<128x128xf32, #tpu.memory_space<vmem>> -> memref<16x128xf32, #tpu.memory_space<vmem>>
        %dma_start3A_325 = arith.constant 0 : i32
        %dma_start3A_326 = arith.constant 0 : i32
        %dma_start3A_327 = tpu.memref_slice %arg17[%dma_start3A_325, %dma_start3A_326] : memref<1040x128xf32, #tpu.memory_space<vmem_shared>> -> memref<1040x128xf32, #tpu.memory_space<vmem_shared>>
        tpu.enqueue_indirect_dma source(%dma_start3A_324 : memref<16x128xf32, #tpu.memory_space<vmem>>) target(%dma_start3A_327 : memref<1040x128xf32, #tpu.memory_space<vmem_shared>>) offsets(%get3A_300 : vector<16xi32>) semaphore(%run_scoped3A : memref<!tpu.dma_semaphore, #tpu.memory_space<semaphore_mem>>) {add = true}
        %dma_wait3A_328 = arith.constant 64 : i32
        %dma_wait3A_329 = arith.constant 0 : i32
        %dma_wait3A_330 = tpu.memref_slice %arg15[%dma_wait3A_328, %dma_wait3A_329] : memref<128x128xf32, #tpu.memory_space<vmem>> -> memref<16x128xf32, #tpu.memory_space<vmem>>
        %dma_wait3A_331 = arith.constant 0 : i32
        %dma_wait3A_332 = arith.constant 0 : i32
        %dma_wait3A_333 = tpu.memref_slice %arg17[%dma_wait3A_331, %dma_wait3A_332] : memref<1040x128xf32, #tpu.memory_space<vmem_shared>> -> memref<1040x128xf32, #tpu.memory_space<vmem_shared>>
        tpu.wait_indirect_dma semaphore(%run_scoped3A : memref<!tpu.dma_semaphore, #tpu.memory_space<semaphore_mem>>) src(%dma_wait3A_330 : memref<16x128xf32, #tpu.memory_space<vmem>>) dst(%dma_wait3A_333 : memref<1040x128xf32, #tpu.memory_space<vmem_shared>>)
        tpu.yield
      }) : () -> ()
      %mul3A_301 = arith.constant 128 : i32
      %mul3A_302 = arith.muli %while3A_255, %mul3A_301 : i32
      %add3A_303 = arith.constant 80 : i32
      %add3A_304 = arith.addi %mul3A_302, %add3A_303 : i32
      %get3A_305 = arith.index_cast %add3A_304 : i32 to index
      %get3A_306 = tpu.vector_load %arg14[%get3A_305] {strides = array<i32>} : memref<1280xi32, #tpu.memory_space<vmem>>, vector<16xi32>,
      %get3A_307 = vector.shape_cast %get3A_306 : vector<16xi32> to vector<16xi32>
      "tpu.region"() ({
        %run_scoped3A = tpu.sem_alloc : memref<!tpu.dma_semaphore, #tpu.memory_space<semaphore_mem>>
        %dma_start3A_322 = arith.constant 80 : i32
        %dma_start3A_323 = arith.constant 0 : i32
        %dma_start3A_324 = tpu.memref_slice %arg15[%dma_start3A_322, %dma_start3A_323] : memref<128x128xf32, #tpu.memory_space<vmem>> -> memref<16x128xf32, #tpu.memory_space<vmem>>
        %dma_start3A_325 = arith.constant 0 : i32
        %dma_start3A_326 = arith.constant 0 : i32
        %dma_start3A_327 = tpu.memref_slice %arg17[%dma_start3A_325, %dma_start3A_326] : memref<1040x128xf32, #tpu.memory_space<vmem_shared>> -> memref<1040x128xf32, #tpu.memory_space<vmem_shared>>
        tpu.enqueue_indirect_dma source(%dma_start3A_324 : memref<16x128xf32, #tpu.memory_space<vmem>>) target(%dma_start3A_327 : memref<1040x128xf32, #tpu.memory_space<vmem_shared>>) offsets(%get3A_307 : vector<16xi32>) semaphore(%run_scoped3A : memref<!tpu.dma_semaphore, #tpu.memory_space<semaphore_mem>>) {add = true}
        %dma_wait3A_328 = arith.constant 80 : i32
        %dma_wait3A_329 = arith.constant 0 : i32
        %dma_wait3A_330 = tpu.memref_slice %arg15[%dma_wait3A_328, %dma_wait3A_329] : memref<128x128xf32, #tpu.memory_space<vmem>> -> memref<16x128xf32, #tpu.memory_space<vmem>>
        %dma_wait3A_331 = arith.constant 0 : i32
        %dma_wait3A_332 = arith.constant 0 : i32
        %dma_wait3A_333 = tpu.memref_slice %arg17[%dma_wait3A_331, %dma_wait3A_332] : memref<1040x128xf32, #tpu.memory_space<vmem_shared>> -> memref<1040x128xf32, #tpu.memory_space<vmem_shared>>
        tpu.wait_indirect_dma semaphore(%run_scoped3A : memref<!tpu.dma_semaphore, #tpu.memory_space<semaphore_mem>>) src(%dma_wait3A_330 : memref<16x128xf32, #tpu.memory_space<vmem>>) dst(%dma_wait3A_333 : memref<1040x128xf32, #tpu.memory_space<vmem_shared>>)
        tpu.yield
      }) : () -> ()
      %mul3A_308 = arith.constant 128 : i32
      %mul3A_309 = arith.muli %while3A_255, %mul3A_308 : i32
      %add3A_310 = arith.constant 96 : i32
      %add3A_311 = arith.addi %mul3A_309, %add3A_310 : i32
      %get3A_312 = arith.index_cast %add3A_311 : i32 to index
      %get3A_313 = tpu.vector_load %arg14[%get3A_312] {strides = array<i32>} : memref<1280xi32, #tpu.memory_space<vmem>>, vector<16xi32>,
      %get3A_314 = vector.shape_cast %get3A_313 : vector<16xi32> to vector<16xi32>
      "tpu.region"() ({
        %run_scoped3A = tpu.sem_alloc : memref<!tpu.dma_semaphore, #tpu.memory_space<semaphore_mem>>
        %dma_start3A_322 = arith.constant 96 : i32
        %dma_start3A_323 = arith.constant 0 : i32
        %dma_start3A_324 = tpu.memref_slice %arg15[%dma_start3A_322, %dma_start3A_323] : memref<128x128xf32, #tpu.memory_space<vmem>> -> memref<16x128xf32, #tpu.memory_space<vmem>>
        %dma_start3A_325 = arith.constant 0 : i32
        %dma_start3A_326 = arith.constant 0 : i32
        %dma_start3A_327 = tpu.memref_slice %arg17[%dma_start3A_325, %dma_start3A_326] : memref<1040x128xf32, #tpu.memory_space<vmem_shared>> -> memref<1040x128xf32, #tpu.memory_space<vmem_shared>>
        tpu.enqueue_indirect_dma source(%dma_start3A_324 : memref<16x128xf32, #tpu.memory_space<vmem>>) target(%dma_start3A_327 : memref<1040x128xf32, #tpu.memory_space<vmem_shared>>) offsets(%get3A_314 : vector<16xi32>) semaphore(%run_scoped3A : memref<!tpu.dma_semaphore, #tpu.memory_space<semaphore_mem>>) {add = true}
        %dma_wait3A_328 = arith.constant 96 : i32
        %dma_wait3A_329 = arith.constant 0 : i32
        %dma_wait3A_330 = tpu.memref_slice %arg15[%dma_wait3A_328, %dma_wait3A_329] : memref<128x128xf32, #tpu.memory_space<vmem>> -> memref<16x128xf32, #tpu.memory_space<vmem>>
        %dma_wait3A_331 = arith.constant 0 : i32
        %dma_wait3A_332 = arith.constant 0 : i32
        %dma_wait3A_333 = tpu.memref_slice %arg17[%dma_wait3A_331, %dma_wait3A_332] : memref<1040x128xf32, #tpu.memory_space<vmem_shared>> -> memref<1040x128xf32, #tpu.memory_space<vmem_shared>>
        tpu.wait_indirect_dma semaphore(%run_scoped3A : memref<!tpu.dma_semaphore, #tpu.memory_space<semaphore_mem>>) src(%dma_wait3A_330 : memref<16x128xf32, #tpu.memory_space<vmem>>) dst(%dma_wait3A_333 : memref<1040x128xf32, #tpu.memory_space<vmem_shared>>)
        tpu.yield
      }) : () -> ()
      %mul3A_315 = arith.constant 128 : i32
      %mul3A_316 = arith.muli %while3A_255, %mul3A_315 : i32
      %add3A_317 = arith.constant 112 : i32
      %add3A_318 = arith.addi %mul3A_316, %add3A_317 : i32
      %get3A_319 = arith.index_cast %add3A_318 : i32 to index
      %get3A_320 = tpu.vector_load %arg14[%get3A_319] {strides = array<i32>} : memref<1280xi32, #tpu.memory_space<vmem>>, vector<16xi32>,
      %get3A_321 = vector.shape_cast %get3A_320 : vector<16xi32> to vector<16xi32>
      "tpu.region"() ({
        %run_scoped3A = tpu.sem_alloc : memref<!tpu.dma_semaphore, #tpu.memory_space<semaphore_mem>>
        %dma_start3A_322 = arith.constant 112 : i32
        %dma_start3A_323 = arith.constant 0 : i32
        %dma_start3A_324 = tpu.memref_slice %arg15[%dma_start3A_322, %dma_start3A_323] : memref<128x128xf32, #tpu.memory_space<vmem>> -> memref<16x128xf32, #tpu.memory_space<vmem>>
        %dma_start3A_325 = arith.constant 0 : i32
        %dma_start3A_326 = arith.constant 0 : i32
        %dma_start3A_327 = tpu.memref_slice %arg17[%dma_start3A_325, %dma_start3A_326] : memref<1040x128xf32, #tpu.memory_space<vmem_shared>> -> memref<1040x128xf32, #tpu.memory_space<vmem_shared>>
        tpu.enqueue_indirect_dma source(%dma_start3A_324 : memref<16x128xf32, #tpu.memory_space<vmem>>) target(%dma_start3A_327 : memref<1040x128xf32, #tpu.memory_space<vmem_shared>>) offsets(%get3A_321 : vector<16xi32>) semaphore(%run_scoped3A : memref<!tpu.dma_semaphore, #tpu.memory_space<semaphore_mem>>) {add = true}
        %dma_wait3A_328 = arith.constant 112 : i32
        %dma_wait3A_329 = arith.constant 0 : i32
        %dma_wait3A_330 = tpu.memref_slice %arg15[%dma_wait3A_328, %dma_wait3A_329] : memref<128x128xf32, #tpu.memory_space<vmem>> -> memref<16x128xf32, #tpu.memory_space<vmem>>
        %dma_wait3A_331 = arith.constant 0 : i32
        %dma_wait3A_332 = arith.constant 0 : i32
        %dma_wait3A_333 = tpu.memref_slice %arg17[%dma_wait3A_331, %dma_wait3A_332] : memref<1040x128xf32, #tpu.memory_space<vmem_shared>> -> memref<1040x128xf32, #tpu.memory_space<vmem_shared>>
        tpu.wait_indirect_dma semaphore(%run_scoped3A : memref<!tpu.dma_semaphore, #tpu.memory_space<semaphore_mem>>) src(%dma_wait3A_330 : memref<16x128xf32, #tpu.memory_space<vmem>>) dst(%dma_wait3A_333 : memref<1040x128xf32, #tpu.memory_space<vmem_shared>>)
        tpu.yield
      }) : () -> ()
    }
    %barrier3A_250 = arith.constant 0 : index
    tpu.barrier barrier_id(%barrier3A_250)
    %mul3A_251 = arith.constant 64 : i32
    %mul3A_252 = arith.muli %arg1, %mul3A_251 : i32
    "tpu.region"() ({
      %run_scoped3A = tpu.sem_alloc : memref<!tpu.dma_semaphore, #tpu.memory_space<semaphore_mem>>
      %dma_start3A_255 = arith.constant 0 : i32
      %dma_start3A_256 = arith.constant 0 : i32
      %dma_start3A_257 = tpu.memref_slice %arg16[%dma_start3A_255, %dma_start3A_256] : memref<65x128xf32, #tpu.memory_space<vmem>> -> memref<64x128xf32, #tpu.memory_space<vmem>>
      %dma_start3A_258 = arith.constant 0 : i32
      %dma_start3A_259 = tpu.memref_slice %arg17[%mul3A_252, %dma_start3A_258] : memref<1040x128xf32, #tpu.memory_space<vmem_shared>> -> memref<64x128xf32, #tpu.memory_space<vmem_shared>>
      %dma_start3A_260 = arith.constant 0 : i32
      %dma_start3A_261 = arith.constant 0 : i32
      %dma_start3A_262 = tpu.memref_slice %arg16[%dma_start3A_260, %dma_start3A_261] : memref<65x128xf32, #tpu.memory_space<vmem>> -> memref<64x128xf32, #tpu.memory_space<vmem>>
      %dma_start3A_263 = arith.constant 0 : i32
      %dma_start3A_264 = tpu.memref_slice %arg17[%mul3A_252, %dma_start3A_263] : memref<1040x128xf32, #tpu.memory_space<vmem_shared>> -> memref<64x128xf32, #tpu.memory_space<vmem_shared>>
      tpu.enqueue_dma source(%dma_start3A_264 : memref<64x128xf32, #tpu.memory_space<vmem_shared>>) target(%dma_start3A_262 : memref<64x128xf32, #tpu.memory_space<vmem>>) target_semaphore(%run_scoped3A : memref<!tpu.dma_semaphore, #tpu.memory_space<semaphore_mem>>)
      %dma_wait3A_265 = arith.constant 0 : i32
      %dma_wait3A_266 = arith.constant 0 : i32
      %dma_wait3A_267 = tpu.memref_slice %arg16[%dma_wait3A_265, %dma_wait3A_266] : memref<65x128xf32, #tpu.memory_space<vmem>> -> memref<64x128xf32, #tpu.memory_space<vmem>>
      %dma_wait3A_268 = arith.constant 0 : i32
      %dma_wait3A_269 = tpu.memref_slice %arg17[%mul3A_252, %dma_wait3A_268] : memref<1040x128xf32, #tpu.memory_space<vmem_shared>> -> memref<64x128xf32, #tpu.memory_space<vmem_shared>>
      %dma_wait3A_270 = arith.constant 0 : i32
      %dma_wait3A_271 = arith.constant 0 : i32
      %dma_wait3A_272 = tpu.memref_slice %arg16[%dma_wait3A_270, %dma_wait3A_271] : memref<65x128xf32, #tpu.memory_space<vmem>> -> memref<64x128xf32, #tpu.memory_space<vmem>>
      %dma_wait3A_273 = arith.constant 0 : i32
      %dma_wait3A_274 = tpu.memref_slice %arg17[%mul3A_252, %dma_wait3A_273] : memref<1040x128xf32, #tpu.memory_space<vmem_shared>> -> memref<64x128xf32, #tpu.memory_space<vmem_shared>>
      tpu.wait_dma2 semaphore(%run_scoped3A : memref<!tpu.dma_semaphore, #tpu.memory_space<semaphore_mem>>) src(%dma_wait3A_274 : memref<64x128xf32, #tpu.memory_space<vmem_shared>>) dst(%dma_wait3A_272 : memref<64x128xf32, #tpu.memory_space<vmem>>)
      tpu.yield
    }) : () -> ()
    %mul3A_253 = arith.constant 64 : i32
    %mul3A_254 = arith.muli %arg1, %mul3A_253 : i32
    "tpu.region"() ({
      %run_scoped3A = tpu.sem_alloc : memref<!tpu.dma_semaphore, #tpu.memory_space<semaphore_mem>>
      %dma_start3A_255 = arith.constant 0 : i32
      %dma_start3A_256 = arith.constant 0 : i32
      %dma_start3A_257 = tpu.memref_slice %arg16[%dma_start3A_255, %dma_start3A_256] : memref<65x128xf32, #tpu.memory_space<vmem>> -> memref<64x128xf32, #tpu.memory_space<vmem>>
      %dma_start3A_258 = arith.constant 0 : i32
      %dma_start3A_259 = tpu.memref_slice %arg8[%arg0, %mul3A_254, %dma_start3A_258] : memref<2x1024x128xf32, #tpu.memory_space<hbm>> -> memref<1x64x128xf32, #tpu.memory_space<hbm>>
      %dma_start3A_260 = tpu.memref_squeeze %dma_start3A_259 : memref<1x64x128xf32, #tpu.memory_space<hbm>> -> memref<64x128xf32, #tpu.memory_space<hbm>>
      %dma_start3A_261 = arith.constant 0 : i32
      %dma_start3A_262 = tpu.memref_slice %arg8[%arg0, %mul3A_254, %dma_start3A_261] : memref<2x1024x128xf32, #tpu.memory_space<hbm>> -> memref<1x64x128xf32, #tpu.memory_space<hbm>>
      %dma_start3A_263 = tpu.memref_squeeze %dma_start3A_262 : memref<1x64x128xf32, #tpu.memory_space<hbm>> -> memref<64x128xf32, #tpu.memory_space<hbm>>
      %dma_start3A_264 = arith.constant 0 : i32
      %dma_start3A_265 = arith.constant 0 : i32
      %dma_start3A_266 = tpu.memref_slice %arg16[%dma_start3A_264, %dma_start3A_265] : memref<65x128xf32, #tpu.memory_space<vmem>> -> memref<64x128xf32, #tpu.memory_space<vmem>>
      tpu.enqueue_dma source(%dma_start3A_266 : memref<64x128xf32, #tpu.memory_space<vmem>>) target(%dma_start3A_263 : memref<64x128xf32, #tpu.memory_space<hbm>>) target_semaphore(%run_scoped3A : memref<!tpu.dma_semaphore, #tpu.memory_space<semaphore_mem>>)
      %dma_wait3A_267 = arith.constant 0 : i32
      %dma_wait3A_268 = arith.constant 0 : i32
      %dma_wait3A_269 = tpu.memref_slice %arg16[%dma_wait3A_267, %dma_wait3A_268] : memref<65x128xf32, #tpu.memory_space<vmem>> -> memref<64x128xf32, #tpu.memory_space<vmem>>
      %dma_wait3A_270 = arith.constant 0 : i32
      %dma_wait3A_271 = tpu.memref_slice %arg8[%arg0, %mul3A_254, %dma_wait3A_270] : memref<2x1024x128xf32, #tpu.memory_space<hbm>> -> memref<1x64x128xf32, #tpu.memory_space<hbm>>
      %dma_wait3A_272 = tpu.memref_squeeze %dma_wait3A_271 : memref<1x64x128xf32, #tpu.memory_space<hbm>> -> memref<64x128xf32, #tpu.memory_space<hbm>>
      %dma_wait3A_273 = arith.constant 0 : i32
      %dma_wait3A_274 = tpu.memref_slice %arg8[%arg0, %mul3A_254, %dma_wait3A_273] : memref<2x1024x128xf32, #tpu.memory_space<hbm>> -> memref<1x64x128xf32, #tpu.memory_space<hbm>>
      %dma_wait3A_275 = tpu.memref_squeeze %dma_wait3A_274 : memref<1x64x128xf32, #tpu.memory_space<hbm>> -> memref<64x128xf32, #tpu.memory_space<hbm>>
      %dma_wait3A_276 = arith.constant 0 : i32
      %dma_wait3A_277 = arith.constant 0 : i32
      %dma_wait3A_278 = tpu.memref_slice %arg16[%dma_wait3A_276, %dma_wait3A_277] : memref<65x128xf32, #tpu.memory_space<vmem>> -> memref<64x128xf32, #tpu.memory_space<vmem>>
      tpu.wait_dma2 semaphore(%run_scoped3A : memref<!tpu.dma_semaphore, #tpu.memory_space<semaphore_mem>>) src(%dma_wait3A_278 : memref<64x128xf32, #tpu.memory_space<vmem>>) dst(%dma_wait3A_275 : memref<64x128xf32, #tpu.memory_space<hbm>>)
      tpu.yield
    }) : () -> ()
    return
  }
}

module attributes {stable_mosaic.version = 14 : i64} {
  func.func @body(%arg0: i32, %arg1: memref<256x128xf32, #tpu.memory_space<vmem>>, %arg2: memref<128x128xf32, #tpu.memory_space<vmem>>, %arg3: memref<2x256xf32, #tpu.memory_space<vmem>>, %arg4: memref<1x64x128xi32, #tpu.memory_space<vmem>>, %arg5: memref<1x64x128xi32, #tpu.memory_space<vmem>>, %arg6: memref<1x8x128xi32, #tpu.memory_space<vmem>>, %arg7: memref<1x8x128xi32, #tpu.memory_space<vmem>>, %arg8: memref<256x128xf32, #tpu.memory_space<vmem>>, %arg9: memref<1x64x128xi32, #tpu.memory_space<vmem>>, %arg10: memref<1x8x128xi32, #tpu.memory_space<vmem>>, %arg11: memref<1x8x128xi32, #tpu.memory_space<vmem>>, %arg12: memref<1x8x128xi32, #tpu.memory_space<vmem>>) attributes {dimension_semantics = [#tpu.dimension_semantics<arbitrary>], iteration_bounds = array<i64: 32>, scalar_prefetch = 0 : i64, scratch_operands = 0 : i64, tpu.core_type = #tpu.core_type<tc>, window_params = [{transform_indices = @transform_0, window_bounds = array<i64: 256, 128>}, {pipeline_mode = #tpu.pipeline_mode<synchronous>, transform_indices = @transform_1, window_bounds = array<i64: 128, 128>}, {transform_indices = @transform_2, window_bounds = array<i64: 2, 256>}, {transform_indices = @transform_3, window_bounds = array<i64: 1, 64, 128>}, {transform_indices = @transform_4, window_bounds = array<i64: 1, 64, 128>}, {transform_indices = @transform_5, window_bounds = array<i64: 1, 8, 128>}, {transform_indices = @transform_6, window_bounds = array<i64: 1, 8, 128>}, {transform_indices = @transform_7, window_bounds = array<i64: 256, 128>}, {transform_indices = @transform_8, window_bounds = array<i64: 1, 64, 128>}, {transform_indices = @transform_9, window_bounds = array<i64: 1, 8, 128>}, {transform_indices = @transform_10, window_bounds = array<i64: 1, 8, 128>}, {transform_indices = @transform_11, window_bounds = array<i64: 1, 8, 128>}]} {
    %get3A = arith.constant 0 : index
    %get3A_0 = arith.constant 0 : index
    %get3A_1 = vector.load %arg3[%get3A, %get3A_0] : memref<2x256xf32, #tpu.memory_space<vmem>>, vector<1x256xf32>
    %get3A_2 = vector.shape_cast %get3A_1 : vector<1x256xf32> to vector<256xf32>
    %get3A_3 = arith.constant 1 : index
    %get3A_4 = arith.constant 0 : index
    %get3A_5 = vector.load %arg3[%get3A_3, %get3A_4] : memref<2x256xf32, #tpu.memory_space<vmem>>, vector<1x256xf32>
    %get3A_6 = vector.shape_cast %get3A_5 : vector<1x256xf32> to vector<256xf32>
    %add3A = arith.addf %get3A_2, %get3A_6 : vector<256xf32>
    %add3A_7 = arith.constant 2.000000e+00 : f32
    %add3A_8 = vector.broadcast %add3A_7 : f32 to vector<256xf32>
    %add3A_9 = arith.addf %add3A, %add3A_8 : vector<256xf32>
    %rsqrt3A = math.rsqrt %add3A_9 : vector<256xf32>
    %broadcast_in_dim3A = vector.shape_cast %rsqrt3A : vector<256xf32> to vector<256x1xf32>
    %get3A_10 = arith.constant 0 : index
    %get3A_11 = arith.constant 0 : index
    %get3A_12 = vector.load %arg1[%get3A_10, %get3A_11] : memref<256x128xf32, #tpu.memory_space<vmem>>, vector<256x128xf32>
    %get3A_13 = arith.constant 0 : index
    %get3A_14 = arith.constant 0 : index
    %get3A_15 = vector.load %arg2[%get3A_13, %get3A_14] : memref<128x128xf32, #tpu.memory_space<vmem>>, vector<128x128xf32>
    %dot_general3A = arith.constant dense<0.000000e+00> : vector<256x128xf32>
    %dot_general3A_16 = tpu.matmul %get3A_12, %get3A_15, %dot_general3A {dimension_numbers = #tpu.dot_dimension_numbers<[1], [0], [0], [1], [0, 0, 1, 1], [], []>, transpose_lhs_hint = false} : vector<256x128xf32>, vector<128x128xf32>, vector<256x128xf32> -> vector<256x128xf32>
    %mul3A = vector.broadcast %broadcast_in_dim3A : vector<256x1xf32> to vector<256x128xf32>
    %mul3A_17 = arith.mulf %mul3A, %dot_general3A_16 : vector<256x128xf32>
    %swap3A = arith.constant 0 : index
    %swap3A_18 = arith.constant 0 : index
    %swap3A_19 = vector.load %arg8[%swap3A, %swap3A_18] : memref<256x128xf32, #tpu.memory_space<vmem>>, vector<256x128xf32>
    tpu.vector_store %arg8[%swap3A, %swap3A_18], %mul3A_17 {strides = array<i32>} : memref<256x128xf32, #tpu.memory_space<vmem>>, vector<256x128xf32>,
    %get3A_20 = arith.constant 0 : index
    %get3A_21 = arith.constant 0 : index
    %get3A_22 = arith.constant 0 : index
    %get3A_23 = vector.load %arg4[%get3A_20, %get3A_21, %get3A_22] : memref<1x64x128xi32, #tpu.memory_space<vmem>>, vector<1x64x128xi32>
    %get3A_24 = vector.shape_cast %get3A_23 : vector<1x64x128xi32> to vector<64x128xi32>
    %get3A_25 = arith.constant 0 : index
    %get3A_26 = arith.constant 0 : index
    %get3A_27 = arith.constant 0 : index
    %get3A_28 = vector.load %arg5[%get3A_25, %get3A_26, %get3A_27] : memref<1x64x128xi32, #tpu.memory_space<vmem>>, vector<1x64x128xi32>
    %get3A_29 = vector.shape_cast %get3A_28 : vector<1x64x128xi32> to vector<64x128xi32>
    %jit3A = arith.constant 2 : i32
    %div3A = arith.divsi %arg0, %jit3A : i32
    %sign3A = arith.constant 0 : i32
    %sign3A_30 = arith.cmpi sgt, %arg0, %sign3A : i32
    %sign3A_31 = arith.extui %sign3A_30 : i1 to i32
    %sign3A_32 = arith.constant 0 : i32
    %sign3A_33 = arith.cmpi slt, %arg0, %sign3A_32 : i32
    %sign3A_34 = arith.extui %sign3A_33 : i1 to i32
    %sign3A_35 = arith.subi %sign3A_31, %sign3A_34 : i32
    %sign3A_36 = arith.constant 0 : i32
    %sign3A_37 = arith.cmpi sgt, %jit3A, %sign3A_36 : i32
    %sign3A_38 = arith.extui %sign3A_37 : i1 to i32
    %sign3A_39 = arith.constant 0 : i32
    %sign3A_40 = arith.cmpi slt, %jit3A, %sign3A_39 : i32
    %sign3A_41 = arith.extui %sign3A_40 : i1 to i32
    %sign3A_42 = arith.subi %sign3A_38, %sign3A_41 : i32
    %ne3A = arith.cmpi ne, %sign3A_35, %sign3A_42 : i32
    %rem3A = arith.remsi %arg0, %jit3A : i32
    %ne3A_43 = arith.constant 0 : i32
    %ne3A_44 = arith.cmpi ne, %rem3A, %ne3A_43 : i32
    %and3A = arith.andi %ne3A, %ne3A_44 : i1
    %sub3A = arith.constant 1 : i32
    %sub3A_45 = arith.subi %div3A, %sub3A : i32
    %select_n3A = arith.select %and3A, %sub3A_45, %div3A : i32
    %mul3A_46 = arith.constant 8448 : i32
    %mul3A_47 = arith.muli %select_n3A, %mul3A_46 : i32
    %lt3A = arith.constant 8192 : i32
    %lt3A_48 = vector.broadcast %lt3A : i32 to vector<64x128xi32>
    %lt3A_49 = arith.cmpi slt, %get3A_24, %lt3A_48 : vector<64x128xi32>
    %lt3A_50 = arith.constant 1024 : i32
    %lt3A_51 = vector.broadcast %lt3A_50 : i32 to vector<64x128xi32>
    %lt3A_52 = arith.cmpi slt, %get3A_29, %lt3A_51 : vector<64x128xi32>
    %and3A_53 = arith.andi %lt3A_49, %lt3A_52 : vector<64x128xi1>
    %jit3A_54 = arith.constant 1.000000e+00 : f32
    %jit3A_55 = arith.constant 0.000000e+00 : f32
    %broadcast_in_dim3A_56 = vector.broadcast %jit3A_54 : f32 to vector<64x128xf32>
    %broadcast_in_dim3A_57 = vector.broadcast %jit3A_55 : f32 to vector<64x128xf32>
    %select_n3A_58 = arith.select %and3A_53, %broadcast_in_dim3A_56, %broadcast_in_dim3A_57 : vector<64x128xi1>, vector<64x128xf32>
    %iota3A = tpu.iota {dimensions = array<i32: 0>} : vector<128x128xi32>
    %iota3A_59 = tpu.iota {dimensions = array<i32: 1>} : vector<128x128xi32>
    %lt3A_60 = arith.cmpi slt, %iota3A, %iota3A_59 : vector<128x128xi32>
    %jit3A_61 = arith.constant 1.000000e+00 : f32
    %jit3A_62 = arith.constant 0.000000e+00 : f32
    %broadcast_in_dim3A_63 = vector.broadcast %jit3A_61 : f32 to vector<128x128xf32>
    %broadcast_in_dim3A_64 = vector.broadcast %jit3A_62 : f32 to vector<128x128xf32>
    %select_n3A_65 = arith.select %lt3A_60, %broadcast_in_dim3A_63, %broadcast_in_dim3A_64 : vector<128x128xi1>, vector<128x128xf32>
    %dot_general3A_66 = arith.constant dense<0.000000e+00> : vector<64x128xf32>
    %dot_general3A_67 = tpu.matmul %select_n3A_58, %select_n3A_65, %dot_general3A_66 {dimension_numbers = #tpu.dot_dimension_numbers<[1], [0], [0], [1], [0, 0, 1, 1], [], []>, transpose_lhs_hint = false} : vector<64x128xf32>, vector<128x128xf32>, vector<64x128xf32> -> vector<64x128xf32>
    %reduce_sum3A = arith.constant dense<0.000000e+00> : vector<64xf32>
    %reduce_sum3A_68 = vector.multi_reduction <add>, %select_n3A_58, %reduce_sum3A [1] : vector<64x128xf32> to vector<64xf32>
    %iota3A_69 = tpu.iota {dimensions = array<i32: 0>} : vector<64x64xi32>
    %iota3A_70 = tpu.iota {dimensions = array<i32: 1>} : vector<64x64xi32>
    %lt3A_71 = arith.cmpi slt, %iota3A_69, %iota3A_70 : vector<64x64xi32>
    %jit3A_72 = arith.constant 1.000000e+00 : f32
    %jit3A_73 = arith.constant 0.000000e+00 : f32
    %broadcast_in_dim3A_74 = vector.broadcast %jit3A_72 : f32 to vector<64x64xf32>
    %broadcast_in_dim3A_75 = vector.broadcast %jit3A_73 : f32 to vector<64x64xf32>
    %select_n3A_76 = arith.select %lt3A_71, %broadcast_in_dim3A_74, %broadcast_in_dim3A_75 : vector<64x64xi1>, vector<64x64xf32>
    %dot_general3A_77 = arith.constant dense<0.000000e+00> : vector<64xf32>
    %dot_general3A_78 = tpu.matmul %reduce_sum3A_68, %select_n3A_76, %dot_general3A_77 {dimension_numbers = #tpu.dot_dimension_numbers<[0], [0], [], [1], [1, 1], [], []>, transpose_lhs_hint = false} : vector<64xf32>, vector<64x64xf32>, vector<64xf32> -> vector<64xf32>
    %broadcast_in_dim3A_79 = vector.shape_cast %dot_general3A_78 : vector<64xf32> to vector<64x1xf32>
    %add3A_80 = vector.broadcast %broadcast_in_dim3A_79 : vector<64x1xf32> to vector<64x128xf32>
    %add3A_81 = arith.addf %dot_general3A_67, %add3A_80 : vector<64x128xf32>
    %convert_element_type3A = arith.fptosi %add3A_81 : vector<64x128xf32> to vector<64x128xi32>
    %iota3A_82 = tpu.iota {dimensions = array<i32: 1>} : vector<64x128xi32>
    %add3A_83 = arith.constant 8320 : i32
    %add3A_84 = vector.broadcast %add3A_83 : i32 to vector<64x128xi32>
    %add3A_85 = arith.addi %add3A_84, %iota3A_82 : vector<64x128xi32>
    %select_n3A_86 = arith.select %and3A_53, %convert_element_type3A, %add3A_85 : vector<64x128xi1>, vector<64x128xi32>
    %add3A_87 = vector.broadcast %mul3A_47 : i32 to vector<64x128xi32>
    %add3A_88 = arith.addi %select_n3A_86, %add3A_87 : vector<64x128xi32>
    %reduce_sum3A_89 = vector.shape_cast %reduce_sum3A_68 : vector<64xf32> to vector<1x64xf32>
    %reduce_sum3A_90 = arith.constant dense<0.000000e+00> : vector<1xf32>
    %reduce_sum3A_91 = vector.multi_reduction <add>, %reduce_sum3A_89, %reduce_sum3A_90 [1] : vector<1x64xf32> to vector<1xf32>
    %reduce_sum3A_92 = vector.shape_cast %reduce_sum3A_91 : vector<1xf32> to vector<1x1xf32>
    %reduce_sum3A_93 = vector.extract %reduce_sum3A_92[0, 0] : f32 from vector<1x1xf32>
    %convert_element_type3A_94 = arith.fptosi %reduce_sum3A_93 : f32 to i32
    %add3A_95 = arith.constant 127 : i32
    %add3A_96 = arith.addi %convert_element_type3A_94, %add3A_95 : i32
    %shift_right_arithmetic3A = arith.constant 7 : i32
    %shift_right_arithmetic3A_97 = arith.shrsi %add3A_96, %shift_right_arithmetic3A : i32
    %iota3A_98 = tpu.iota {dimensions = array<i32: 0>} : vector<8x128xi32>
    %mul3A_99 = arith.constant 128 : i32
    %mul3A_100 = vector.broadcast %mul3A_99 : i32 to vector<8x128xi32>
    %mul3A_101 = arith.muli %iota3A_98, %mul3A_100 : vector<8x128xi32>
    %iota3A_102 = tpu.iota {dimensions = array<i32: 1>} : vector<8x128xi32>
    %add3A_103 = arith.addi %mul3A_101, %iota3A_102 : vector<8x128xi32>
    %eq3A = arith.constant 0 : i32
    %eq3A_104 = vector.broadcast %eq3A : i32 to vector<8x128xi32>
    %eq3A_105 = arith.cmpi eq, %add3A_103, %eq3A_104 : vector<8x128xi32>
    %eq3A_106 = arith.constant 1 : i32
    %eq3A_107 = vector.broadcast %eq3A_106 : i32 to vector<8x128xi32>
    %eq3A_108 = arith.cmpi eq, %add3A_103, %eq3A_107 : vector<8x128xi32>
    %jit3A_109 = arith.constant 0 : i32
    %broadcast_in_dim3A_110 = vector.broadcast %shift_right_arithmetic3A_97 : i32 to vector<8x128xi32>
    %broadcast_in_dim3A_111 = vector.broadcast %jit3A_109 : i32 to vector<8x128xi32>
    %select_n3A_112 = arith.select %eq3A_108, %broadcast_in_dim3A_110, %broadcast_in_dim3A_111 : vector<8x128xi1>, vector<8x128xi32>
    %broadcast_in_dim3A_113 = vector.broadcast %convert_element_type3A_94 : i32 to vector<8x128xi32>
    %select_n3A_114 = arith.select %eq3A_105, %broadcast_in_dim3A_113, %select_n3A_112 : vector<8x128xi1>, vector<8x128xi32>
    %swap3A_115 = arith.constant 0 : index
    %swap3A_116 = arith.constant 0 : index
    %swap3A_117 = arith.constant 0 : index
    %swap3A_118 = vector.load %arg9[%swap3A_115, %swap3A_116, %swap3A_117] : memref<1x64x128xi32, #tpu.memory_space<vmem>>, vector<1x64x128xi32>
    %swap3A_119 = vector.shape_cast %swap3A_118 : vector<1x64x128xi32> to vector<64x128xi32>
    %swap3A_120 = vector.shape_cast %add3A_88 : vector<64x128xi32> to vector<1x64x128xi32>
    tpu.vector_store %arg9[%swap3A_115, %swap3A_116, %swap3A_117], %swap3A_120 {strides = array<i32>} : memref<1x64x128xi32, #tpu.memory_space<vmem>>, vector<1x64x128xi32>,
    %swap3A_121 = arith.constant 0 : index
    %swap3A_122 = arith.constant 0 : index
    %swap3A_123 = arith.constant 0 : index
    %swap3A_124 = vector.load %arg10[%swap3A_121, %swap3A_122, %swap3A_123] : memref<1x8x128xi32, #tpu.memory_space<vmem>>, vector<1x8x128xi32>
    %swap3A_125 = vector.shape_cast %swap3A_124 : vector<1x8x128xi32> to vector<8x128xi32>
    %swap3A_126 = vector.shape_cast %select_n3A_114 : vector<8x128xi32> to vector<1x8x128xi32>
    tpu.vector_store %arg10[%swap3A_121, %swap3A_122, %swap3A_123], %swap3A_126 {strides = array<i32>} : memref<1x8x128xi32, #tpu.memory_space<vmem>>, vector<1x8x128xi32>,
    %get3A_127 = arith.constant 0 : index
    %get3A_128 = arith.constant 0 : index
    %get3A_129 = arith.constant 0 : index
    %get3A_130 = vector.load %arg6[%get3A_127, %get3A_128, %get3A_129] : memref<1x8x128xi32, #tpu.memory_space<vmem>>, vector<1x8x128xi32>
    %get3A_131 = vector.shape_cast %get3A_130 : vector<1x8x128xi32> to vector<8x128xi32>
    %get3A_132 = arith.constant 0 : index
    %get3A_133 = arith.constant 0 : index
    %get3A_134 = arith.constant 0 : index
    %get3A_135 = vector.load %arg7[%get3A_132, %get3A_133, %get3A_134] : memref<1x8x128xi32, #tpu.memory_space<vmem>>, vector<1x8x128xi32>
    %get3A_136 = vector.shape_cast %get3A_135 : vector<1x8x128xi32> to vector<8x128xi32>
    %jit3A_137 = arith.constant 2 : i32
    %div3A_138 = arith.divsi %arg0, %jit3A_137 : i32
    %sign3A_139 = arith.constant 0 : i32
    %sign3A_140 = arith.cmpi sgt, %arg0, %sign3A_139 : i32
    %sign3A_141 = arith.extui %sign3A_140 : i1 to i32
    %sign3A_142 = arith.constant 0 : i32
    %sign3A_143 = arith.cmpi slt, %arg0, %sign3A_142 : i32
    %sign3A_144 = arith.extui %sign3A_143 : i1 to i32
    %sign3A_145 = arith.subi %sign3A_141, %sign3A_144 : i32
    %sign3A_146 = arith.constant 0 : i32
    %sign3A_147 = arith.cmpi sgt, %jit3A_137, %sign3A_146 : i32
    %sign3A_148 = arith.extui %sign3A_147 : i1 to i32
    %sign3A_149 = arith.constant 0 : i32
    %sign3A_150 = arith.cmpi slt, %jit3A_137, %sign3A_149 : i32
    %sign3A_151 = arith.extui %sign3A_150 : i1 to i32
    %sign3A_152 = arith.subi %sign3A_148, %sign3A_151 : i32
    %ne3A_153 = arith.cmpi ne, %sign3A_145, %sign3A_152 : i32
    %rem3A_154 = arith.remsi %arg0, %jit3A_137 : i32
    %ne3A_155 = arith.constant 0 : i32
    %ne3A_156 = arith.cmpi ne, %rem3A_154, %ne3A_155 : i32
    %and3A_157 = arith.andi %ne3A_153, %ne3A_156 : i1
    %sub3A_158 = arith.constant 1 : i32
    %sub3A_159 = arith.subi %div3A_138, %sub3A_158 : i32
    %select_n3A_160 = arith.select %and3A_157, %sub3A_159, %div3A_138 : i32
    %mul3A_161 = arith.constant 1280 : i32
    %mul3A_162 = arith.muli %select_n3A_160, %mul3A_161 : i32
    %lt3A_163 = arith.constant 1024 : i32
    %lt3A_164 = vector.broadcast %lt3A_163 : i32 to vector<8x128xi32>
    %lt3A_165 = arith.cmpi slt, %get3A_131, %lt3A_164 : vector<8x128xi32>
    %lt3A_166 = arith.constant 1024 : i32
    %lt3A_167 = vector.broadcast %lt3A_166 : i32 to vector<8x128xi32>
    %lt3A_168 = arith.cmpi slt, %get3A_136, %lt3A_167 : vector<8x128xi32>
    %and3A_169 = arith.andi %lt3A_165, %lt3A_168 : vector<8x128xi1>
    %jit3A_170 = arith.constant 1.000000e+00 : f32
    %jit3A_171 = arith.constant 0.000000e+00 : f32
    %broadcast_in_dim3A_172 = vector.broadcast %jit3A_170 : f32 to vector<8x128xf32>
    %broadcast_in_dim3A_173 = vector.broadcast %jit3A_171 : f32 to vector<8x128xf32>
    %select_n3A_174 = arith.select %and3A_169, %broadcast_in_dim3A_172, %broadcast_in_dim3A_173 : vector<8x128xi1>, vector<8x128xf32>
    %iota3A_175 = tpu.iota {dimensions = array<i32: 0>} : vector<128x128xi32>
    %iota3A_176 = tpu.iota {dimensions = array<i32: 1>} : vector<128x128xi32>
    %lt3A_177 = arith.cmpi slt, %iota3A_175, %iota3A_176 : vector<128x128xi32>
    %jit3A_178 = arith.constant 1.000000e+00 : f32
    %jit3A_179 = arith.constant 0.000000e+00 : f32
    %broadcast_in_dim3A_180 = vector.broadcast %jit3A_178 : f32 to vector<128x128xf32>
    %broadcast_in_dim3A_181 = vector.broadcast %jit3A_179 : f32 to vector<128x128xf32>
    %select_n3A_182 = arith.select %lt3A_177, %broadcast_in_dim3A_180, %broadcast_in_dim3A_181 : vector<128x128xi1>, vector<128x128xf32>
    %dot_general3A_183 = arith.constant dense<0.000000e+00> : vector<8x128xf32>
    %dot_general3A_184 = tpu.matmul %select_n3A_174, %select_n3A_182, %dot_general3A_183 {dimension_numbers = #tpu.dot_dimension_numbers<[1], [0], [0], [1], [0, 0, 1, 1], [], []>, transpose_lhs_hint = false} : vector<8x128xf32>, vector<128x128xf32>, vector<8x128xf32> -> vector<8x128xf32>
    %reduce_sum3A_185 = arith.constant dense<0.000000e+00> : vector<8xf32>
    %reduce_sum3A_186 = vector.multi_reduction <add>, %select_n3A_174, %reduce_sum3A_185 [1] : vector<8x128xf32> to vector<8xf32>
    %iota3A_187 = tpu.iota {dimensions = array<i32: 0>} : vector<8x8xi32>
    %iota3A_188 = tpu.iota {dimensions = array<i32: 1>} : vector<8x8xi32>
    %lt3A_189 = arith.cmpi slt, %iota3A_187, %iota3A_188 : vector<8x8xi32>
    %jit3A_190 = arith.constant 1.000000e+00 : f32
    %jit3A_191 = arith.constant 0.000000e+00 : f32
    %broadcast_in_dim3A_192 = vector.broadcast %jit3A_190 : f32 to vector<8x8xf32>
    %broadcast_in_dim3A_193 = vector.broadcast %jit3A_191 : f32 to vector<8x8xf32>
    %select_n3A_194 = arith.select %lt3A_189, %broadcast_in_dim3A_192, %broadcast_in_dim3A_193 : vector<8x8xi1>, vector<8x8xf32>
    %dot_general3A_195 = arith.constant dense<0.000000e+00> : vector<8xf32>
    %dot_general3A_196 = tpu.matmul %reduce_sum3A_186, %select_n3A_194, %dot_general3A_195 {dimension_numbers = #tpu.dot_dimension_numbers<[0], [0], [], [1], [1, 1], [], []>, transpose_lhs_hint = false} : vector<8xf32>, vector<8x8xf32>, vector<8xf32> -> vector<8xf32>
    %broadcast_in_dim3A_197 = vector.shape_cast %dot_general3A_196 : vector<8xf32> to vector<8x1xf32>
    %add3A_198 = vector.broadcast %broadcast_in_dim3A_197 : vector<8x1xf32> to vector<8x128xf32>
    %add3A_199 = arith.addf %dot_general3A_184, %add3A_198 : vector<8x128xf32>
    %convert_element_type3A_200 = arith.fptosi %add3A_199 : vector<8x128xf32> to vector<8x128xi32>
    %iota3A_201 = tpu.iota {dimensions = array<i32: 1>} : vector<8x128xi32>
    %add3A_202 = arith.constant 1152 : i32
    %add3A_203 = vector.broadcast %add3A_202 : i32 to vector<8x128xi32>
    %add3A_204 = arith.addi %add3A_203, %iota3A_201 : vector<8x128xi32>
    %select_n3A_205 = arith.select %and3A_169, %convert_element_type3A_200, %add3A_204 : vector<8x128xi1>, vector<8x128xi32>
    %add3A_206 = vector.broadcast %mul3A_162 : i32 to vector<8x128xi32>
    %add3A_207 = arith.addi %select_n3A_205, %add3A_206 : vector<8x128xi32>
    %reduce_sum3A_208 = vector.shape_cast %reduce_sum3A_186 : vector<8xf32> to vector<1x8xf32>
    %reduce_sum3A_209 = arith.constant dense<0.000000e+00> : vector<1xf32>
    %reduce_sum3A_210 = vector.multi_reduction <add>, %reduce_sum3A_208, %reduce_sum3A_209 [1] : vector<1x8xf32> to vector<1xf32>
    %reduce_sum3A_211 = vector.shape_cast %reduce_sum3A_210 : vector<1xf32> to vector<1x1xf32>
    %reduce_sum3A_212 = vector.extract %reduce_sum3A_211[0, 0] : f32 from vector<1x1xf32>
    %convert_element_type3A_213 = arith.fptosi %reduce_sum3A_212 : f32 to i32
    %add3A_214 = arith.constant 127 : i32
    %add3A_215 = arith.addi %convert_element_type3A_213, %add3A_214 : i32
    %shift_right_arithmetic3A_216 = arith.constant 7 : i32
    %shift_right_arithmetic3A_217 = arith.shrsi %add3A_215, %shift_right_arithmetic3A_216 : i32
    %iota3A_218 = tpu.iota {dimensions = array<i32: 0>} : vector<8x128xi32>
    %mul3A_219 = arith.constant 128 : i32
    %mul3A_220 = vector.broadcast %mul3A_219 : i32 to vector<8x128xi32>
    %mul3A_221 = arith.muli %iota3A_218, %mul3A_220 : vector<8x128xi32>
    %iota3A_222 = tpu.iota {dimensions = array<i32: 1>} : vector<8x128xi32>
    %add3A_223 = arith.addi %mul3A_221, %iota3A_222 : vector<8x128xi32>
    %eq3A_224 = arith.constant 0 : i32
    %eq3A_225 = vector.broadcast %eq3A_224 : i32 to vector<8x128xi32>
    %eq3A_226 = arith.cmpi eq, %add3A_223, %eq3A_225 : vector<8x128xi32>
    %eq3A_227 = arith.constant 1 : i32
    %eq3A_228 = vector.broadcast %eq3A_227 : i32 to vector<8x128xi32>
    %eq3A_229 = arith.cmpi eq, %add3A_223, %eq3A_228 : vector<8x128xi32>
    %jit3A_230 = arith.constant 0 : i32
    %broadcast_in_dim3A_231 = vector.broadcast %shift_right_arithmetic3A_217 : i32 to vector<8x128xi32>
    %broadcast_in_dim3A_232 = vector.broadcast %jit3A_230 : i32 to vector<8x128xi32>
    %select_n3A_233 = arith.select %eq3A_229, %broadcast_in_dim3A_231, %broadcast_in_dim3A_232 : vector<8x128xi1>, vector<8x128xi32>
    %broadcast_in_dim3A_234 = vector.broadcast %convert_element_type3A_213 : i32 to vector<8x128xi32>
    %select_n3A_235 = arith.select %eq3A_226, %broadcast_in_dim3A_234, %select_n3A_233 : vector<8x128xi1>, vector<8x128xi32>
    %swap3A_236 = arith.constant 0 : index
    %swap3A_237 = arith.constant 0 : index
    %swap3A_238 = arith.constant 0 : index
    %swap3A_239 = vector.load %arg11[%swap3A_236, %swap3A_237, %swap3A_238] : memref<1x8x128xi32, #tpu.memory_space<vmem>>, vector<1x8x128xi32>
    %swap3A_240 = vector.shape_cast %swap3A_239 : vector<1x8x128xi32> to vector<8x128xi32>
    %swap3A_241 = vector.shape_cast %add3A_207 : vector<8x128xi32> to vector<1x8x128xi32>
    tpu.vector_store %arg11[%swap3A_236, %swap3A_237, %swap3A_238], %swap3A_241 {strides = array<i32>} : memref<1x8x128xi32, #tpu.memory_space<vmem>>, vector<1x8x128xi32>,
    %swap3A_242 = arith.constant 0 : index
    %swap3A_243 = arith.constant 0 : index
    %swap3A_244 = arith.constant 0 : index
    %swap3A_245 = vector.load %arg12[%swap3A_242, %swap3A_243, %swap3A_244] : memref<1x8x128xi32, #tpu.memory_space<vmem>>, vector<1x8x128xi32>
    %swap3A_246 = vector.shape_cast %swap3A_245 : vector<1x8x128xi32> to vector<8x128xi32>
    %swap3A_247 = vector.shape_cast %select_n3A_235 : vector<8x128xi32> to vector<1x8x128xi32>
    tpu.vector_store %arg12[%swap3A_242, %swap3A_243, %swap3A_244], %swap3A_247 {strides = array<i32>} : memref<1x8x128xi32, #tpu.memory_space<vmem>>, vector<1x8x128xi32>,
    return
  }
  func.func @transform_0(%arg0: i32) -> (i32, i32) {
    %c0_i32 = arith.constant 0 : i32
    %c0_i32_0 = arith.constant 0 : i32
    return %arg0, %c0_i32 : i32, i32
  }
  func.func @transform_1(%arg0: i32) -> (i32, i32) {
    %c0_i32 = arith.constant 0 : i32
    %c0_i32_0 = arith.constant 0 : i32
    %c0_i32_1 = arith.constant 0 : i32
    return %c0_i32, %c0_i32_0 : i32, i32
  }
  func.func @transform_2(%arg0: i32) -> (i32, i32) {
    %c0_i32 = arith.constant 0 : i32
    %c0_i32_0 = arith.constant 0 : i32
    return %c0_i32, %arg0 : i32, i32
  }
  func.func @transform_3(%arg0: i32) -> (i32, i32, i32) {
    %c0_i32 = arith.constant 0 : i32
    %c0_i32_0 = arith.constant 0 : i32
    %c0_i32_1 = arith.constant 0 : i32
    return %arg0, %c0_i32, %c0_i32_0 : i32, i32, i32
  }
  func.func @transform_4(%arg0: i32) -> (i32, i32, i32) {
    %c0_i32 = arith.constant 0 : i32
    %c0_i32_0 = arith.constant 0 : i32
    %c0_i32_1 = arith.constant 0 : i32
    return %arg0, %c0_i32, %c0_i32_0 : i32, i32, i32
  }
  func.func @transform_5(%arg0: i32) -> (i32, i32, i32) {
    %c0_i32 = arith.constant 0 : i32
    %c0_i32_0 = arith.constant 0 : i32
    %c0_i32_1 = arith.constant 0 : i32
    return %arg0, %c0_i32, %c0_i32_0 : i32, i32, i32
  }
  func.func @transform_6(%arg0: i32) -> (i32, i32, i32) {
    %c0_i32 = arith.constant 0 : i32
    %c0_i32_0 = arith.constant 0 : i32
    %c0_i32_1 = arith.constant 0 : i32
    return %arg0, %c0_i32, %c0_i32_0 : i32, i32, i32
  }
  func.func @transform_7(%arg0: i32) -> (i32, i32) {
    %c0_i32 = arith.constant 0 : i32
    %c0_i32_0 = arith.constant 0 : i32
    return %arg0, %c0_i32 : i32, i32
  }
  func.func @transform_8(%arg0: i32) -> (i32, i32, i32) {
    %c0_i32 = arith.constant 0 : i32
    %c0_i32_0 = arith.constant 0 : i32
    %c0_i32_1 = arith.constant 0 : i32
    return %arg0, %c0_i32, %c0_i32_0 : i32, i32, i32
  }
  func.func @transform_9(%arg0: i32) -> (i32, i32, i32) {
    %c0_i32 = arith.constant 0 : i32
    %c0_i32_0 = arith.constant 0 : i32
    %c0_i32_1 = arith.constant 0 : i32
    return %arg0, %c0_i32, %c0_i32_0 : i32, i32, i32
  }
  func.func @transform_10(%arg0: i32) -> (i32, i32, i32) {
    %c0_i32 = arith.constant 0 : i32
    %c0_i32_0 = arith.constant 0 : i32
    %c0_i32_1 = arith.constant 0 : i32
    return %arg0, %c0_i32, %c0_i32_0 : i32, i32, i32
  }
  func.func @transform_11(%arg0: i32) -> (i32, i32, i32) {
    %c0_i32 = arith.constant 0 : i32
    %c0_i32_0 = arith.constant 0 : i32
    %c0_i32_1 = arith.constant 0 : i32
    return %arg0, %c0_i32, %c0_i32_0 : i32, i32, i32
  }
}

module attributes {stable_mosaic.version = 14 : i64} {
  func.func @body(%arg0: memref<2x1024x128xf32, #tpu.memory_space<vmem>>, %arg1: memref<1024x128xf32, #tpu.memory_space<vmem>>, %arg2: memref<2x1024xf32, #tpu.memory_space<vmem>>, %arg3: memref<1x128xf32, #tpu.memory_space<vmem>>, %arg4: memref<128x128xf32, #tpu.memory_space<vmem>>, %arg5: memref<2x1024xf32, #tpu.memory_space<vmem>>, %arg6: memref<1024x128xf32, #tpu.memory_space<vmem>>) attributes {dimension_semantics = [], scalar_prefetch = 0 : i64, scratch_operands = 0 : i64, tpu.core_type = #tpu.core_type<tc>} {
    %get3A = arith.constant 0 : index
    %get3A_0 = arith.constant 0 : index
    %get3A_1 = vector.load %arg2[%get3A, %get3A_0] : memref<2x1024xf32, #tpu.memory_space<vmem>>, vector<1x1024xf32>
    %get3A_2 = vector.shape_cast %get3A_1 : vector<1x1024xf32> to vector<1024xf32>
    %get3A_3 = arith.constant 1 : index
    %get3A_4 = arith.constant 0 : index
    %get3A_5 = vector.load %arg2[%get3A_3, %get3A_4] : memref<2x1024xf32, #tpu.memory_space<vmem>>, vector<1x1024xf32>
    %get3A_6 = vector.shape_cast %get3A_5 : vector<1x1024xf32> to vector<1024xf32>
    %add3A = arith.addf %get3A_2, %get3A_6 : vector<1024xf32>
    %add3A_7 = arith.constant 2.000000e+00 : f32
    %add3A_8 = vector.broadcast %add3A_7 : f32 to vector<1024xf32>
    %add3A_9 = arith.addf %add3A, %add3A_8 : vector<1024xf32>
    %rsqrt3A = math.rsqrt %add3A_9 : vector<1024xf32>
    %get3A_10 = arith.constant 0 : index
    %get3A_11 = arith.constant 0 : index
    %get3A_12 = arith.constant 0 : index
    %get3A_13 = vector.load %arg0[%get3A_10, %get3A_11, %get3A_12] : memref<2x1024x128xf32, #tpu.memory_space<vmem>>, vector<1x1024x128xf32>
    %get3A_14 = vector.shape_cast %get3A_13 : vector<1x1024x128xf32> to vector<1024x128xf32>
    %get3A_15 = arith.constant 1 : index
    %get3A_16 = arith.constant 0 : index
    %get3A_17 = arith.constant 0 : index
    %get3A_18 = vector.load %arg0[%get3A_15, %get3A_16, %get3A_17] : memref<2x1024x128xf32, #tpu.memory_space<vmem>>, vector<1x1024x128xf32>
    %get3A_19 = vector.shape_cast %get3A_18 : vector<1x1024x128xf32> to vector<1024x128xf32>
    %add3A_20 = arith.addf %get3A_14, %get3A_19 : vector<1024x128xf32>
    %get3A_21 = arith.constant 0 : index
    %get3A_22 = arith.constant 0 : index
    %get3A_23 = vector.load %arg1[%get3A_21, %get3A_22] : memref<1024x128xf32, #tpu.memory_space<vmem>>, vector<1024x128xf32>
    %mul3A = arith.constant 2.000000e+00 : f32
    %mul3A_24 = vector.broadcast %mul3A : f32 to vector<1024x128xf32>
    %mul3A_25 = arith.mulf %mul3A_24, %get3A_23 : vector<1024x128xf32>
    %add3A_26 = arith.addf %add3A_20, %mul3A_25 : vector<1024x128xf32>
    %broadcast_in_dim3A = vector.shape_cast %rsqrt3A : vector<1024xf32> to vector<1024x1xf32>
    %mul3A_27 = vector.broadcast %broadcast_in_dim3A : vector<1024x1xf32> to vector<1024x128xf32>
    %mul3A_28 = arith.mulf %mul3A_27, %add3A_26 : vector<1024x128xf32>
    %get3A_29 = arith.constant 0 : index
    %get3A_30 = arith.constant 0 : index
    %get3A_31 = vector.load %arg3[%get3A_29, %get3A_30] : memref<1x128xf32, #tpu.memory_space<vmem>>, vector<1x128xf32>
    %add3A_32 = vector.broadcast %get3A_31 : vector<1x128xf32> to vector<1024x128xf32>
    %add3A_33 = arith.addf %mul3A_28, %add3A_32 : vector<1024x128xf32>
    %max3A = arith.constant 0.000000e+00 : f32
    %max3A_34 = vector.broadcast %max3A : f32 to vector<1024x128xf32>
    %max3A_35 = arith.maximumf %add3A_33, %max3A_34 : vector<1024x128xf32>
    %get3A_36 = arith.constant 0 : index
    %get3A_37 = arith.constant 0 : index
    %get3A_38 = vector.load %arg5[%get3A_36, %get3A_37] : memref<2x1024xf32, #tpu.memory_space<vmem>>, vector<1x1024xf32>
    %get3A_39 = vector.shape_cast %get3A_38 : vector<1x1024xf32> to vector<1024xf32>
    %get3A_40 = arith.constant 1 : index
    %get3A_41 = arith.constant 0 : index
    %get3A_42 = vector.load %arg5[%get3A_40, %get3A_41] : memref<2x1024xf32, #tpu.memory_space<vmem>>, vector<1x1024xf32>
    %get3A_43 = vector.shape_cast %get3A_42 : vector<1x1024xf32> to vector<1024xf32>
    %add3A_44 = arith.addf %get3A_39, %get3A_43 : vector<1024xf32>
    %add3A_45 = arith.constant 1.000000e+00 : f32
    %add3A_46 = vector.broadcast %add3A_45 : f32 to vector<1024xf32>
    %add3A_47 = arith.addf %add3A_44, %add3A_46 : vector<1024xf32>
    %rsqrt3A_48 = math.rsqrt %add3A_47 : vector<1024xf32>
    %broadcast_in_dim3A_49 = vector.shape_cast %rsqrt3A_48 : vector<1024xf32> to vector<1024x1xf32>
    %get3A_50 = arith.constant 0 : index
    %get3A_51 = arith.constant 0 : index
    %get3A_52 = vector.load %arg4[%get3A_50, %get3A_51] : memref<128x128xf32, #tpu.memory_space<vmem>>, vector<128x128xf32>
    %dot_general3A = arith.constant dense<0.000000e+00> : vector<1024x128xf32>
    %dot_general3A_53 = tpu.matmul %max3A_35, %get3A_52, %dot_general3A {dimension_numbers = #tpu.dot_dimension_numbers<[1], [0], [0], [1], [0, 0, 1, 1], [], []>, transpose_lhs_hint = false} : vector<1024x128xf32>, vector<128x128xf32>, vector<1024x128xf32> -> vector<1024x128xf32>
    %mul3A_54 = vector.broadcast %broadcast_in_dim3A_49 : vector<1024x1xf32> to vector<1024x128xf32>
    %mul3A_55 = arith.mulf %mul3A_54, %dot_general3A_53 : vector<1024x128xf32>
    %swap3A = arith.constant 0 : index
    %swap3A_56 = arith.constant 0 : index
    %swap3A_57 = vector.load %arg6[%swap3A, %swap3A_56] : memref<1024x128xf32, #tpu.memory_space<vmem>>, vector<1024x128xf32>
    tpu.vector_store %arg6[%swap3A, %swap3A_56], %mul3A_55 {strides = array<i32>} : memref<1024x128xf32, #tpu.memory_space<vmem>>, vector<1024x128xf32>,
    return
  }
}

module attributes {stable_mosaic.version = 14 : i64} {
  func.func @body(%arg0: memref<2x1024x128xf32, #tpu.memory_space<vmem>>, %arg1: memref<1024x128xf32, #tpu.memory_space<vmem>>, %arg2: memref<2x1024xf32, #tpu.memory_space<vmem>>, %arg3: memref<1x128xf32, #tpu.memory_space<vmem>>, %arg4: memref<1024x128xf32, #tpu.memory_space<vmem>>) attributes {dimension_semantics = [], scalar_prefetch = 0 : i64, scratch_operands = 0 : i64, tpu.core_type = #tpu.core_type<tc>} {
    %get3A = arith.constant 0 : index
    %get3A_0 = arith.constant 0 : index
    %get3A_1 = vector.load %arg2[%get3A, %get3A_0] : memref<2x1024xf32, #tpu.memory_space<vmem>>, vector<1x1024xf32>
    %get3A_2 = vector.shape_cast %get3A_1 : vector<1x1024xf32> to vector<1024xf32>
    %get3A_3 = arith.constant 1 : index
    %get3A_4 = arith.constant 0 : index
    %get3A_5 = vector.load %arg2[%get3A_3, %get3A_4] : memref<2x1024xf32, #tpu.memory_space<vmem>>, vector<1x1024xf32>
    %get3A_6 = vector.shape_cast %get3A_5 : vector<1x1024xf32> to vector<1024xf32>
    %add3A = arith.addf %get3A_2, %get3A_6 : vector<1024xf32>
    %add3A_7 = arith.constant 1.000000e+00 : f32
    %add3A_8 = vector.broadcast %add3A_7 : f32 to vector<1024xf32>
    %add3A_9 = arith.addf %add3A, %add3A_8 : vector<1024xf32>
    %rsqrt3A = math.rsqrt %add3A_9 : vector<1024xf32>
    %broadcast_in_dim3A = vector.shape_cast %rsqrt3A : vector<1024xf32> to vector<1024x1xf32>
    %get3A_10 = arith.constant 0 : index
    %get3A_11 = arith.constant 0 : index
    %get3A_12 = arith.constant 0 : index
    %get3A_13 = vector.load %arg0[%get3A_10, %get3A_11, %get3A_12] : memref<2x1024x128xf32, #tpu.memory_space<vmem>>, vector<1x1024x128xf32>
    %get3A_14 = vector.shape_cast %get3A_13 : vector<1x1024x128xf32> to vector<1024x128xf32>
    %get3A_15 = arith.constant 1 : index
    %get3A_16 = arith.constant 0 : index
    %get3A_17 = arith.constant 0 : index
    %get3A_18 = vector.load %arg0[%get3A_15, %get3A_16, %get3A_17] : memref<2x1024x128xf32, #tpu.memory_space<vmem>>, vector<1x1024x128xf32>
    %get3A_19 = vector.shape_cast %get3A_18 : vector<1x1024x128xf32> to vector<1024x128xf32>
    %add3A_20 = arith.addf %get3A_14, %get3A_19 : vector<1024x128xf32>
    %get3A_21 = arith.constant 0 : index
    %get3A_22 = arith.constant 0 : index
    %get3A_23 = vector.load %arg1[%get3A_21, %get3A_22] : memref<1024x128xf32, #tpu.memory_space<vmem>>, vector<1024x128xf32>
    %add3A_24 = arith.addf %add3A_20, %get3A_23 : vector<1024x128xf32>
    %mul3A = vector.broadcast %broadcast_in_dim3A : vector<1024x1xf32> to vector<1024x128xf32>
    %mul3A_25 = arith.mulf %mul3A, %add3A_24 : vector<1024x128xf32>
    %get3A_26 = arith.constant 0 : index
    %get3A_27 = arith.constant 0 : index
    %get3A_28 = vector.load %arg3[%get3A_26, %get3A_27] : memref<1x128xf32, #tpu.memory_space<vmem>>, vector<1x128xf32>
    %add3A_29 = vector.broadcast %get3A_28 : vector<1x128xf32> to vector<1024x128xf32>
    %add3A_30 = arith.addf %mul3A_25, %add3A_29 : vector<1024x128xf32>
    %swap3A = arith.constant 0 : index
    %swap3A_31 = arith.constant 0 : index
    %swap3A_32 = vector.load %arg4[%swap3A, %swap3A_31] : memref<1024x128xf32, #tpu.memory_space<vmem>>, vector<1024x128xf32>
    tpu.vector_store %arg4[%swap3A, %swap3A_31], %add3A_30 {strides = array<i32>} : memref<1024x128xf32, #tpu.memory_space<vmem>>, vector<1024x128xf32>,
    return
  }
}

</mosaic_0001>

<sc_bundles>
// kernel: kernel.11.cloned.1.call-start
scs
__scs_entry_jumppad:
0x0: {  	(pc) =	sbr.rel $0x88, $3  }
0x1: {  	(tag) =	ssettag $0x0;
	lr =	simm.s32 $0x1  }
0x2: {  	[smem:$0x3F9A] =	sst lr;
	_ =	strace $0xD0000000  }
0x3: {  	_ = 	snop  }
0x4: {  	_ = 	snop  }
0x5: {  	_ = 	snop  }
0x6: {  	_ = 	snop  }
0x7: {  	_ = 	snop  }
__scs_overlays_trampoline_lowered:
0x8: {  	[smem:$0x3FA9] =	sst s0  }
0x9: {  	[smem:$0x3FAA] =	sst s1  }
0xa: {  	[smem:$0x3FAB] =	sst s2  }
0xb: {  	[smem:$0x3FAC] =	sst s3  }
0xc: {  	[smem:$0x3FAD] =	sst s4  }
0xd: {  	[smem:$0x3FAE] =	sst s5  }
0xe: {  	[smem:$0x3FAF] =	sst s6  }
0xf: {  	[smem:$0x3FB0] =	sst s7  }
0x10: {  	[smem:$0x3FB1] =	sst s8  }
0x11: {  	[smem:$0x3FB2] =	sst s9;
	s0 =	simm.s32 @!p0 $0x0  }
0x12: {  	s1 =	sld [smem:$0x3F98];
	s0 =	simm.s32 @p0 $0x1  }
0x13: {  	[smem:$0x3FB3] =	sst s0;
	s0 =	simm.s32 @!p1 $0x0  }
0x14: {  	s2 =	sld [smem:$0x3F97];
	s0 =	simm.s32 @p1 $0x1  }
0x15: {  	[smem:$0x3FB4] =	sst s0;
	s0 =	simm.s32 @!p2 $0x0  }
0x16: {  	s3 =	sld [smem:$0x3FDB];
	s0 =	simm.s32 @p2 $0x1  }
0x17: {  	s4 =	simm.s32 $0x1BF5;
	[smem:$0x3FB6] =	sst s0  }
0x18: {  	s0 =	sld [smem:$0x3F99];
	_ =	swait.ge [sflag:s4], $0x0  }
0x19: {  	s7 =	sld [smem:$0x3F9A]  }
0x1a: {  	s8 =	sadd.s32 $0xFFFFE003, lr  }
0x1b: {  	s9 =	sadd.s32 $0xFFFFFEF7, lr;
	s5 =	simm.s32 $0xFFFFFFFF;
	p2 =	slt.u32 s8, $0xFFFFF086  }
0x1c: {  	p1 =	slt.u32 s9, $0xF7A;
	s5 =	simm.s32 @!p2 $0x0  }
0x1d: {  	s5 =	simm.s32 @p1 $0x1;
	p0 =	seq.s32 s7, s2  }
0x1e: {  	s7 =	smul.u32 @!p0 $0xF7A, s2;
	p2 =	seq.s32 @!p0 s5, $0x0  }
0x1f: {  	s9 =	smul.u32 $0xF7A, s1;
	s8 =	simm.s32 @!p0 $0x1BF5;
	p2 =	por !p2, p0  }
0x20: {  	[sflag:s8] =	ssyncset.s32 @!p0 $0xFFFFF086;
	s6 =	sadd.s32 @!p0 s3, s7;
	s7 =	simm.s32 @!p0 $0x108  }
0x21: {  	s3 =	sadd.s32 s3, s9;
	s6 =	sadd.s32 @!p0 $0x88, s6;
	s7 =	simm.s32 @p2 $0x1082  }
0x22: {  	[simem:s7], [sflag:s8] =	dma.local @!p0 [hbm:s6], $0xF7A  }
0x23: {  	s9 =	sor.u32 $0xD0000000, s2;
	s6 =	simm.s32 $0x108;
	_ =	swait.ge @!p0 [sflag:s8], $0x0  }
0x24: {  	s3 =	sadd.s32 $0x88, s3;
	s6 =	simm.s32 @!p1 $0x1082;
	[sflag:s4] =	ssyncset.s32 $0xFFFFF086  }
0x25: {  	[simem:s6], [sflag:s4] =	dma.local [hbm:s3], $0xF7A  }
0x26: {  	[smem:$0x3F9A] =	sst s1;
	(tag) =	ssettag s2;
	_ =	strace s9  }
0x27: {  	s1 =	sld [smem:$0x3FAA]  }
0x28: {  	s2 =	sld [smem:$0x3FAB]  }
0x29: {  	s4 =	sld [smem:$0x3FAD]  }
0x2a: {  	p0 =	seq.s32 s5, $0x0;
	s5 =	sld [smem:$0x3FAE]  }
0x2b: {  	s6 =	sld [smem:$0x3FAF]  }
0x2c: {  	s7 =	sld [smem:$0x3FB0]  }
0x2d: {  	s3 =	simm.s32 $0x108;
	s8 =	sld [smem:$0x3FB1]  }
0x2e: {  	s3 =	simm.s32 @!p0 $0x1082;
	s9 =	sld [smem:$0x3FB2]  }
0x2f: {  	lr =	sadd.s32 s0, s3;
	s0 =	sld [smem:$0x3FA9]  }
0x30: {  	s3 =	sld [smem:$0x3FAC]  }
0x31: {  	[smem:$0x3FB5] =	sst s10  }
0x32: {  	s10 =	sld [smem:$0x3FB3];
	_ =	sdelay $0x3  }
0x33: {  	p0 =	seq.s32 s10, $0x1;
	s10 =	sld [smem:$0x3FB5];
	_ =	sdelay $0x3  }
0x34: {  	[smem:$0x3FB5] =	sst s10  }
0x35: {  	s10 =	sld [smem:$0x3FB4];
	_ =	sdelay $0x3  }
0x36: {  	p1 =	seq.s32 s10, $0x1;
	s10 =	sld [smem:$0x3FB5];
	_ =	sdelay $0x3  }
0x37: {  	[smem:$0x3FB5] =	sst s10  }
0x38: {  	s10 =	sld [smem:$0x3FB6]  }
0x39: {  	_ = 	snop;
	(pc) =	sbr.ind lr, $3  }
0x3a: {  	_ = 	snop  }
0x3b: {  	_ = 	snop  }
0x3c: {  	p2 =	seq.s32 s10, $0x1;
	s10 =	sld [smem:$0x3FB5]  }
0x3d: {  	_ =	shalt  }
0x3e: {  	_ =	shalt  }
0x3f: {  	_ =	shalt  }
0x40: {  	_ =	shalt  }
0x41: {  	_ =	shalt  }
0x42: {  	_ =	shalt  }
0x43: {  	_ =	shalt  }
0x44: {  	_ =	shalt  }
0x45: {  	_ =	shalt  }
0x46: {  	_ =	shalt  }
0x47: {  	_ =	shalt  }
0x48: {  	_ =	shalt  }
0x49: {  	_ =	shalt  }
0x4a: {  	_ =	shalt  }
0x4b: {  	_ =	shalt  }
0x4c: {  	_ =	shalt  }
0x4d: {  	_ =	shalt  }
0x4e: {  	_ =	shalt  }
0x4f: {  	_ =	shalt  }
0x50: {  	_ =	shalt  }
0x51: {  	_ =	shalt  }
0x52: {  	_ =	shalt  }
0x53: {  	_ =	shalt  }
0x54: {  	_ =	shalt  }
0x55: {  	_ =	shalt  }
0x56: {  	_ =	shalt  }
0x57: {  	_ =	shalt  }
0x58: {  	_ =	shalt  }
0x59: {  	_ =	shalt  }
0x5a: {  	_ =	shalt  }
0x5b: {  	_ =	shalt  }
0x5c: {  	_ =	shalt  }
0x5d: {  	_ =	shalt  }
0x5e: {  	_ =	shalt  }
0x5f: {  	_ =	shalt  }
0x60: {  	_ =	shalt  }
0x61: {  	_ =	shalt  }
0x62: {  	_ =	shalt  }
0x63: {  	_ =	shalt  }
0x64: {  	_ =	shalt  }
0x65: {  	_ =	shalt  }
0x66: {  	_ =	shalt  }
0x67: {  	_ =	shalt  }
0x68: {  	_ =	shalt  }
0x69: {  	_ =	shalt  }
0x6a: {  	_ =	shalt  }
0x6b: {  	_ =	shalt  }
0x6c: {  	_ =	shalt  }
0x6d: {  	_ =	shalt  }
0x6e: {  	_ =	shalt  }
0x6f: {  	_ =	shalt  }
0x70: {  	_ =	shalt  }
0x71: {  	_ =	shalt  }
0x72: {  	_ =	shalt  }
0x73: {  	_ =	shalt  }
0x74: {  	_ =	shalt  }
0x75: {  	_ =	shalt  }
0x76: {  	_ =	shalt  }
0x77: {  	_ =	shalt  }
0x78: {  	_ =	shalt  }
0x79: {  	_ =	shalt  }
0x7a: {  	_ =	shalt  }
0x7b: {  	_ =	shalt  }
0x7c: {  	_ =	shalt  }
0x7d: {  	_ =	shalt  }
0x7e: {  	_ =	shalt  }
0x7f: {  	_ =	shalt  }
0x80: {  	_ =	shalt  }
0x81: {  	_ =	shalt  }
0x82: {  	_ =	shalt  }
0x83: {  	_ =	shalt  }
0x84: {  	_ =	shalt  }
0x85: {  	_ =	shalt  }
0x86: {  	_ =	shalt  }
0x87: {  	_ =	shalt  }
.Lfunc_end0:
.L_simem_size_0:
called_computation.1_lowered:
.L_overlay_start_0:
0x88: {  	s2 =	sld [smem:$0x3FD9]  }
0x89: {  	s3 =	sld [smem:$0x3FFE];
	_ =	sdelay $0x1  }
0x8a: {  	s1 =	srdreg.scid  }
0x8b: {  	s0 =	sand.u32 $0x1, s1  }
0x8c: {  	s17 =	sshll.u32 s0, $0xA;
	s2 =	sadd.s32 s3, s2  }
0x8d: {  	s2 =	sadd.s32 s2, s17  }
0x8e: {  	[smem:$0x3FC1] =	sst s2  }
0x8f: {  	_ = 	snop  }
0x90: {  	s2 =	sld [smem:$0x3FD0];
	(tm) =	ssettm $0x1  }
0x91: {  	s18 =	sld [smem:$0x3FFB];
	_ =	sdelay $0x3  }
0x92: {  	_ =	strace s18  }
0x93: {  	s3 =	sld [smem:$0x3FFC];
	_ =	sdelay $0x3  }
0x94: {  	_ =	strace s3  }
0x95: {  	s3 =	sld [smem:$0x3FFD];
	_ =	sdelay $0x3  }
0x96: {  	_ =	strace s3  }
0x97: {  	_ =	strace $0x8FFFFFFF  }
0x98: {  	s19 =	sld [smem:$0x3FDB];
	_ =	sdelay $0x1  }
0x99: {  	s4 =	simm.s32 $_scs_section_size  }
0x9a: {  	s5 =	simm.s32 $_size__tile_overlayer_lowered;
	s6 =	simm.s32 $_tile_overlayer_lowered  }
0x9b: {  	s22 =	simm.s32 $0x1BFF;
	s21 =	sshll.u32 s6, $0x1;
	s3 =	sadd.s32 s4, s19  }
0x9c: {  	s7 =	simm.s32 $0x0;
	s20 =	sshll.u32 s5, $0x1;
	s5 =	sadd.s32 s21, s3  }
0x9d: {  	[timem:s7], [sflag:s22] =	dma.local [hbm:s5], s20  }
0x9e: {  	_ =	swait.ge [sflag:s22], s20  }
0x9f: {  	s4 =	ssub.s32 $0x0, s20;
	[sflag:s22] =	ssyncset.done $0x0  }
0xa0: {  	[sflag:s22] =	ssyncadd.s32 s4;
	_ =	sdelay $0x1  }
0xa1: {  	s23 =	simm.s32 $0x1B8B  }
0xa2: {  	_ =	swait.ge [sflag:s23], $0x1  }
0xa3: {  	[sflag:s23] =	ssyncset.done $0x0  }
0xa4: {  	s25 =	simm.s32 $0x1B8E;
	s24 =	sld [smem:$0x3FFE];
	[sflag:s23] =	ssyncadd.s32 $0xFFFFFFFF  }
0xa5: {  	s26 =	simm.s32 $execute0_lowered;
	[smem:$0x3FD2] =	sst s25  }
0xa6: {  	s5 =	sshll.u32 s26, $0x1;
	_ =	strace $0x80000049;
	[dreg:$0x1] =	wrdreg $0xFFFFFFFF  }
0xa7: {  	s28 =	simm.s32 $_size_execute0_lowered;
	s3 =	sadd.s32 s3, s5;
	[dreg:$0x0] =	wrdreg $0x0  }
0xa8: {  	s5 =	sshll.u32 s28, $0x1;
	[dreg:$0x2] =	wrdreg s3  }
0xa9: {  	[dreg:$0x3] =	wrdreg s5  }
0xaa: {  	[dreg:$0x4] =	wrdreg $0xC0  }
0xab: {  	_ =	task [dreg:s7], $0x5FFFF  }
0xac: {  	[dreg:$0x1] =	wrdreg $0xFFFFFFFF  }
0xad: {  	[dreg:$0x0] =	wrdreg $0x60  }
0xae: {  	[dreg:$0x2] =	wrdreg s24  }
0xaf: {  	[dreg:$0x3] =	wrdreg s2  }
0xb0: {  	[dreg:$0x4] =	wrdreg $0x106800  }
0xb1: {  	[dreg:$0x5] =	wrdreg $0x127000  }
0xb2: {  	[dreg:$0x6] =	wrdreg $0x148000  }
0xb3: {  	[dreg:$0x7] =	wrdreg $0x9  }
0xb4: {  	_ =	task.clear_ibuf [dreg:s7], $0x8FFFF;
	_ =	strace $0x90000049  }
0xb5: {  	s29 =	simm.s32 $0x9;
	_ =	strace $0x8000004B  }
0xb6: {  	_ =	swait.ge [sflag:s29], $0x1  }
0xb7: {  	[sflag:s29] =	ssyncadd.s32 $0xFFFFFFFF  }
0xb8: {  	_ =	strace $0x9000004B  }
0xb9: {  	_ =	sfence  }
0xba: {  	s30 =	sld [smem:$0x0];
	_ =	sdelay $0x2  }
0xbb: {  	s31 =	sshll.u32 s1, $0xD;
	s1 =	sshrl.u32 s1, $0x2  }
0xbc: {  	s3 =	sand.u32 $0x4000, s31;
	s1 =	sadd.s32 s1, s30  }
0xbd: {  	s0 =	sor.u32 s3, s0;
	s1 =	sshll.u32 s1, $0x11  }
0xbe: {  	s0 =	sor.u32 s1, s0  }
0xbf: {  	s0 =	sadd.s32 $0x8F2B, s0  }
0xc0: {  	[sflag:s0] =	ssyncadd.remote.s32 $0x1  }
0xc1: {  	_ =	sfence.sel $0xFFFF  }
0xc2: {  	[dreg:$0x0] =	wrdreg $0xFFFFFFFF;
	(pc) =	sbr.abs _section_cstart, $3  }
0xc3: {  	[dreg:$0x1] =	wrdreg $0xFFFFFFFF  }
0xc4: {  	_ =	task.clear_ibuf [dreg:s7], $0x2FFFF;
	_ =	strace $0x9FFFFFFF  }
0xc5: {  	(tm) =	ssettm $0x7FFFFFFF  }
tec
execute0_lowered:
.L_overlay_start_1:
0x0: {  	(tag) =	ssettag $0x1  }
0x1: {  	s0 =	rddreg [dreg:$0x0]  }
0x2: {  	s2 =	rddreg [dreg:$0x1]  }
0x3: {  	s1 =	rddreg [dreg:$0x2];
	s4 =	srdreg.scid  }
0x4: {  	s22 =	stileid.u32;
	s3 =	rddreg [dreg:$0x3]  }
0x5: {  	s29 =	simm.s32 $0xA280;
	s30 =	simm.s32 $0xAA80;
	s31 =	simm.s32 $0xB280  }
0x6: {  	s28 =	simm.s32 $0x0;
	s7 =	sand.u32 $0x1, s4;
	s5 =	sshll.u32 s22, $0x1  }
0x7: {  	s4 =	rddreg [dreg:$0x4];
	s9 =	sshrl.u32 s22, $0x2;
	s13 =	smul.u32 $0x8200, s22  }
0x8: {  	s12 =	sshll.u32 s22, $0xA;
	s14 =	sadd.s32 $0x9E00, s0;
	s24 =	smul.u32 $0x2100, s22  }
0x9: {  	s26 =	sshll.u32 s22, $0xD;
	v1 =	vmov s22;
	s22 =	simm.s32 $0xCA80;
	s8 =	sor.u32 s7, s5  }
0xa: {  	s5 =	simm.s32 $0x0;
	s18 =	sshll.u32 s9, $0x10;
	s19 =	ssub.s32 $0x2, s7  }
0xb: {  	s9 =	sshll.u32 s9, $0xA;
	s7 =	sshll.u32 s7, $0xE;
	s15 =	sadd.s32 s26, s1  }
0xc: {  	s26 =	simm.s32 $0xDA80;
	s6 =	sshll.u32 s8, $0x7;
	[smem:$0x7FF] =	sst s5  }
0xd: {  	s8 =	sshll.u32 s8, $0xA;
	s20 =	sshrl.u32 s19, $0x1;
	s13 =	sshrl.u32 s13, $0x2  }
0xe: {  	s10 =	sand.u32 $0x380, s6;
	_ =	strace $0x8000004A;
	s8 =	sadd.s32 s8, s0  }
0xf: {  	[dreg:$0x6] =	wrdreg s14;
	s17 =	ssub.s32 s19, s20;
	s21 =	sadd.s32 s13, s1  }
0x10: {  	s13 =	sadd.s32 s24, s3;
	s14 =	sadd.s32 s24, s4;
	s19 =	simm.s32 $0x3  }
0x11: {  	s20 =	simm.s32 $0x80;
	s24 =	simm.s32 $0x2;
	s6 =	sor.u32 s18, s10  }
0x12: {  	[dreg:$0x7] =	wrdreg s21;
	s9 =	sor.u32 s9, s10;
	s8 =	sadd.s32 $0x1E00, s8  }
0x13: {  	s17 =	smax.u32 s17, $0x1;
	s18 =	simm.s32 $0xE280;
	s21 =	simm.s32 $0x400  }
0x14: {  	v0 =	vlaneseq.u32;
	s6 =	sshrl.u32 s6, $0x3;
	s9 =	sshrl.u32 s9, $0x3;
	[dreg:$0xa] =	wrdreg s8  }
.Ltmp0:
0x15: {  	v0 =	vmul.u32 $0x200, v0;
	s11 =	sadd.s32 s6, s0;
	s6 =	sadd.s32 $0x1AC00, s0;
	(pc) =	sbr.rel .LBB2_1-.Ltmp0, $4  }
0x16: {  	v1 =	vor.u32 $0x400, v1;
	s0 =	sadd.s32 s12, s0;
	s12 =	sadd.s32 s2, s9;
	s23 =	sadd.s32 $0xAC00, s11  }
0x17: {  	vm0 =	vmmov $0xffff;
	v1 =	vbroadcast v1, $0x0;
	v2 =	vor.u32 $0x7, v0;
	s25 =	sadd.s32 $0x12C00, s11;
	s0 =	sadd.s32 s7, s0;
	[dreg:$0x8] =	wrdreg s23  }
0x18: {  	v3 =	vor.u32 $0xE, v0;
	v4 =	vor.u32 $0x15, v0;
	v5 =	vor.u32 $0x1C, v0;
	s2 =	simm.s32 $0xBA80;
	[dreg:$0x9] =	wrdreg s25;
	s16 =	sadd.s32 $0x3BC00, s0  }
0x19: {  	v6 =	vor.u32 $0x23, v0;
	v7 =	vor.u32 $0x2A, v0;
	v8 =	vor.u32 $0x31, v0;
	s23 =	simm.s32 $0x1;
	s0 =	simm.s32 $0xC280;
	s25 =	simm.s32 $0xD280  }
.LBB2_5:
0x1a: {  	[bflag:$0x0] =	sbarrier.arrive $0xFFFF  }
0x1b: {  	[tilespmem:s18], [sflag:$0x3] =	stream.linear.gather [spmem:s15], $0x2000, $0x38;
	[tilespmem:$0x16900] =	vst v63  }
0x1c: {  	s28 =	sadd.s32 $0x1, s28;
	_ =	swait.ge [sflag:s19], $0x2000  }
0x1d: {  	p0 =	sne.s32 s28, s17;
	[sflag:s19] =	ssyncset.done $0x0  }
.Ltmp1:
0x1e: {  	[sflag:s19] =	ssyncadd.s32 $0xFFFFE000;
	(pc) =	sbr.rel @!p0 .LBB2_6-.Ltmp1, $4  }
0x1f: {  	[hbm4b:s16+s5] =	stream.linear.scatter [tilespmem:s18], [sflag:$0x3], $0x2000, $0x38;
	[tilespmem:$0x16900] =	vst v63  }
0x20: {  	_ =	swait.ge [sflag:s19], $0x2000  }
0x21: {  	[sflag:s19] =	ssyncset.done $0x0  }
0x22: {  	[sflag:s19] =	ssyncadd.s32 $0xFFFFE000  }
.LBB2_1:
0x23: {  	s7 =	rddreg [dreg:$0x6]  }
0x24: {  	[tilespmem:s18], [sflag:$0x3] =	stream.linear.gather [hbm4b:s7+s5], $0x2080, $0x38;
	[tilespmem:$0x16900] =	vst v63  }
0x25: {  	_ =	swait.ge [sflag:s19], $0x2080  }
0x26: {  	[sflag:s19] =	ssyncset.done $0x0  }
0x27: {  	s11 =	rddreg [dreg:$0x7];
	[sflag:s19] =	ssyncadd.s32 $0xFFFFDF80  }
0x28: {  	[spmem:s11] =	stream.linear.scatter [tilespmem:s18], [sflag:$0x3], $0x2080, $0x38;
	[tilespmem:$0x16900] =	vst v63  }
0x29: {  	_ =	swait.ge [sflag:s19], $0x2080  }
0x2a: {  	[sflag:s19] =	ssyncset.done $0x0  }
0x2b: {  	s8 =	rddreg [dreg:$0x8];
	[sflag:s19] =	ssyncadd.s32 $0xFFFFDF80  }
0x2c: {  	[tilespmem:s5], [sflag:$0x1] =	stream.strided.gather [hbm4b:s8+s20], $0x2000, s21, s20, $0x38;
	[tilespmem:$0x16900] =	vst v63  }
0x2d: {  	s9 =	rddreg [dreg:$0x9];
	s8 =	simm.s32 $0x2000  }
0x2e: {  	[tilespmem:s8], [sflag:$0x2] =	stream.strided.gather [hbm4b:s9+s20], $0x2000, s21, s20, $0x38;
	[tilespmem:$0x16900] =	vst v63  }
0x2f: {  	_ =	swait.ge [sflag:s23], $0x2000  }
0x30: {  	[sflag:s23] =	ssyncset.done $0x0  }
0x31: {  	[sflag:s23] =	ssyncadd.s32 $0xFFFFE000  }
0x32: {  	_ =	swait.ge [sflag:s24], $0x2000  }
0x33: {  	[sflag:s24] =	ssyncset.done $0x0  }
0x34: {  	s11 =	simm.s32 $0x4000;
	s10 =	rddreg [dreg:$0xa];
	[sflag:s24] =	ssyncadd.s32 $0xFFFFE000  }
0x35: {  	[tilespmem:s11], [sflag:$0x1] =	stream.linear.gather [hbm4b:s10+s5], $0x2000, $0x38;
	[tilespmem:$0x16900] =	vst v63  }
0x36: {  	s8 =	simm.s32 $0x6000  }
0x37: {  	[tilespmem:s8], [sflag:$0x2] =	stream.linear.gather [hbm4b:s12+s5], $0x80, $0x38;
	[tilespmem:$0x16900] =	vst v63  }
0x38: {  	_ =	swait.ge [sflag:s23], $0x2000  }
0x39: {  	[sflag:s23] =	ssyncset.done $0x0  }
0x3a: {  	[sflag:s23] =	ssyncadd.s32 $0xFFFFE000  }
0x3b: {  	_ =	swait.ge [sflag:s24], $0x80  }
0x3c: {  	[sflag:s24] =	ssyncset.done $0x0  }
0x3d: {  	[sflag:s24] =	ssyncadd.s32 $0xFFFFFF80  }
0x3e: {  	s9 =	simm.s32 $0x0;
	s10 =	simm.s32 $0x4000;
	[bflag:$0x0] =	sbarrier.arrive $0xFFFF  }
0x3f: {  	v9 =	vld [tilespmem:$0x6000];
	[spmem:s3] =	stream.indirect.scatter [tilespmem:s9], [sflag:$0x1], $0x1, s10, s20, $0xb8  }
0x40: {  	s11 =	simm.s32 $0x2000  }
0x41: {  	[spmem:s4] =	stream.indirect.scatter [tilespmem:s11], [sflag:$0x2], $0x1, s10, s20, $0xb8;
	[tilespmem:$0x16900] =	vst v63  }
0x42: {  	_ =	swait.ge [sflag:s23], $0x80  }
0x43: {  	[sflag:s23] =	ssyncset.done $0x0  }
0x44: {  	[sflag:s23] =	ssyncadd.s32 $0xFFFFFF80  }
0x45: {  	_ =	swait.ge [sflag:s24], $0x80  }
0x46: {  	s7 =	simm.s32 $0x80;
	s8 =	simm.s32 $0x400;
	[sflag:s24] =	ssyncset.done $0x0  }
.LBB2_2:
0x47: {  	s9 =	sadd.s32 $0x4000, s7  }
0x48: {  	[sflag:s24] =	ssyncadd.s32 $0xFFFFFF80;
	s10 =	smov.u32 s8;
	s11 =	sadd.s32 $0x200, s8  }
0x49: {  	[spmem:s3] =	stream.indirect.scatter [tilespmem:s7], [sflag:$0x1], $0x1, s9, s20, $0xb8;
	[tilespmem:$0x16900] =	vst v63  }
0x4a: {  	p0 =	sne.s32 s8, $0x7E00;
	s7 =	sadd.s32 $0x2000, s7  }
0x4b: {  	[spmem:s4] =	stream.indirect.scatter [tilespmem:s7], [sflag:$0x2], $0x1, s9, s20, $0xb8;
	[tilespmem:$0x16900] =	vst v63  }
.Ltmp2:
0x4c: {  	_ =	swait.ge [sflag:s23], $0x80;
	(pc) =	sbr.rel @p0 .LBB2_2-.Ltmp2, $4  }
0x4d: {  	[sflag:s23] =	ssyncset.done $0x0  }
0x4e: {  	[sflag:s23] =	ssyncadd.s32 $0xFFFFFF80  }
0x4f: {  	_ =	swait.ge [sflag:s24], $0x80  }
0x50: {  	s8 =	smov.u32 s11;
	s7 =	sshra.s32 s10, $0x2;
	[sflag:s24] =	ssyncset.done $0x0  }
0x51: {  	s8 =	sadd.s32 $0x4000, s7;
	[sflag:s24] =	ssyncadd.s32 $0xFFFFFF80  }
0x52: {  	[spmem:s3] =	stream.indirect.scatter [tilespmem:s7], [sflag:$0x1], $0x1, s8, s20, $0xb8;
	[tilespmem:$0x16900] =	vst v63  }
0x53: {  	s11 =	sadd.s32 $0x2000, s7  }
0x54: {  	[spmem:s4] =	stream.indirect.scatter [tilespmem:s11], [sflag:$0x2], $0x1, s8, s20, $0xb8;
	[tilespmem:$0x16900] =	vst v63  }
0x55: {  	_ =	swait.ge [sflag:s23], $0x80  }
0x56: {  	[sflag:s23] =	ssyncset.done $0x0  }
0x57: {  	[sflag:s23] =	ssyncadd.s32 $0xFFFFFF80  }
0x58: {  	_ =	swait.ge [sflag:s24], $0x80  }
0x59: {  	(v2sf) =	vpush v9, $0x0  }
0x5a: {  	(v2sf) =	vpush v9, $0x1;
	_ =	sdelay $0xa  }
0x5b: {  	[sflag:s24] =	ssyncset.done $0x0  }
0x5c: {  	s8 =	simm.s32 $0x6080;
	[sflag:s24] =	ssyncadd.s32 $0xFFFFFF80  }
0x5d: {  	[tilespmem:s8], [sflag:$0x3] =	stream.linear.gather [spmem:s13], $0x2100, $0x38;
	[tilespmem:$0x16900] =	vst v63  }
0x5e: {  	s9 =	spop (v2sf)  }
0x5f: {  	s7 =	spop (v2sf)  }
0x60: {  	_ =	swait.ge [sflag:s19], $0x2100  }
0x61: {  	[sflag:s19] =	ssyncset.done $0x0  }
0x62: {  	s10 =	simm.s32 $0x8180;
	[sflag:s19] =	ssyncadd.s32 $0xFFFFDF00  }
0x63: {  	[tilespmem:s10], [sflag:$0x3] =	stream.linear.gather [spmem:s14], $0x2100, $0x38;
	[tilespmem:$0x16900] =	vst v63  }
0x64: {  	_ =	swait.ge [sflag:s19], $0x2100  }
0x65: {  	[sflag:s19] =	ssyncset.done $0x0  }
0x66: {  	[sflag:s19] =	ssyncadd.s32 $0xFFFFDF00  }
0x67: {  	[tilespmem:s9+$0x6080] =	vst v0  }
0x68: {  	[tilespmem:s9+$0x8180] =	vst v1  }
0x69: {  	[tilespmem:s9+$0x6090] =	vst v2  }
0x6a: {  	[tilespmem:s9+$0x8190] =	vst v1  }
0x6b: {  	[tilespmem:s9+$0x60A0] =	vst v3  }
0x6c: {  	[tilespmem:s9+$0x81A0] =	vst v1  }
0x6d: {  	[tilespmem:s9+$0x60B0] =	vst v4  }
0x6e: {  	[tilespmem:s9+$0x81B0] =	vst v1  }
0x6f: {  	[tilespmem:s9+$0x60C0] =	vst v5  }
0x70: {  	[tilespmem:s9+$0x81C0] =	vst v1  }
0x71: {  	[tilespmem:s9+$0x60D0] =	vst v6  }
0x72: {  	[tilespmem:s9+$0x81D0] =	vst v1  }
0x73: {  	p0 =	slt.s32 s7, $0x1;
	[tilespmem:s9+$0x60E0] =	vst v7  }
.Ltmp3:
0x74: {  	[tilespmem:s9+$0x81E0] =	vst v1;
	(pc) =	sbr.rel @p0 .LBB2_5-.Ltmp3, $4  }
0x75: {  	[tilespmem:s9+$0x60F0] =	vst v8  }
0x76: {  	[tilespmem:s9+$0x81F0] =	vst v1  }
0x77: {  	[bflag:$0x0] =	sbarrier.arrive $0xFFFF  }
0x78: {  	s9 =	simm.s32 $0x81C0  }
.LBB2_4:
0x79: {  	[tilespmem:s29], [sflag:$0x1] =	stream.indirect.gather [hbm4b:s6+s20], $0x80, s8, s20, $0xb8;
	[tilespmem:$0x16900] =	vst v63  }
0x7a: {  	_ =	swait.ge [sflag:s23], $0x4000  }
0x7b: {  	[sflag:s23] =	ssyncset.done $0x0  }
0x7c: {  	[sflag:s23] =	ssyncadd.s32 $0xFFFFC000  }
0x7d: {  	v9 =	vld [tilespmem:s9+$0xFFFFFFC0];
	_ =	sdelay $0x7  }
0x7e: {  	[spmem:s1] =	stream.indirect_vreg.scatter.add.f32 [tilespmem:s29], [sflag:$0x3], $0x80, v9, vm0, $0xb8;
	[tilespmem:$0x16900] =	vst v63  }
0x7f: {  	_ =	swait.ge [sflag:s19], $0x800  }
0x80: {  	[sflag:s19] =	ssyncset.done $0x0  }
0x81: {  	[sflag:s19] =	ssyncadd.s32 $0xFFFFF800  }
0x82: {  	v9 =	vld [tilespmem:s9+$0xFFFFFFD0];
	_ =	sdelay $0x7  }
0x83: {  	[spmem:s1] =	stream.indirect_vreg.scatter.add.f32 [tilespmem:s30], [sflag:$0x3], $0x80, v9, vm0, $0xb8;
	[tilespmem:$0x16900] =	vst v63  }
0x84: {  	_ =	swait.ge [sflag:s19], $0x800  }
0x85: {  	[sflag:s19] =	ssyncset.done $0x0  }
0x86: {  	[sflag:s19] =	ssyncadd.s32 $0xFFFFF800  }
0x87: {  	v9 =	vld [tilespmem:s9+$0xFFFFFFE0];
	_ =	sdelay $0x7  }
0x88: {  	[spmem:s1] =	stream.indirect_vreg.scatter.add.f32 [tilespmem:s31], [sflag:$0x3], $0x80, v9, vm0, $0xb8;
	[tilespmem:$0x16900] =	vst v63  }
0x89: {  	_ =	swait.ge [sflag:s19], $0x800  }
0x8a: {  	[sflag:s19] =	ssyncset.done $0x0  }
0x8b: {  	[sflag:s19] =	ssyncadd.s32 $0xFFFFF800  }
0x8c: {  	v9 =	vld [tilespmem:s9+$0xFFFFFFF0];
	_ =	sdelay $0x7  }
0x8d: {  	[spmem:s1] =	stream.indirect_vreg.scatter.add.f32 [tilespmem:s2], [sflag:$0x3], $0x80, v9, vm0, $0xb8;
	[tilespmem:$0x16900] =	vst v63  }
0x8e: {  	_ =	swait.ge [sflag:s19], $0x800  }
0x8f: {  	[sflag:s19] =	ssyncset.done $0x0  }
0x90: {  	[sflag:s19] =	ssyncadd.s32 $0xFFFFF800  }
0x91: {  	v9 =	vld [tilespmem:s9+$0x0];
	_ =	sdelay $0x7  }
0x92: {  	[spmem:s1] =	stream.indirect_vreg.scatter.add.f32 [tilespmem:s0], [sflag:$0x3], $0x80, v9, vm0, $0xb8;
	[tilespmem:$0x16900] =	vst v63  }
0x93: {  	_ =	swait.ge [sflag:s19], $0x800  }
0x94: {  	[sflag:s19] =	ssyncset.done $0x0  }
0x95: {  	[sflag:s19] =	ssyncadd.s32 $0xFFFFF800  }
0x96: {  	v9 =	vld [tilespmem:s9+$0x10];
	_ =	sdelay $0x7  }
0x97: {  	[spmem:s1] =	stream.indirect_vreg.scatter.add.f32 [tilespmem:s22], [sflag:$0x3], $0x80, v9, vm0, $0xb8;
	[tilespmem:$0x16900] =	vst v63  }
0x98: {  	_ =	swait.ge [sflag:s19], $0x800  }
0x99: {  	[sflag:s19] =	ssyncset.done $0x0  }
0x9a: {  	[sflag:s19] =	ssyncadd.s32 $0xFFFFF800  }
0x9b: {  	v9 =	vld [tilespmem:s9+$0x20];
	_ =	sdelay $0x7  }
0x9c: {  	[spmem:s1] =	stream.indirect_vreg.scatter.add.f32 [tilespmem:s25], [sflag:$0x3], $0x80, v9, vm0, $0xb8;
	[tilespmem:$0x16900] =	vst v63  }
0x9d: {  	_ =	swait.ge [sflag:s19], $0x800  }
0x9e: {  	[sflag:s19] =	ssyncset.done $0x0  }
0x9f: {  	[sflag:s19] =	ssyncadd.s32 $0xFFFFF800  }
0xa0: {  	v9 =	vld [tilespmem:s9+$0x30];
	_ =	sdelay $0x5  }
0xa1: {  	p0 =	sne.s32 s7, $0x1  }
.Ltmp4:
0xa2: {  	_ = 	snop;
	(pc) =	sbr.rel @p0 .LBB2_4-.Ltmp4, $4  }
0xa3: {  	[spmem:s1] =	stream.indirect_vreg.scatter.add.f32 [tilespmem:s26], [sflag:$0x3], $0x80, v9, vm0, $0xb8;
	[tilespmem:$0x16900] =	vst v63  }
0xa4: {  	_ =	swait.ge [sflag:s19], $0x800  }
0xa5: {  	s8 =	sadd.s32 $0x80, s8;
	[sflag:s19] =	ssyncset.done $0x0  }
0xa6: {  	s7 =	sadd.s32 $0xFFFFFFFF, s7;
	s9 =	sadd.s32 $0x80, s9;
	[sflag:s19] =	ssyncadd.s32 $0xFFFFF800  }
.Ltmp5:
0xa7: {  	_ = 	snop;
	(pc) =	sbr.rel .LBB2_5-.Ltmp5, $1  }
0xa8: {  	_ =	sdelay $0x3  }
.LBB2_6:
0xa9: {  	_ =	sfence.sel $0x180000  }
0xaa: {  	[bflag:$0x0] =	sbarrier.arrive $0xFFFF  }
0xab: {  	_ =	strace $0x9000004A  }
0xac: {  	s0 =	stileid.u32;
	[bflag:$0x2] =	sbarrier.arrive $0xFFFF  }
0xad: {  	p0 =	sne.s32 s0, $0x0;
	s0 =	rddreg [dreg:$0x5]  }
0xae: {  	s0 =	sadd.s32 @!p0 $0x100000, s0  }
0xaf: {  	[sflag:s0] =	ssyncadd.tile.s32 @!p0 $0x1;
	_ =	shalt  }
.Lfunc_end2:
_tile_overlayer_lowered:
.L_overlay_start_2:
0xb0: {  	(tag) =	ssettag $0x2  }
0xb1: {  	s0 =	rddreg [dreg:$0x0];
	s2 =	stileid.u32  }
0xb2: {  	s1 =	rddreg [dreg:$0x1];
	p0 =	sne.s32 s2, $0x0  }
0xb3: {  	s3 =	rddreg [dreg:$0x2];
	[bflag:$0x3] =	sbarrier.arrive $0xFFFF;
	s2 =	simm.s32 @!p0 $0x1C03  }
0xb4: {  	[timem:s3], [sflag:s2] =	dma.local @!p0 [hbm:s0], s1  }
0xb5: {  	s0 =	simm.s32 @!p0 $0x3  }
0xb6: {  	_ =	swait.ge @!p0 [sflag:s0], s1  }
0xb7: {  	s1 =	ssub.s32 @!p0 $0x0, s1;
	[sflag:s0] =	ssyncset.done @!p0 $0x0  }
0xb8: {  	[sflag:s0] =	ssyncadd.s32 @!p0 s1  }
0xb9: {  	[bflag:$0x3] =	sbarrier.arrive $0xFFFF  }
0xba: {  	_ =	shalt  }

// kernel: kernel.14.cloned.1.call-start
scs
__scs_entry_jumppad:
0x0: {  	(pc) =	sbr.rel $0x88, $3  }
0x1: {  	(tag) =	ssettag $0x0;
	lr =	simm.s32 $0x1  }
0x2: {  	[smem:$0x3F9A] =	sst lr;
	_ =	strace $0xD0000000  }
0x3: {  	_ = 	snop  }
0x4: {  	_ = 	snop  }
0x5: {  	_ = 	snop  }
0x6: {  	_ = 	snop  }
0x7: {  	_ = 	snop  }
__scs_overlays_trampoline_lowered:
0x8: {  	[smem:$0x3FA9] =	sst s0  }
0x9: {  	[smem:$0x3FAA] =	sst s1  }
0xa: {  	[smem:$0x3FAB] =	sst s2  }
0xb: {  	[smem:$0x3FAC] =	sst s3  }
0xc: {  	[smem:$0x3FAD] =	sst s4  }
0xd: {  	[smem:$0x3FAE] =	sst s5  }
0xe: {  	[smem:$0x3FAF] =	sst s6  }
0xf: {  	[smem:$0x3FB0] =	sst s7  }
0x10: {  	[smem:$0x3FB1] =	sst s8  }
0x11: {  	[smem:$0x3FB2] =	sst s9;
	s0 =	simm.s32 @!p0 $0x0  }
0x12: {  	s1 =	sld [smem:$0x3F98];
	s0 =	simm.s32 @p0 $0x1  }
0x13: {  	[smem:$0x3FB3] =	sst s0;
	s0 =	simm.s32 @!p1 $0x0  }
0x14: {  	s2 =	sld [smem:$0x3F97];
	s0 =	simm.s32 @p1 $0x1  }
0x15: {  	[smem:$0x3FB4] =	sst s0;
	s0 =	simm.s32 @!p2 $0x0  }
0x16: {  	s3 =	sld [smem:$0x3FDB];
	s0 =	simm.s32 @p2 $0x1  }
0x17: {  	s4 =	simm.s32 $0x1BF5;
	[smem:$0x3FB6] =	sst s0  }
0x18: {  	s0 =	sld [smem:$0x3F99];
	_ =	swait.ge [sflag:s4], $0x0  }
0x19: {  	s7 =	sld [smem:$0x3F9A]  }
0x1a: {  	s8 =	sadd.s32 $0xFFFFE003, lr  }
0x1b: {  	s9 =	sadd.s32 $0xFFFFFEF7, lr;
	s5 =	simm.s32 $0xFFFFFFFF;
	p2 =	slt.u32 s8, $0xFFFFF086  }
0x1c: {  	p1 =	slt.u32 s9, $0xF7A;
	s5 =	simm.s32 @!p2 $0x0  }
0x1d: {  	s5 =	simm.s32 @p1 $0x1;
	p0 =	seq.s32 s7, s2  }
0x1e: {  	s7 =	smul.u32 @!p0 $0xF7A, s2;
	p2 =	seq.s32 @!p0 s5, $0x0  }
0x1f: {  	s9 =	smul.u32 $0xF7A, s1;
	s8 =	simm.s32 @!p0 $0x1BF5;
	p2 =	por !p2, p0  }
0x20: {  	[sflag:s8] =	ssyncset.s32 @!p0 $0xFFFFF086;
	s6 =	sadd.s32 @!p0 s3, s7;
	s7 =	simm.s32 @!p0 $0x108  }
0x21: {  	s3 =	sadd.s32 s3, s9;
	s6 =	sadd.s32 @!p0 $0x88, s6;
	s7 =	simm.s32 @p2 $0x1082  }
0x22: {  	[simem:s7], [sflag:s8] =	dma.local @!p0 [hbm:s6], $0xF7A  }
0x23: {  	s9 =	sor.u32 $0xD0000000, s2;
	s6 =	simm.s32 $0x108;
	_ =	swait.ge @!p0 [sflag:s8], $0x0  }
0x24: {  	s3 =	sadd.s32 $0x88, s3;
	s6 =	simm.s32 @!p1 $0x1082;
	[sflag:s4] =	ssyncset.s32 $0xFFFFF086  }
0x25: {  	[simem:s6], [sflag:s4] =	dma.local [hbm:s3], $0xF7A  }
0x26: {  	[smem:$0x3F9A] =	sst s1;
	(tag) =	ssettag s2;
	_ =	strace s9  }
0x27: {  	s1 =	sld [smem:$0x3FAA]  }
0x28: {  	s2 =	sld [smem:$0x3FAB]  }
0x29: {  	s4 =	sld [smem:$0x3FAD]  }
0x2a: {  	p0 =	seq.s32 s5, $0x0;
	s5 =	sld [smem:$0x3FAE]  }
0x2b: {  	s6 =	sld [smem:$0x3FAF]  }
0x2c: {  	s7 =	sld [smem:$0x3FB0]  }
0x2d: {  	s3 =	simm.s32 $0x108;
	s8 =	sld [smem:$0x3FB1]  }
0x2e: {  	s3 =	simm.s32 @!p0 $0x1082;
	s9 =	sld [smem:$0x3FB2]  }
0x2f: {  	lr =	sadd.s32 s0, s3;
	s0 =	sld [smem:$0x3FA9]  }
0x30: {  	s3 =	sld [smem:$0x3FAC]  }
0x31: {  	[smem:$0x3FB5] =	sst s10  }
0x32: {  	s10 =	sld [smem:$0x3FB3];
	_ =	sdelay $0x3  }
0x33: {  	p0 =	seq.s32 s10, $0x1;
	s10 =	sld [smem:$0x3FB5];
	_ =	sdelay $0x3  }
0x34: {  	[smem:$0x3FB5] =	sst s10  }
0x35: {  	s10 =	sld [smem:$0x3FB4];
	_ =	sdelay $0x3  }
0x36: {  	p1 =	seq.s32 s10, $0x1;
	s10 =	sld [smem:$0x3FB5];
	_ =	sdelay $0x3  }
0x37: {  	[smem:$0x3FB5] =	sst s10  }
0x38: {  	s10 =	sld [smem:$0x3FB6]  }
0x39: {  	_ = 	snop;
	(pc) =	sbr.ind lr, $3  }
0x3a: {  	_ = 	snop  }
0x3b: {  	_ = 	snop  }
0x3c: {  	p2 =	seq.s32 s10, $0x1;
	s10 =	sld [smem:$0x3FB5]  }
0x3d: {  	_ =	shalt  }
0x3e: {  	_ =	shalt  }
0x3f: {  	_ =	shalt  }
0x40: {  	_ =	shalt  }
0x41: {  	_ =	shalt  }
0x42: {  	_ =	shalt  }
0x43: {  	_ =	shalt  }
0x44: {  	_ =	shalt  }
0x45: {  	_ =	shalt  }
0x46: {  	_ =	shalt  }
0x47: {  	_ =	shalt  }
0x48: {  	_ =	shalt  }
0x49: {  	_ =	shalt  }
0x4a: {  	_ =	shalt  }
0x4b: {  	_ =	shalt  }
0x4c: {  	_ =	shalt  }
0x4d: {  	_ =	shalt  }
0x4e: {  	_ =	shalt  }
0x4f: {  	_ =	shalt  }
0x50: {  	_ =	shalt  }
0x51: {  	_ =	shalt  }
0x52: {  	_ =	shalt  }
0x53: {  	_ =	shalt  }
0x54: {  	_ =	shalt  }
0x55: {  	_ =	shalt  }
0x56: {  	_ =	shalt  }
0x57: {  	_ =	shalt  }
0x58: {  	_ =	shalt  }
0x59: {  	_ =	shalt  }
0x5a: {  	_ =	shalt  }
0x5b: {  	_ =	shalt  }
0x5c: {  	_ =	shalt  }
0x5d: {  	_ =	shalt  }
0x5e: {  	_ =	shalt  }
0x5f: {  	_ =	shalt  }
0x60: {  	_ =	shalt  }
0x61: {  	_ =	shalt  }
0x62: {  	_ =	shalt  }
0x63: {  	_ =	shalt  }
0x64: {  	_ =	shalt  }
0x65: {  	_ =	shalt  }
0x66: {  	_ =	shalt  }
0x67: {  	_ =	shalt  }
0x68: {  	_ =	shalt  }
0x69: {  	_ =	shalt  }
0x6a: {  	_ =	shalt  }
0x6b: {  	_ =	shalt  }
0x6c: {  	_ =	shalt  }
0x6d: {  	_ =	shalt  }
0x6e: {  	_ =	shalt  }
0x6f: {  	_ =	shalt  }
0x70: {  	_ =	shalt  }
0x71: {  	_ =	shalt  }
0x72: {  	_ =	shalt  }
0x73: {  	_ =	shalt  }
0x74: {  	_ =	shalt  }
0x75: {  	_ =	shalt  }
0x76: {  	_ =	shalt  }
0x77: {  	_ =	shalt  }
0x78: {  	_ =	shalt  }
0x79: {  	_ =	shalt  }
0x7a: {  	_ =	shalt  }
0x7b: {  	_ =	shalt  }
0x7c: {  	_ =	shalt  }
0x7d: {  	_ =	shalt  }
0x7e: {  	_ =	shalt  }
0x7f: {  	_ =	shalt  }
0x80: {  	_ =	shalt  }
0x81: {  	_ =	shalt  }
0x82: {  	_ =	shalt  }
0x83: {  	_ =	shalt  }
0x84: {  	_ =	shalt  }
0x85: {  	_ =	shalt  }
0x86: {  	_ =	shalt  }
0x87: {  	_ =	shalt  }
.Lfunc_end0:
.L_simem_size_0:
called_computation.2_lowered:
.L_overlay_start_0:
0x88: {  	s2 =	sld [smem:$0x3FD9]  }
0x89: {  	s3 =	sld [smem:$0x3FFE];
	_ =	sdelay $0x1  }
0x8a: {  	s1 =	srdreg.scid  }
0x8b: {  	s0 =	sand.u32 $0x1, s1  }
0x8c: {  	s17 =	sshll.u32 s0, $0xA;
	s2 =	sadd.s32 s3, s2  }
0x8d: {  	s2 =	sadd.s32 s2, s17  }
0x8e: {  	[smem:$0x3FC1] =	sst s2  }
0x8f: {  	_ = 	snop  }
0x90: {  	s2 =	sld [smem:$0x3FD0];
	(tm) =	ssettm $0x1  }
0x91: {  	s18 =	sld [smem:$0x3FFB];
	_ =	sdelay $0x3  }
0x92: {  	_ =	strace s18  }
0x93: {  	s3 =	sld [smem:$0x3FFC];
	_ =	sdelay $0x3  }
0x94: {  	_ =	strace s3  }
0x95: {  	s3 =	sld [smem:$0x3FFD];
	_ =	sdelay $0x3  }
0x96: {  	_ =	strace s3  }
0x97: {  	_ =	strace $0x8FFFFFFF  }
0x98: {  	s19 =	sld [smem:$0x3FDB];
	_ =	sdelay $0x1  }
0x99: {  	s4 =	simm.s32 $_scs_section_size  }
0x9a: {  	s5 =	simm.s32 $_size__tile_overlayer_lowered;
	s6 =	simm.s32 $_tile_overlayer_lowered  }
0x9b: {  	s22 =	simm.s32 $0x1BFF;
	s21 =	sshll.u32 s6, $0x1;
	s3 =	sadd.s32 s4, s19  }
0x9c: {  	s7 =	simm.s32 $0x0;
	s20 =	sshll.u32 s5, $0x1;
	s5 =	sadd.s32 s21, s3  }
0x9d: {  	[timem:s7], [sflag:s22] =	dma.local [hbm:s5], s20  }
0x9e: {  	_ =	swait.ge [sflag:s22], s20  }
0x9f: {  	s4 =	ssub.s32 $0x0, s20;
	[sflag:s22] =	ssyncset.done $0x0  }
0xa0: {  	[sflag:s22] =	ssyncadd.s32 s4;
	_ =	sdelay $0x1  }
0xa1: {  	s23 =	simm.s32 $0x1B8B  }
0xa2: {  	_ =	swait.ge [sflag:s23], $0x1  }
0xa3: {  	[sflag:s23] =	ssyncset.done $0x0  }
0xa4: {  	s25 =	simm.s32 $0x1B8E;
	s24 =	sld [smem:$0x3FFE];
	[sflag:s23] =	ssyncadd.s32 $0xFFFFFFFF  }
0xa5: {  	s26 =	simm.s32 $execute0_lowered;
	[smem:$0x3FD2] =	sst s25  }
0xa6: {  	s5 =	sshll.u32 s26, $0x1;
	_ =	strace $0x8000004C;
	[dreg:$0x1] =	wrdreg $0xFFFFFFFF  }
0xa7: {  	s28 =	simm.s32 $_size_execute0_lowered;
	s3 =	sadd.s32 s3, s5;
	[dreg:$0x0] =	wrdreg $0x0  }
0xa8: {  	s5 =	sshll.u32 s28, $0x1;
	[dreg:$0x2] =	wrdreg s3  }
0xa9: {  	[dreg:$0x3] =	wrdreg s5  }
0xaa: {  	[dreg:$0x4] =	wrdreg $0xC0  }
0xab: {  	_ =	task [dreg:s7], $0x5FFFF  }
0xac: {  	[dreg:$0x1] =	wrdreg $0xFFFFFFFF  }
0xad: {  	[dreg:$0x0] =	wrdreg $0x60  }
0xae: {  	[dreg:$0x2] =	wrdreg s24  }
0xaf: {  	[dreg:$0x3] =	wrdreg s2  }
0xb0: {  	[dreg:$0x4] =	wrdreg $0x7A800  }
0xb1: {  	[dreg:$0x5] =	wrdreg $0x9B000  }
0xb2: {  	[dreg:$0x6] =	wrdreg $0xA0000  }
0xb3: {  	[dreg:$0x7] =	wrdreg $0x9  }
0xb4: {  	_ =	task.clear_ibuf [dreg:s7], $0x8FFFF;
	_ =	strace $0x9000004C  }
0xb5: {  	s29 =	simm.s32 $0x9;
	_ =	strace $0x8000004E  }
0xb6: {  	_ =	swait.ge [sflag:s29], $0x1  }
0xb7: {  	[sflag:s29] =	ssyncadd.s32 $0xFFFFFFFF  }
0xb8: {  	_ =	strace $0x9000004E  }
0xb9: {  	_ =	sfence  }
0xba: {  	s30 =	sld [smem:$0x0];
	_ =	sdelay $0x2  }
0xbb: {  	s31 =	sshll.u32 s1, $0xD;
	s1 =	sshrl.u32 s1, $0x2  }
0xbc: {  	s3 =	sand.u32 $0x4000, s31;
	s1 =	sadd.s32 s1, s30  }
0xbd: {  	s0 =	sor.u32 s3, s0;
	s1 =	sshll.u32 s1, $0x11  }
0xbe: {  	s0 =	sor.u32 s1, s0  }
0xbf: {  	s0 =	sadd.s32 $0x8F2B, s0  }
0xc0: {  	[sflag:s0] =	ssyncadd.remote.s32 $0x1  }
0xc1: {  	_ =	sfence.sel $0xFFFF  }
0xc2: {  	[dreg:$0x0] =	wrdreg $0xFFFFFFFF;
	(pc) =	sbr.abs _section_cstart, $3  }
0xc3: {  	[dreg:$0x1] =	wrdreg $0xFFFFFFFF  }
0xc4: {  	_ =	task.clear_ibuf [dreg:s7], $0x2FFFF;
	_ =	strace $0x9FFFFFFF  }
0xc5: {  	(tm) =	ssettm $0x7FFFFFFF  }
tec
execute0_lowered:
.L_overlay_start_1:
0x0: {  	(tag) =	ssettag $0x1  }
0x1: {  	s0 =	rddreg [dreg:$0x0]  }
0x2: {  	s2 =	srdreg.scid;
	s1 =	rddreg [dreg:$0x1]  }
0x3: {  	s14 =	stileid.u32;
	s4 =	rddreg [dreg:$0x3];
	s28 =	simm.s32 $0xA00  }
0x4: {  	s31 =	simm.s32 $0xB00;
	s30 =	simm.s32 $0x1680;
	s29 =	simm.s32 $0x1180  }
0x5: {  	s3 =	sand.u32 $0x1, s2;
	s2 =	rddreg [dreg:$0x2];
	s5 =	sshll.u32 s14, $0x8  }
0x6: {  	s7 =	sshrl.u32 s14, $0x2;
	s17 =	smul.u32 $0x8200, s14;
	s11 =	sadd.s32 $0x9E00, s0  }
0x7: {  	s12 =	sshll.u32 s14, $0xA;
	s21 =	smul.u32 $0x500, s14;
	s23 =	sshll.u32 s14, $0xD  }
0x8: {  	v1 =	vmov s14;
	s14 =	simm.s32 $0x0;
	s6 =	sshll.u32 s3, $0x7;
	s10 =	sshll.u32 s7, $0xD  }
0x9: {  	s7 =	sshll.u32 s7, $0xA;
	s18 =	ssub.s32 $0x2, s3;
	s3 =	sshll.u32 s3, $0xE  }
0xa: {  	s25 =	sadd.s32 s23, s2;
	s23 =	simm.s32 $0x2;
	s8 =	sor.u32 s6, s5  }
0xb: {  	s5 =	rddreg [dreg:$0x4];
	s6 =	simm.s32 $0x0;
	s13 =	sshrl.u32 s18, $0x1  }
0xc: {  	s22 =	sadd.s32 s21, s4;
	s9 =	sand.u32 $0x380, s8;
	[smem:$0x7FF] =	sst s6  }
0xd: {  	s8 =	sadd.s32 s8, s0;
	s24 =	sadd.s32 s21, s5;
	s21 =	simm.s32 $0x400  }
0xe: {  	s10 =	sor.u32 s10, s9;
	_ =	strace $0x8000004D;
	[dreg:$0x6] =	wrdreg s11  }
0xf: {  	s7 =	sor.u32 s7, s9;
	s9 =	sshrl.u32 s17, $0x2;
	[dreg:$0xc] =	wrdreg s22  }
0x10: {  	s11 =	ssub.s32 s18, s13;
	s8 =	sadd.s32 $0x3AC00, s8;
	[dreg:$0xd] =	wrdreg s24  }
0x11: {  	[dreg:$0xe] =	wrdreg s25;
	s18 =	simm.s32 $0x5680;
	s22 =	simm.s32 $0x1  }
0x12: {  	s24 =	simm.s32 $0x800;
	s25 =	simm.s32 $0xB80;
	s13 =	simm.s32 $0x4E80  }
0x13: {  	s10 =	sshrl.u32 s10, $0x3;
	s7 =	sshrl.u32 s7, $0x3;
	s9 =	sadd.s32 s9, s2  }
0x14: {  	[dreg:$0xa] =	wrdreg s8;
	s26 =	smax.u32 s11, $0x1;
	s8 =	simm.s32 $0x2680  }
0x15: {  	s11 =	simm.s32 $0x3E80;
	s10 =	sadd.s32 s10, s0;
	[dreg:$0x7] =	wrdreg s9  }
0x16: {  	s7 =	sadd.s32 s7, s0;
	s0 =	sadd.s32 s12, s0;
	[dreg:$0x10] =	wrdreg s26  }
0x17: {  	v0 =	vlaneseq.u32;
	s9 =	simm.s32 $0x2E80;
	s12 =	simm.s32 $0x4680;
	s19 =	sadd.s32 $0x43C00, s10  }
.Ltmp0:
0x18: {  	v0 =	vmul.u32 $0x40, v0;
	s20 =	sadd.s32 $0x44C00, s10;
	[dreg:$0x8] =	wrdreg s19;
	(pc) =	sbr.rel .LBB2_1-.Ltmp0, $4  }
0x19: {  	v1 =	vor.u32 $0x400, v1;
	s7 =	sadd.s32 $0xA400, s7;
	s0 =	sadd.s32 s3, s0;
	[dreg:$0x9] =	wrdreg s20  }
0x1a: {  	vm0 =	vmmov $0xffff;
	v1 =	vbroadcast v1, $0x0;
	v2 =	vor.u32 $0x7, v0;
	s3 =	simm.s32 $0x980;
	s10 =	simm.s32 $0x3680;
	[dreg:$0xb] =	wrdreg s7  }
0x1b: {  	v3 =	vor.u32 $0xE, v0;
	v4 =	vor.u32 $0x15, v0;
	v5 =	vor.u32 $0x1C, v0;
	s0 =	sadd.s32 $0x1E00, s0;
	s19 =	simm.s32 $0x3;
	s20 =	simm.s32 $0x80  }
0x1c: {  	v6 =	vor.u32 $0x23, v0;
	v7 =	vor.u32 $0x2A, v0;
	v8 =	vor.u32 $0x31, v0;
	s7 =	simm.s32 $0x1E80;
	[dreg:$0xf] =	wrdreg s0;
	s0 =	simm.s32 $0xA80  }
.LBB2_3:
0x1d: {  	[bflag:$0x0] =	sbarrier.arrive $0xFFFF  }
0x1e: {  	s15 =	rddreg [dreg:$0xe]  }
0x1f: {  	[tilespmem:s18], [sflag:$0x3] =	stream.linear.gather [spmem:s15], $0x2000, $0x38;
	[tilespmem:$0xA500] =	vst v63  }
0x20: {  	_ =	swait.ge [sflag:s19], $0x2000  }
0x21: {  	[sflag:s19] =	ssyncset.done $0x0  }
0x22: {  	s17 =	rddreg [dreg:$0xf];
	[sflag:s19] =	ssyncadd.s32 $0xFFFFE000  }
0x23: {  	[hbm4b:s17+s6] =	stream.linear.scatter [tilespmem:s18], [sflag:$0x3], $0x2000, $0x38;
	[tilespmem:$0xA500] =	vst v63  }
0x24: {  	_ =	swait.ge [sflag:s19], $0x2000  }
0x25: {  	s14 =	sadd.s32 $0x1, s14;
	s26 =	rddreg [dreg:$0x10]  }
0x26: {  	p0 =	sne.s32 s14, s26  }
.Ltmp1:
0x27: {  	_ = 	snop;
	(pc) =	sbr.rel @!p0 .LBB2_4-.Ltmp1, $3  }
0x28: {  	_ =	sdelay $0x1  }
0x29: {  	[sflag:s19] =	ssyncset.done $0x0  }
0x2a: {  	[sflag:s19] =	ssyncadd.s32 $0xFFFFE000  }
.LBB2_1:
0x2b: {  	s15 =	rddreg [dreg:$0x6]  }
0x2c: {  	[tilespmem:s18], [sflag:$0x3] =	stream.linear.gather [hbm4b:s15+s6], $0x2080, $0x38;
	[tilespmem:$0xA500] =	vst v63  }
0x2d: {  	_ =	swait.ge [sflag:s19], $0x2080  }
0x2e: {  	[sflag:s19] =	ssyncset.done $0x0  }
0x2f: {  	s17 =	rddreg [dreg:$0x7];
	[sflag:s19] =	ssyncadd.s32 $0xFFFFDF80  }
0x30: {  	[spmem:s17] =	stream.linear.scatter [tilespmem:s18], [sflag:$0x3], $0x2080, $0x38;
	[tilespmem:$0xA500] =	vst v63  }
0x31: {  	_ =	swait.ge [sflag:s19], $0x2080  }
0x32: {  	[sflag:s19] =	ssyncset.done $0x0  }
0x33: {  	s26 =	rddreg [dreg:$0x8];
	[sflag:s19] =	ssyncadd.s32 $0xFFFFDF80  }
0x34: {  	[tilespmem:s6], [sflag:$0x1] =	stream.strided.gather [hbm4b:s26+s20], $0x400, s21, s20, $0x38;
	[tilespmem:$0xA500] =	vst v63  }
0x35: {  	s16 =	rddreg [dreg:$0x9]  }
0x36: {  	[tilespmem:s21], [sflag:$0x2] =	stream.strided.gather [hbm4b:s16+s20], $0x400, s21, s20, $0x38;
	[tilespmem:$0xA500] =	vst v63  }
0x37: {  	_ =	swait.ge [sflag:s22], $0x400  }
0x38: {  	[sflag:s22] =	ssyncset.done $0x0  }
0x39: {  	[sflag:s22] =	ssyncadd.s32 $0xFFFFFC00  }
0x3a: {  	_ =	swait.ge [sflag:s23], $0x400  }
0x3b: {  	[sflag:s23] =	ssyncset.done $0x0  }
0x3c: {  	s17 =	rddreg [dreg:$0xa];
	[sflag:s23] =	ssyncadd.s32 $0xFFFFFC00  }
0x3d: {  	[tilespmem:s24], [sflag:$0x1] =	stream.linear.gather [hbm4b:s17+s6], $0x400, $0x38;
	[tilespmem:$0xA500] =	vst v63  }
0x3e: {  	s16 =	simm.s32 $0xC00;
	s26 =	rddreg [dreg:$0xb]  }
0x3f: {  	[tilespmem:s16], [sflag:$0x2] =	stream.linear.gather [hbm4b:s26+s6], $0x80, $0x38;
	[tilespmem:$0xA500] =	vst v63  }
0x40: {  	_ =	swait.ge [sflag:s22], $0x400  }
0x41: {  	[sflag:s22] =	ssyncset.done $0x0  }
0x42: {  	[sflag:s22] =	ssyncadd.s32 $0xFFFFFC00  }
0x43: {  	_ =	swait.ge [sflag:s23], $0x80  }
0x44: {  	[sflag:s23] =	ssyncset.done $0x0  }
0x45: {  	[sflag:s23] =	ssyncadd.s32 $0xFFFFFF80  }
0x46: {  	[bflag:$0x0] =	sbarrier.arrive $0xFFFF  }
0x47: {  	v9 =	vld [tilespmem:$0xC00];
	[spmem:s4] =	stream.indirect.scatter [tilespmem:s6], [sflag:$0x1], $0x1, s24, s20, $0xb8  }
0x48: {  	_ = 	snop  }
0x49: {  	[spmem:s5] =	stream.indirect.scatter [tilespmem:s21], [sflag:$0x2], $0x1, s24, s20, $0xb8;
	[tilespmem:$0xA500] =	vst v63  }
0x4a: {  	_ =	swait.ge [sflag:s22], $0x80  }
0x4b: {  	[sflag:s22] =	ssyncset.done $0x0  }
0x4c: {  	[sflag:s22] =	ssyncadd.s32 $0xFFFFFF80  }
0x4d: {  	_ =	swait.ge [sflag:s23], $0x80  }
0x4e: {  	[sflag:s23] =	ssyncset.done $0x0  }
0x4f: {  	s17 =	simm.s32 $0x880;
	[sflag:s23] =	ssyncadd.s32 $0xFFFFFF80  }
0x50: {  	[spmem:s4] =	stream.indirect.scatter [tilespmem:s20], [sflag:$0x1], $0x1, s17, s20, $0xb8;
	[tilespmem:$0xA500] =	vst v63  }
0x51: {  	s26 =	simm.s32 $0x480  }
0x52: {  	[spmem:s5] =	stream.indirect.scatter [tilespmem:s26], [sflag:$0x2], $0x1, s17, s20, $0xb8;
	[tilespmem:$0xA500] =	vst v63  }
0x53: {  	_ =	swait.ge [sflag:s22], $0x80  }
0x54: {  	[sflag:s22] =	ssyncset.done $0x0  }
0x55: {  	[sflag:s22] =	ssyncadd.s32 $0xFFFFFF80  }
0x56: {  	_ =	swait.ge [sflag:s23], $0x80  }
0x57: {  	[sflag:s23] =	ssyncset.done $0x0  }
0x58: {  	s17 =	simm.s32 $0x100;
	s26 =	simm.s32 $0x900;
	[sflag:s23] =	ssyncadd.s32 $0xFFFFFF80  }
0x59: {  	[spmem:s4] =	stream.indirect.scatter [tilespmem:s17], [sflag:$0x1], $0x1, s26, s20, $0xb8;
	[tilespmem:$0xA500] =	vst v63  }
0x5a: {  	s17 =	simm.s32 $0x500  }
0x5b: {  	[spmem:s5] =	stream.indirect.scatter [tilespmem:s17], [sflag:$0x2], $0x1, s26, s20, $0xb8;
	[tilespmem:$0xA500] =	vst v63  }
0x5c: {  	_ =	swait.ge [sflag:s22], $0x80  }
0x5d: {  	[sflag:s22] =	ssyncset.done $0x0  }
0x5e: {  	[sflag:s22] =	ssyncadd.s32 $0xFFFFFF80  }
0x5f: {  	_ =	swait.ge [sflag:s23], $0x80  }
0x60: {  	[sflag:s23] =	ssyncset.done $0x0  }
0x61: {  	s26 =	simm.s32 $0x180;
	[sflag:s23] =	ssyncadd.s32 $0xFFFFFF80  }
0x62: {  	[spmem:s4] =	stream.indirect.scatter [tilespmem:s26], [sflag:$0x1], $0x1, s3, s20, $0xb8;
	[tilespmem:$0xA500] =	vst v63  }
0x63: {  	s16 =	simm.s32 $0x580  }
0x64: {  	[spmem:s5] =	stream.indirect.scatter [tilespmem:s16], [sflag:$0x2], $0x1, s3, s20, $0xb8;
	[tilespmem:$0xA500] =	vst v63  }
0x65: {  	_ =	swait.ge [sflag:s22], $0x80  }
0x66: {  	[sflag:s22] =	ssyncset.done $0x0  }
0x67: {  	[sflag:s22] =	ssyncadd.s32 $0xFFFFFF80  }
0x68: {  	_ =	swait.ge [sflag:s23], $0x80  }
0x69: {  	[sflag:s23] =	ssyncset.done $0x0  }
0x6a: {  	s17 =	simm.s32 $0x200;
	[sflag:s23] =	ssyncadd.s32 $0xFFFFFF80  }
0x6b: {  	[spmem:s4] =	stream.indirect.scatter [tilespmem:s17], [sflag:$0x1], $0x1, s28, s20, $0xb8;
	[tilespmem:$0xA500] =	vst v63  }
0x6c: {  	s26 =	simm.s32 $0x600  }
0x6d: {  	[spmem:s5] =	stream.indirect.scatter [tilespmem:s26], [sflag:$0x2], $0x1, s28, s20, $0xb8;
	[tilespmem:$0xA500] =	vst v63  }
0x6e: {  	_ =	swait.ge [sflag:s22], $0x80  }
0x6f: {  	[sflag:s22] =	ssyncset.done $0x0  }
0x70: {  	[sflag:s22] =	ssyncadd.s32 $0xFFFFFF80  }
0x71: {  	_ =	swait.ge [sflag:s23], $0x80  }
0x72: {  	[sflag:s23] =	ssyncset.done $0x0  }
0x73: {  	s16 =	simm.s32 $0x280;
	[sflag:s23] =	ssyncadd.s32 $0xFFFFFF80  }
0x74: {  	[spmem:s4] =	stream.indirect.scatter [tilespmem:s16], [sflag:$0x1], $0x1, s0, s20, $0xb8;
	[tilespmem:$0xA500] =	vst v63  }
0x75: {  	s17 =	simm.s32 $0x680  }
0x76: {  	[spmem:s5] =	stream.indirect.scatter [tilespmem:s17], [sflag:$0x2], $0x1, s0, s20, $0xb8;
	[tilespmem:$0xA500] =	vst v63  }
0x77: {  	_ =	swait.ge [sflag:s22], $0x80  }
0x78: {  	[sflag:s22] =	ssyncset.done $0x0  }
0x79: {  	[sflag:s22] =	ssyncadd.s32 $0xFFFFFF80  }
0x7a: {  	_ =	swait.ge [sflag:s23], $0x80  }
0x7b: {  	[sflag:s23] =	ssyncset.done $0x0  }
0x7c: {  	s26 =	simm.s32 $0x300;
	[sflag:s23] =	ssyncadd.s32 $0xFFFFFF80  }
0x7d: {  	[spmem:s4] =	stream.indirect.scatter [tilespmem:s26], [sflag:$0x1], $0x1, s31, s20, $0xb8;
	[tilespmem:$0xA500] =	vst v63  }
0x7e: {  	s16 =	simm.s32 $0x700  }
0x7f: {  	[spmem:s5] =	stream.indirect.scatter [tilespmem:s16], [sflag:$0x2], $0x1, s31, s20, $0xb8;
	[tilespmem:$0xA500] =	vst v63  }
0x80: {  	_ =	swait.ge [sflag:s22], $0x80  }
0x81: {  	[sflag:s22] =	ssyncset.done $0x0  }
0x82: {  	[sflag:s22] =	ssyncadd.s32 $0xFFFFFF80  }
0x83: {  	_ =	swait.ge [sflag:s23], $0x80  }
0x84: {  	[sflag:s23] =	ssyncset.done $0x0  }
0x85: {  	s17 =	simm.s32 $0x380;
	[sflag:s23] =	ssyncadd.s32 $0xFFFFFF80  }
0x86: {  	[spmem:s4] =	stream.indirect.scatter [tilespmem:s17], [sflag:$0x1], $0x1, s25, s20, $0xb8;
	[tilespmem:$0xA500] =	vst v63  }
0x87: {  	s26 =	simm.s32 $0x780  }
0x88: {  	[spmem:s5] =	stream.indirect.scatter [tilespmem:s26], [sflag:$0x2], $0x1, s25, s20, $0xb8;
	[tilespmem:$0xA500] =	vst v63  }
0x89: {  	_ =	swait.ge [sflag:s22], $0x80  }
0x8a: {  	[sflag:s22] =	ssyncset.done $0x0  }
0x8b: {  	[sflag:s22] =	ssyncadd.s32 $0xFFFFFF80  }
0x8c: {  	_ =	swait.ge [sflag:s23], $0x80  }
0x8d: {  	(v2sf) =	vpush v9, $0x0  }
0x8e: {  	(v2sf) =	vpush v9, $0x1;
	_ =	sdelay $0xa  }
0x8f: {  	[sflag:s23] =	ssyncset.done $0x0  }
0x90: {  	s16 =	simm.s32 $0xC80;
	s26 =	rddreg [dreg:$0xc];
	[sflag:s23] =	ssyncadd.s32 $0xFFFFFF80  }
0x91: {  	[tilespmem:s16], [sflag:$0x3] =	stream.linear.gather [spmem:s26], $0x500, $0x38;
	[tilespmem:$0xA500] =	vst v63  }
0x92: {  	s17 =	spop (v2sf)  }
0x93: {  	s15 =	spop (v2sf)  }
0x94: {  	_ =	swait.ge [sflag:s19], $0x500  }
0x95: {  	[sflag:s19] =	ssyncset.done $0x0  }
0x96: {  	s26 =	rddreg [dreg:$0xd];
	[sflag:s19] =	ssyncadd.s32 $0xFFFFFB00  }
0x97: {  	[tilespmem:s29], [sflag:$0x3] =	stream.linear.gather [spmem:s26], $0x500, $0x38;
	[tilespmem:$0xA500] =	vst v63  }
0x98: {  	_ =	swait.ge [sflag:s19], $0x500  }
0x99: {  	[sflag:s19] =	ssyncset.done $0x0  }
0x9a: {  	[sflag:s19] =	ssyncadd.s32 $0xFFFFFB00  }
0x9b: {  	[tilespmem:s17+$0xC80] =	vst v0  }
0x9c: {  	[tilespmem:s17+$0x1180] =	vst v1  }
0x9d: {  	[tilespmem:s17+$0xC90] =	vst v2  }
0x9e: {  	[tilespmem:s17+$0x1190] =	vst v1  }
0x9f: {  	[tilespmem:s17+$0xCA0] =	vst v3  }
0xa0: {  	[tilespmem:s17+$0x11A0] =	vst v1  }
0xa1: {  	[tilespmem:s17+$0xCB0] =	vst v4  }
0xa2: {  	[tilespmem:s17+$0x11B0] =	vst v1  }
0xa3: {  	[tilespmem:s17+$0xCC0] =	vst v5  }
0xa4: {  	[tilespmem:s17+$0x11C0] =	vst v1  }
0xa5: {  	[tilespmem:s17+$0xCD0] =	vst v6  }
0xa6: {  	[tilespmem:s17+$0x11D0] =	vst v1  }
0xa7: {  	p0 =	slt.s32 s15, $0x1;
	[tilespmem:s17+$0xCE0] =	vst v7  }
.Ltmp2:
0xa8: {  	[tilespmem:s17+$0x11E0] =	vst v1;
	(pc) =	sbr.rel @p0 .LBB2_3-.Ltmp2, $4  }
0xa9: {  	[tilespmem:s17+$0xCF0] =	vst v8  }
0xaa: {  	[tilespmem:s17+$0x11F0] =	vst v1  }
0xab: {  	[bflag:$0x0] =	sbarrier.arrive $0xFFFF  }
0xac: {  	s17 =	simm.s32 $0x11C0  }
.LBB2_2:
0xad: {  	[tilespmem:s30], [sflag:$0x1] =	stream.indirect.gather [hbm4b:s1+s20], $0x80, s16, s20, $0xb8;
	[tilespmem:$0xA500] =	vst v63  }
0xae: {  	_ =	swait.ge [sflag:s22], $0x4000  }
0xaf: {  	[sflag:s22] =	ssyncset.done $0x0  }
0xb0: {  	[sflag:s22] =	ssyncadd.s32 $0xFFFFC000  }
0xb1: {  	v9 =	vld [tilespmem:s17+$0xFFFFFFC0];
	_ =	sdelay $0x7  }
0xb2: {  	[spmem:s2] =	stream.indirect_vreg.scatter.add.f32 [tilespmem:s30], [sflag:$0x3], $0x80, v9, vm0, $0xb8;
	[tilespmem:$0xA500] =	vst v63  }
0xb3: {  	_ =	swait.ge [sflag:s19], $0x800  }
0xb4: {  	[sflag:s19] =	ssyncset.done $0x0  }
0xb5: {  	[sflag:s19] =	ssyncadd.s32 $0xFFFFF800  }
0xb6: {  	v9 =	vld [tilespmem:s17+$0xFFFFFFD0];
	_ =	sdelay $0x7  }
0xb7: {  	[spmem:s2] =	stream.indirect_vreg.scatter.add.f32 [tilespmem:s7], [sflag:$0x3], $0x80, v9, vm0, $0xb8;
	[tilespmem:$0xA500] =	vst v63  }
0xb8: {  	_ =	swait.ge [sflag:s19], $0x800  }
0xb9: {  	[sflag:s19] =	ssyncset.done $0x0  }
0xba: {  	[sflag:s19] =	ssyncadd.s32 $0xFFFFF800  }
0xbb: {  	v9 =	vld [tilespmem:s17+$0xFFFFFFE0];
	_ =	sdelay $0x7  }
0xbc: {  	[spmem:s2] =	stream.indirect_vreg.scatter.add.f32 [tilespmem:s8], [sflag:$0x3], $0x80, v9, vm0, $0xb8;
	[tilespmem:$0xA500] =	vst v63  }
0xbd: {  	_ =	swait.ge [sflag:s19], $0x800  }
0xbe: {  	[sflag:s19] =	ssyncset.done $0x0  }
0xbf: {  	[sflag:s19] =	ssyncadd.s32 $0xFFFFF800  }
0xc0: {  	v9 =	vld [tilespmem:s17+$0xFFFFFFF0];
	_ =	sdelay $0x7  }
0xc1: {  	[spmem:s2] =	stream.indirect_vreg.scatter.add.f32 [tilespmem:s9], [sflag:$0x3], $0x80, v9, vm0, $0xb8;
	[tilespmem:$0xA500] =	vst v63  }
0xc2: {  	_ =	swait.ge [sflag:s19], $0x800  }
0xc3: {  	[sflag:s19] =	ssyncset.done $0x0  }
0xc4: {  	[sflag:s19] =	ssyncadd.s32 $0xFFFFF800  }
0xc5: {  	v9 =	vld [tilespmem:s17+$0x0];
	_ =	sdelay $0x7  }
0xc6: {  	[spmem:s2] =	stream.indirect_vreg.scatter.add.f32 [tilespmem:s10], [sflag:$0x3], $0x80, v9, vm0, $0xb8;
	[tilespmem:$0xA500] =	vst v63  }
0xc7: {  	_ =	swait.ge [sflag:s19], $0x800  }
0xc8: {  	[sflag:s19] =	ssyncset.done $0x0  }
0xc9: {  	[sflag:s19] =	ssyncadd.s32 $0xFFFFF800  }
0xca: {  	v9 =	vld [tilespmem:s17+$0x10];
	_ =	sdelay $0x7  }
0xcb: {  	[spmem:s2] =	stream.indirect_vreg.scatter.add.f32 [tilespmem:s11], [sflag:$0x3], $0x80, v9, vm0, $0xb8;
	[tilespmem:$0xA500] =	vst v63  }
0xcc: {  	_ =	swait.ge [sflag:s19], $0x800  }
0xcd: {  	[sflag:s19] =	ssyncset.done $0x0  }
0xce: {  	[sflag:s19] =	ssyncadd.s32 $0xFFFFF800  }
0xcf: {  	v9 =	vld [tilespmem:s17+$0x20];
	_ =	sdelay $0x7  }
0xd0: {  	[spmem:s2] =	stream.indirect_vreg.scatter.add.f32 [tilespmem:s12], [sflag:$0x3], $0x80, v9, vm0, $0xb8;
	[tilespmem:$0xA500] =	vst v63  }
0xd1: {  	_ =	swait.ge [sflag:s19], $0x800  }
0xd2: {  	[sflag:s19] =	ssyncset.done $0x0  }
0xd3: {  	[sflag:s19] =	ssyncadd.s32 $0xFFFFF800  }
0xd4: {  	v9 =	vld [tilespmem:s17+$0x30];
	_ =	sdelay $0x5  }
0xd5: {  	p0 =	sne.s32 s15, $0x1  }
.Ltmp3:
0xd6: {  	_ = 	snop;
	(pc) =	sbr.rel @p0 .LBB2_2-.Ltmp3, $4  }
0xd7: {  	[spmem:s2] =	stream.indirect_vreg.scatter.add.f32 [tilespmem:s13], [sflag:$0x3], $0x80, v9, vm0, $0xb8;
	[tilespmem:$0xA500] =	vst v63  }
0xd8: {  	_ =	swait.ge [sflag:s19], $0x800  }
0xd9: {  	s16 =	sadd.s32 $0x80, s16;
	[sflag:s19] =	ssyncset.done $0x0  }
0xda: {  	s15 =	sadd.s32 $0xFFFFFFFF, s15;
	s17 =	sadd.s32 $0x80, s17;
	[sflag:s19] =	ssyncadd.s32 $0xFFFFF800  }
.Ltmp4:
0xdb: {  	_ = 	snop;
	(pc) =	sbr.rel .LBB2_3-.Ltmp4, $1  }
0xdc: {  	_ =	sdelay $0x3  }
.LBB2_4:
0xdd: {  	_ =	sfence.sel $0x180000  }
0xde: {  	[bflag:$0x0] =	sbarrier.arrive $0xFFFF  }
0xdf: {  	_ =	strace $0x9000004D  }
0xe0: {  	s0 =	stileid.u32;
	[bflag:$0x2] =	sbarrier.arrive $0xFFFF  }
0xe1: {  	p0 =	sne.s32 s0, $0x0;
	s0 =	rddreg [dreg:$0x5]  }
0xe2: {  	s0 =	sadd.s32 @!p0 $0x100000, s0  }
0xe3: {  	[sflag:s0] =	ssyncadd.tile.s32 @!p0 $0x1;
	_ =	shalt  }
.Lfunc_end2:
_tile_overlayer_lowered:
.L_overlay_start_2:
0xe4: {  	(tag) =	ssettag $0x2  }
0xe5: {  	s0 =	rddreg [dreg:$0x0];
	s2 =	stileid.u32  }
0xe6: {  	s1 =	rddreg [dreg:$0x1];
	p0 =	sne.s32 s2, $0x0  }
0xe7: {  	s3 =	rddreg [dreg:$0x2];
	[bflag:$0x3] =	sbarrier.arrive $0xFFFF;
	s2 =	simm.s32 @!p0 $0x1C03  }
0xe8: {  	[timem:s3], [sflag:s2] =	dma.local @!p0 [hbm:s0], s1  }
0xe9: {  	s0 =	simm.s32 @!p0 $0x3  }
0xea: {  	_ =	swait.ge @!p0 [sflag:s0], s1  }
0xeb: {  	s1 =	ssub.s32 @!p0 $0x0, s1;
	[sflag:s0] =	ssyncset.done @!p0 $0x0  }
0xec: {  	[sflag:s0] =	ssyncadd.s32 @!p0 s1  }
0xed: {  	[bflag:$0x3] =	sbarrier.arrive $0xFFFF  }
0xee: {  	_ =	shalt  }

// kernel: kernel.8.cloned.1.call-start
scs
__scs_entry_jumppad:
0x0: {  	(pc) =	sbr.rel $0x88, $3  }
0x1: {  	(tag) =	ssettag $0x0;
	lr =	simm.s32 $0x1  }
0x2: {  	[smem:$0x3F9A] =	sst lr;
	_ =	strace $0xD0000000  }
0x3: {  	_ = 	snop  }
0x4: {  	_ = 	snop  }
0x5: {  	_ = 	snop  }
0x6: {  	_ = 	snop  }
0x7: {  	_ = 	snop  }
__scs_overlays_trampoline_lowered:
0x8: {  	[smem:$0x3FA9] =	sst s0  }
0x9: {  	[smem:$0x3FAA] =	sst s1  }
0xa: {  	[smem:$0x3FAB] =	sst s2  }
0xb: {  	[smem:$0x3FAC] =	sst s3  }
0xc: {  	[smem:$0x3FAD] =	sst s4  }
0xd: {  	[smem:$0x3FAE] =	sst s5  }
0xe: {  	[smem:$0x3FAF] =	sst s6  }
0xf: {  	[smem:$0x3FB0] =	sst s7  }
0x10: {  	[smem:$0x3FB1] =	sst s8  }
0x11: {  	[smem:$0x3FB2] =	sst s9;
	s0 =	simm.s32 @!p0 $0x0  }
0x12: {  	s1 =	sld [smem:$0x3F98];
	s0 =	simm.s32 @p0 $0x1  }
0x13: {  	[smem:$0x3FB3] =	sst s0;
	s0 =	simm.s32 @!p1 $0x0  }
0x14: {  	s2 =	sld [smem:$0x3F97];
	s0 =	simm.s32 @p1 $0x1  }
0x15: {  	[smem:$0x3FB4] =	sst s0;
	s0 =	simm.s32 @!p2 $0x0  }
0x16: {  	s3 =	sld [smem:$0x3FDB];
	s0 =	simm.s32 @p2 $0x1  }
0x17: {  	s4 =	simm.s32 $0x1BF5;
	[smem:$0x3FB6] =	sst s0  }
0x18: {  	s0 =	sld [smem:$0x3F99];
	_ =	swait.ge [sflag:s4], $0x0  }
0x19: {  	s7 =	sld [smem:$0x3F9A]  }
0x1a: {  	s8 =	sadd.s32 $0xFFFFE003, lr  }
0x1b: {  	s9 =	sadd.s32 $0xFFFFFEF7, lr;
	s5 =	simm.s32 $0xFFFFFFFF;
	p2 =	slt.u32 s8, $0xFFFFF086  }
0x1c: {  	p1 =	slt.u32 s9, $0xF7A;
	s5 =	simm.s32 @!p2 $0x0  }
0x1d: {  	s5 =	simm.s32 @p1 $0x1;
	p0 =	seq.s32 s7, s2  }
0x1e: {  	s7 =	smul.u32 @!p0 $0xF7A, s2;
	p2 =	seq.s32 @!p0 s5, $0x0  }
0x1f: {  	s9 =	smul.u32 $0xF7A, s1;
	s8 =	simm.s32 @!p0 $0x1BF5;
	p2 =	por !p2, p0  }
0x20: {  	[sflag:s8] =	ssyncset.s32 @!p0 $0xFFFFF086;
	s6 =	sadd.s32 @!p0 s3, s7;
	s7 =	simm.s32 @!p0 $0x108  }
0x21: {  	s3 =	sadd.s32 s3, s9;
	s6 =	sadd.s32 @!p0 $0x88, s6;
	s7 =	simm.s32 @p2 $0x1082  }
0x22: {  	[simem:s7], [sflag:s8] =	dma.local @!p0 [hbm:s6], $0xF7A  }
0x23: {  	s9 =	sor.u32 $0xD0000000, s2;
	s6 =	simm.s32 $0x108;
	_ =	swait.ge @!p0 [sflag:s8], $0x0  }
0x24: {  	s3 =	sadd.s32 $0x88, s3;
	s6 =	simm.s32 @!p1 $0x1082;
	[sflag:s4] =	ssyncset.s32 $0xFFFFF086  }
0x25: {  	[simem:s6], [sflag:s4] =	dma.local [hbm:s3], $0xF7A  }
0x26: {  	[smem:$0x3F9A] =	sst s1;
	(tag) =	ssettag s2;
	_ =	strace s9  }
0x27: {  	s1 =	sld [smem:$0x3FAA]  }
0x28: {  	s2 =	sld [smem:$0x3FAB]  }
0x29: {  	s4 =	sld [smem:$0x3FAD]  }
0x2a: {  	p0 =	seq.s32 s5, $0x0;
	s5 =	sld [smem:$0x3FAE]  }
0x2b: {  	s6 =	sld [smem:$0x3FAF]  }
0x2c: {  	s7 =	sld [smem:$0x3FB0]  }
0x2d: {  	s3 =	simm.s32 $0x108;
	s8 =	sld [smem:$0x3FB1]  }
0x2e: {  	s3 =	simm.s32 @!p0 $0x1082;
	s9 =	sld [smem:$0x3FB2]  }
0x2f: {  	lr =	sadd.s32 s0, s3;
	s0 =	sld [smem:$0x3FA9]  }
0x30: {  	s3 =	sld [smem:$0x3FAC]  }
0x31: {  	[smem:$0x3FB5] =	sst s10  }
0x32: {  	s10 =	sld [smem:$0x3FB3];
	_ =	sdelay $0x3  }
0x33: {  	p0 =	seq.s32 s10, $0x1;
	s10 =	sld [smem:$0x3FB5];
	_ =	sdelay $0x3  }
0x34: {  	[smem:$0x3FB5] =	sst s10  }
0x35: {  	s10 =	sld [smem:$0x3FB4];
	_ =	sdelay $0x3  }
0x36: {  	p1 =	seq.s32 s10, $0x1;
	s10 =	sld [smem:$0x3FB5];
	_ =	sdelay $0x3  }
0x37: {  	[smem:$0x3FB5] =	sst s10  }
0x38: {  	s10 =	sld [smem:$0x3FB6]  }
0x39: {  	_ = 	snop;
	(pc) =	sbr.ind lr, $3  }
0x3a: {  	_ = 	snop  }
0x3b: {  	_ = 	snop  }
0x3c: {  	p2 =	seq.s32 s10, $0x1;
	s10 =	sld [smem:$0x3FB5]  }
0x3d: {  	_ =	shalt  }
0x3e: {  	_ =	shalt  }
0x3f: {  	_ =	shalt  }
0x40: {  	_ =	shalt  }
0x41: {  	_ =	shalt  }
0x42: {  	_ =	shalt  }
0x43: {  	_ =	shalt  }
0x44: {  	_ =	shalt  }
0x45: {  	_ =	shalt  }
0x46: {  	_ =	shalt  }
0x47: {  	_ =	shalt  }
0x48: {  	_ =	shalt  }
0x49: {  	_ =	shalt  }
0x4a: {  	_ =	shalt  }
0x4b: {  	_ =	shalt  }
0x4c: {  	_ =	shalt  }
0x4d: {  	_ =	shalt  }
0x4e: {  	_ =	shalt  }
0x4f: {  	_ =	shalt  }
0x50: {  	_ =	shalt  }
0x51: {  	_ =	shalt  }
0x52: {  	_ =	shalt  }
0x53: {  	_ =	shalt  }
0x54: {  	_ =	shalt  }
0x55: {  	_ =	shalt  }
0x56: {  	_ =	shalt  }
0x57: {  	_ =	shalt  }
0x58: {  	_ =	shalt  }
0x59: {  	_ =	shalt  }
0x5a: {  	_ =	shalt  }
0x5b: {  	_ =	shalt  }
0x5c: {  	_ =	shalt  }
0x5d: {  	_ =	shalt  }
0x5e: {  	_ =	shalt  }
0x5f: {  	_ =	shalt  }
0x60: {  	_ =	shalt  }
0x61: {  	_ =	shalt  }
0x62: {  	_ =	shalt  }
0x63: {  	_ =	shalt  }
0x64: {  	_ =	shalt  }
0x65: {  	_ =	shalt  }
0x66: {  	_ =	shalt  }
0x67: {  	_ =	shalt  }
0x68: {  	_ =	shalt  }
0x69: {  	_ =	shalt  }
0x6a: {  	_ =	shalt  }
0x6b: {  	_ =	shalt  }
0x6c: {  	_ =	shalt  }
0x6d: {  	_ =	shalt  }
0x6e: {  	_ =	shalt  }
0x6f: {  	_ =	shalt  }
0x70: {  	_ =	shalt  }
0x71: {  	_ =	shalt  }
0x72: {  	_ =	shalt  }
0x73: {  	_ =	shalt  }
0x74: {  	_ =	shalt  }
0x75: {  	_ =	shalt  }
0x76: {  	_ =	shalt  }
0x77: {  	_ =	shalt  }
0x78: {  	_ =	shalt  }
0x79: {  	_ =	shalt  }
0x7a: {  	_ =	shalt  }
0x7b: {  	_ =	shalt  }
0x7c: {  	_ =	shalt  }
0x7d: {  	_ =	shalt  }
0x7e: {  	_ =	shalt  }
0x7f: {  	_ =	shalt  }
0x80: {  	_ =	shalt  }
0x81: {  	_ =	shalt  }
0x82: {  	_ =	shalt  }
0x83: {  	_ =	shalt  }
0x84: {  	_ =	shalt  }
0x85: {  	_ =	shalt  }
0x86: {  	_ =	shalt  }
0x87: {  	_ =	shalt  }
.Lfunc_end0:
.L_simem_size_0:
called_computation_lowered:
.L_overlay_start_0:
0x88: {  	s2 =	sld [smem:$0x3FD9]  }
0x89: {  	s3 =	sld [smem:$0x3FFE];
	_ =	sdelay $0x1  }
0x8a: {  	s1 =	srdreg.scid  }
0x8b: {  	s0 =	sand.u32 $0x1, s1  }
0x8c: {  	s17 =	sshll.u32 s0, $0xA;
	s2 =	sadd.s32 s3, s2  }
0x8d: {  	s2 =	sadd.s32 s2, s17  }
0x8e: {  	[smem:$0x3FC1] =	sst s2  }
0x8f: {  	_ = 	snop  }
0x90: {  	s2 =	sld [smem:$0x3FD0];
	(tm) =	ssettm $0x1  }
0x91: {  	s18 =	sld [smem:$0x3FFB];
	_ =	sdelay $0x3  }
0x92: {  	_ =	strace s18  }
0x93: {  	s3 =	sld [smem:$0x3FFC];
	_ =	sdelay $0x3  }
0x94: {  	_ =	strace s3  }
0x95: {  	s3 =	sld [smem:$0x3FFD];
	_ =	sdelay $0x3  }
0x96: {  	_ =	strace s3  }
0x97: {  	_ =	strace $0x8FFFFFFF  }
0x98: {  	s19 =	sld [smem:$0x3FDB];
	_ =	sdelay $0x1  }
0x99: {  	s4 =	simm.s32 $_scs_section_size  }
0x9a: {  	s5 =	simm.s32 $_size__tile_overlayer_lowered;
	s6 =	simm.s32 $_tile_overlayer_lowered  }
0x9b: {  	s22 =	simm.s32 $0x1BFF;
	s21 =	sshll.u32 s6, $0x1;
	s3 =	sadd.s32 s4, s19  }
0x9c: {  	s7 =	simm.s32 $0x0;
	s20 =	sshll.u32 s5, $0x1;
	s5 =	sadd.s32 s21, s3  }
0x9d: {  	[timem:s7], [sflag:s22] =	dma.local [hbm:s5], s20  }
0x9e: {  	_ =	swait.ge [sflag:s22], s20  }
0x9f: {  	s4 =	ssub.s32 $0x0, s20;
	[sflag:s22] =	ssyncset.done $0x0  }
0xa0: {  	[sflag:s22] =	ssyncadd.s32 s4;
	_ =	sdelay $0x1  }
0xa1: {  	s23 =	simm.s32 $0x1B8B  }
0xa2: {  	_ =	swait.ge [sflag:s23], $0x1  }
0xa3: {  	[sflag:s23] =	ssyncset.done $0x0  }
0xa4: {  	s25 =	simm.s32 $0x1B8E;
	s24 =	sld [smem:$0x3FFE];
	[sflag:s23] =	ssyncadd.s32 $0xFFFFFFFF  }
0xa5: {  	s26 =	simm.s32 $execute0_lowered;
	[smem:$0x3FD2] =	sst s25  }
0xa6: {  	s5 =	sshll.u32 s26, $0x1;
	_ =	strace $0x80000046;
	[dreg:$0x1] =	wrdreg $0xFFFFFFFF  }
0xa7: {  	s28 =	simm.s32 $_size_execute0_lowered;
	s3 =	sadd.s32 s3, s5;
	[dreg:$0x0] =	wrdreg $0x0  }
0xa8: {  	s5 =	sshll.u32 s28, $0x1;
	[dreg:$0x2] =	wrdreg s3  }
0xa9: {  	[dreg:$0x3] =	wrdreg s5  }
0xaa: {  	[dreg:$0x4] =	wrdreg $0xC0  }
0xab: {  	_ =	task [dreg:s7], $0x5FFFF  }
0xac: {  	[dreg:$0x1] =	wrdreg $0xFFFFFFFF  }
0xad: {  	[dreg:$0x0] =	wrdreg $0x60  }
0xae: {  	[dreg:$0x2] =	wrdreg s24  }
0xaf: {  	[dreg:$0x3] =	wrdreg s2  }
0xb0: {  	[dreg:$0x4] =	wrdreg $0x46000  }
0xb1: {  	[dreg:$0x5] =	wrdreg $0x48000  }
0xb2: {  	[dreg:$0x6] =	wrdreg $0x9  }
0xb3: {  	_ =	task.clear_ibuf [dreg:s7], $0x7FFFF;
	_ =	strace $0x90000046  }
0xb4: {  	s29 =	simm.s32 $0x9;
	_ =	strace $0x80000048  }
0xb5: {  	_ =	swait.ge [sflag:s29], $0x1  }
0xb6: {  	[sflag:s29] =	ssyncadd.s32 $0xFFFFFFFF  }
0xb7: {  	_ =	strace $0x90000048  }
0xb8: {  	_ =	sfence  }
0xb9: {  	s30 =	sld [smem:$0x0];
	_ =	sdelay $0x2  }
0xba: {  	s31 =	sshll.u32 s1, $0xD;
	s1 =	sshrl.u32 s1, $0x2  }
0xbb: {  	s3 =	sand.u32 $0x4000, s31;
	s1 =	sadd.s32 s1, s30  }
0xbc: {  	s0 =	sor.u32 s3, s0;
	s1 =	sshll.u32 s1, $0x11  }
0xbd: {  	s0 =	sor.u32 s1, s0  }
0xbe: {  	s0 =	sadd.s32 $0x8F2B, s0  }
0xbf: {  	[sflag:s0] =	ssyncadd.remote.s32 $0x1  }
0xc0: {  	_ =	sfence.sel $0xFFFF  }
0xc1: {  	[dreg:$0x0] =	wrdreg $0xFFFFFFFF;
	(pc) =	sbr.abs _section_cstart, $3  }
0xc2: {  	[dreg:$0x1] =	wrdreg $0xFFFFFFFF  }
0xc3: {  	_ =	task.clear_ibuf [dreg:s7], $0x2FFFF;
	_ =	strace $0x9FFFFFFF  }
0xc4: {  	(tm) =	ssettm $0x7FFFFFFF  }
0xc5: {  	_ =	shalt  }
tec
execute0_lowered:
.L_overlay_start_1:
0x0: {  	(tag) =	ssettag $0x1  }
0x1: {  	s0 =	rddreg [dreg:$0x0]  }
0x2: {  	s1 =	rddreg [dreg:$0x1]  }
0x3: {  	s2 =	rddreg [dreg:$0x2]  }
0x4: {  	s3 =	rddreg [dreg:$0x3]  }
0x5: {  	s5 =	srdreg.scid;
	s14 =	stileid.u32  }
0x6: {  	s4 =	simm.s32 $0x0;
	s15 =	simm.s32 $0x2400;
	s16 =	simm.s32 $0x2000  }
0x7: {  	s17 =	simm.s32 $0x80;
	s28 =	simm.s32 $0x2680;
	s29 =	simm.s32 $0x2300  }
0x8: {  	s30 =	simm.s32 $0x2700;
	s31 =	simm.s32 $0x2380;
	s18 =	simm.s32 $0x0  }
0x9: {  	s6 =	sand.u32 $0x1, s5;
	s20 =	sshll.u32 s14, $0x1;
	[smem:$0x7FF] =	sst s4  }
0xa: {  	s8 =	sshll.u32 s14, $0xA;
	s9 =	sshll.u32 s14, $0x6;
	s10 =	sshll.u32 s14, $0x7  }
0xb: {  	s24 =	sshll.u32 s14, $0x9;
	s14 =	simm.s32 $0x1;
	s7 =	sor.u32 s6, s20  }
0xc: {  	_ =	strace $0x80000047;
	s11 =	sshll.u32 s6, $0x7;
	s10 =	sand.u32 $0x700, s10  }
0xd: {  	s12 =	sand.u32 $0x40, s9;
	s6 =	ssub.s32 $0x2, s6;
	s5 =	sshll.u32 s7, $0xA  }
0xe: {  	s8 =	sor.u32 s11, s8;
	s10 =	sor.u32 s10, s12;
	s23 =	sshrl.u32 s6, $0x1  }
0xf: {  	s26 =	sshll.u32 s7, $0x7;
	s7 =	sadd.s32 s9, s3;
	s13 =	sadd.s32 s5, s0  }
0x10: {  	s5 =	sadd.s32 $0x9E00, s0;
	s8 =	sshrl.u32 s8, $0x3;
	s10 =	sor.u32 s11, s10  }
0x11: {  	s25 =	ssub.s32 s6, s23;
	s6 =	sadd.s32 s24, s2;
	s9 =	sadd.s32 s1, s26  }
0x12: {  	s23 =	simm.s32 $0x2580;
	s24 =	simm.s32 $0x2200;
	s26 =	simm.s32 $0x2280  }
0x13: {  	s1 =	simm.s32 $0x100;
	s21 =	sadd.s32 s8, s0;
	s22 =	sshrl.u32 s10, $0x3  }
0x14: {  	s8 =	sadd.s32 $0x1E00, s13;
	s12 =	smax.u32 s25, $0x1;
	s13 =	simm.s32 $0x4400  }
0x15: {  	s25 =	simm.s32 $0x2600;
	s0 =	sadd.s32 s22, s0;
	s10 =	sadd.s32 $0xA200, s21  }
0x16: {  	v0 =	vimm.f32 $0.0e+00;
	s22 =	simm.s32 $0x2180;
	s11 =	sadd.s32 $0xAA00, s0;
	s0 =	simm.s32 $0x2780  }
.LBB2_1:
0x17: {  	[tilespmem:$0x4400] =	vst v0  }
0x18: {  	[tilespmem:$0x4410] =	vst v0  }
0x19: {  	[tilespmem:$0x4420] =	vst v0  }
0x1a: {  	[tilespmem:$0x4430] =	vst v0  }
0x1b: {  	[tilespmem:$0x4440] =	vst v0  }
0x1c: {  	[tilespmem:$0x4450] =	vst v0  }
0x1d: {  	[tilespmem:$0x4460] =	vst v0  }
0x1e: {  	[tilespmem:$0x4470] =	vst v0  }
0x1f: {  	[tilespmem:$0x4480] =	vst v0  }
0x20: {  	[tilespmem:$0x4490] =	vst v0  }
0x21: {  	[tilespmem:$0x44A0] =	vst v0  }
0x22: {  	[tilespmem:$0x44B0] =	vst v0  }
0x23: {  	[tilespmem:$0x44C0] =	vst v0  }
0x24: {  	[tilespmem:$0x44D0] =	vst v0  }
0x25: {  	[tilespmem:$0x44E0] =	vst v0  }
0x26: {  	[tilespmem:$0x44F0] =	vst v0  }
0x27: {  	[tilespmem:$0x4500] =	vst v0  }
0x28: {  	[tilespmem:$0x4510] =	vst v0  }
0x29: {  	[tilespmem:$0x4520] =	vst v0  }
0x2a: {  	[tilespmem:$0x4530] =	vst v0  }
0x2b: {  	[tilespmem:$0x4540] =	vst v0  }
0x2c: {  	[tilespmem:$0x4550] =	vst v0  }
0x2d: {  	[tilespmem:$0x4560] =	vst v0  }
0x2e: {  	[tilespmem:$0x4570] =	vst v0  }
0x2f: {  	[tilespmem:$0x4580] =	vst v0  }
0x30: {  	[tilespmem:$0x4590] =	vst v0  }
0x31: {  	[tilespmem:$0x45A0] =	vst v0  }
0x32: {  	[tilespmem:$0x45B0] =	vst v0  }
0x33: {  	[tilespmem:$0x45C0] =	vst v0  }
0x34: {  	[tilespmem:$0x45D0] =	vst v0  }
0x35: {  	[tilespmem:$0x45E0] =	vst v0  }
0x36: {  	[tilespmem:$0x45F0] =	vst v0  }
0x37: {  	[spmem:s6] =	stream.linear.scatter [tilespmem:s13], [sflag:$0x1], $0x200, $0x38;
	[tilespmem:$0x4840] =	vst v63  }
0x38: {  	_ =	swait.ge [sflag:s14], $0x200  }
0x39: {  	[sflag:s14] =	ssyncset.done $0x0  }
0x3a: {  	[sflag:s14] =	ssyncadd.s32 $0xFFFFFE00  }
0x3b: {  	[spmem:s7] =	stream.linear.scatter [tilespmem:s13], [sflag:$0x1], $0x40, $0x38;
	[tilespmem:$0x4840] =	vst v63  }
0x3c: {  	_ =	swait.ge [sflag:s14], $0x40  }
0x3d: {  	[sflag:s14] =	ssyncset.done $0x0  }
0x3e: {  	[sflag:s14] =	ssyncadd.s32 $0xFFFFFFC0  }
0x3f: {  	[tilespmem:s15], [sflag:$0x1] =	stream.linear.gather [hbm4b:s5+s4], $0x2000, $0x38;
	[tilespmem:$0x4840] =	vst v63  }
0x40: {  	_ =	swait.ge [sflag:s14], $0x2000  }
0x41: {  	[sflag:s14] =	ssyncset.done $0x0  }
0x42: {  	[sflag:s14] =	ssyncadd.s32 $0xFFFFE000  }
0x43: {  	[tilespmem:s4], [sflag:$0x1] =	stream.linear.gather [hbm4b:s8+s4], $0x2000, $0x38;
	[tilespmem:$0x4840] =	vst v63  }
0x44: {  	_ =	swait.ge [sflag:s14], $0x2000  }
0x45: {  	[sflag:s14] =	ssyncset.done $0x0  }
0x46: {  	[sflag:s14] =	ssyncadd.s32 $0xFFFFE000  }
0x47: {  	[tilespmem:s16], [sflag:$0x1] =	stream.linear.gather [hbm4b:s9+s4], $0x400, $0x38;
	[tilespmem:$0x4840] =	vst v63  }
0x48: {  	_ =	swait.ge [sflag:s14], $0x400  }
0x49: {  	[sflag:s14] =	ssyncset.done $0x0  }
0x4a: {  	[sflag:s14] =	ssyncadd.s32 $0xFFFFFC00  }
0x4b: {  	s19 =	simm.s32 $0x0;
	s20 =	simm.s32 $0x2400;
	[bflag:$0x0] =	sbarrier.arrive $0xFFFF  }
0x4c: {  	[spmem:s2] =	stream.indirect.scatter.add.f32 [tilespmem:s20], [sflag:$0x1], $0x1, s19, s17, $0xb8;
	[tilespmem:$0x4840] =	vst v63  }
0x4d: {  	s19 =	simm.s32 $0x200;
	_ =	swait.ge [sflag:s14], $0x80  }
.LBB2_2:
0x4e: {  	s20 =	sshra.s32 s19, $0x2;
	[sflag:s14] =	ssyncset.done $0x0;
	p0 =	sne.s32 s19, $0x7E00  }
.Ltmp0:
0x4f: {  	s21 =	sadd.s32 $0x2400, s20;
	[sflag:s14] =	ssyncadd.s32 $0xFFFFFF80;
	(pc) =	sbr.rel @p0 .LBB2_2-.Ltmp0, $3  }
0x50: {  	[spmem:s2] =	stream.indirect.scatter.add.f32 [tilespmem:s21], [sflag:$0x1], $0x1, s20, s17, $0xb8;
	[tilespmem:$0x4840] =	vst v63  }
0x51: {  	s19 =	sadd.s32 $0x200, s19;
	_ =	sdelay $0x1  }
0x52: {  	_ =	swait.ge [sflag:s14], $0x80  }
0x53: {  	[sflag:s14] =	ssyncset.done $0x0  }
0x54: {  	[sflag:s14] =	ssyncadd.s32 $0xFFFFFF80  }
0x55: {  	[spmem:s3] =	stream.indirect.scatter.add.f32 [tilespmem:s15], [sflag:$0x1], $0x1, s16, s17, $0xb8;
	[tilespmem:$0x4840] =	vst v63  }
0x56: {  	_ =	swait.ge [sflag:s14], $0x80  }
0x57: {  	[sflag:s14] =	ssyncset.done $0x0  }
0x58: {  	s19 =	simm.s32 $0x2080;
	s20 =	simm.s32 $0x2480;
	[sflag:s14] =	ssyncadd.s32 $0xFFFFFF80  }
0x59: {  	[spmem:s3] =	stream.indirect.scatter.add.f32 [tilespmem:s20], [sflag:$0x1], $0x1, s19, s17, $0xb8;
	[tilespmem:$0x4840] =	vst v63  }
0x5a: {  	_ =	swait.ge [sflag:s14], $0x80  }
0x5b: {  	[sflag:s14] =	ssyncset.done $0x0  }
0x5c: {  	s21 =	simm.s32 $0x2500;
	s20 =	simm.s32 $0x2100;
	[sflag:s14] =	ssyncadd.s32 $0xFFFFFF80  }
0x5d: {  	[spmem:s3] =	stream.indirect.scatter.add.f32 [tilespmem:s21], [sflag:$0x1], $0x1, s20, s17, $0xb8;
	[tilespmem:$0x4840] =	vst v63  }
0x5e: {  	_ =	swait.ge [sflag:s14], $0x80  }
0x5f: {  	[sflag:s14] =	ssyncset.done $0x0  }
0x60: {  	[sflag:s14] =	ssyncadd.s32 $0xFFFFFF80  }
0x61: {  	[spmem:s3] =	stream.indirect.scatter.add.f32 [tilespmem:s23], [sflag:$0x1], $0x1, s22, s17, $0xb8;
	[tilespmem:$0x4840] =	vst v63  }
0x62: {  	_ =	swait.ge [sflag:s14], $0x80  }
0x63: {  	[sflag:s14] =	ssyncset.done $0x0  }
0x64: {  	[sflag:s14] =	ssyncadd.s32 $0xFFFFFF80  }
0x65: {  	[spmem:s3] =	stream.indirect.scatter.add.f32 [tilespmem:s25], [sflag:$0x1], $0x1, s24, s17, $0xb8;
	[tilespmem:$0x4840] =	vst v63  }
0x66: {  	_ =	swait.ge [sflag:s14], $0x80  }
0x67: {  	[sflag:s14] =	ssyncset.done $0x0  }
0x68: {  	[sflag:s14] =	ssyncadd.s32 $0xFFFFFF80  }
0x69: {  	[spmem:s3] =	stream.indirect.scatter.add.f32 [tilespmem:s28], [sflag:$0x1], $0x1, s26, s17, $0xb8;
	[tilespmem:$0x4840] =	vst v63  }
0x6a: {  	_ =	swait.ge [sflag:s14], $0x80  }
0x6b: {  	[sflag:s14] =	ssyncset.done $0x0  }
0x6c: {  	[sflag:s14] =	ssyncadd.s32 $0xFFFFFF80  }
0x6d: {  	[spmem:s3] =	stream.indirect.scatter.add.f32 [tilespmem:s30], [sflag:$0x1], $0x1, s29, s17, $0xb8;
	[tilespmem:$0x4840] =	vst v63  }
0x6e: {  	_ =	swait.ge [sflag:s14], $0x80  }
0x6f: {  	[sflag:s14] =	ssyncset.done $0x0  }
0x70: {  	[sflag:s14] =	ssyncadd.s32 $0xFFFFFF80  }
0x71: {  	[spmem:s3] =	stream.indirect.scatter.add.f32 [tilespmem:s0], [sflag:$0x1], $0x1, s31, s17, $0xb8;
	[tilespmem:$0x4840] =	vst v63  }
0x72: {  	_ =	swait.ge [sflag:s14], $0x80  }
0x73: {  	[sflag:s14] =	ssyncset.done $0x0  }
0x74: {  	[sflag:s14] =	ssyncadd.s32 $0xFFFFFF80  }
0x75: {  	[bflag:$0x0] =	sbarrier.arrive $0xFFFF  }
0x76: {  	[tilespmem:s13], [sflag:$0x1] =	stream.linear.gather [spmem:s6], $0x200, $0x38;
	[tilespmem:$0x4840] =	vst v63  }
0x77: {  	_ =	swait.ge [sflag:s14], $0x200  }
0x78: {  	[sflag:s14] =	ssyncset.done $0x0  }
0x79: {  	[sflag:s14] =	ssyncadd.s32 $0xFFFFFE00  }
0x7a: {  	[hbm4b:s10+s17] =	stream.strided.scatter [tilespmem:s13], [sflag:$0x1], $0x200, s1, s17, $0x38;
	[tilespmem:$0x4840] =	vst v63  }
0x7b: {  	_ =	swait.ge [sflag:s14], $0x200  }
0x7c: {  	[sflag:s14] =	ssyncset.done $0x0  }
0x7d: {  	[sflag:s14] =	ssyncadd.s32 $0xFFFFFE00  }
0x7e: {  	[tilespmem:s13], [sflag:$0x1] =	stream.linear.gather [spmem:s7], $0x40, $0x38;
	[tilespmem:$0x4840] =	vst v63  }
0x7f: {  	s18 =	sadd.s32 $0x1, s18;
	_ =	swait.ge [sflag:s14], $0x40  }
0x80: {  	p0 =	sne.s32 s18, s12;
	[sflag:s14] =	ssyncset.done $0x0  }
.Ltmp1:
0x81: {  	[sflag:s14] =	ssyncadd.s32 $0xFFFFFFC0;
	(pc) =	sbr.rel @p0 .LBB2_1-.Ltmp1, $4  }
0x82: {  	[hbm4b:s11+s4] =	stream.linear.scatter [tilespmem:s13], [sflag:$0x1], $0x40, $0x38;
	[tilespmem:$0x4840] =	vst v63  }
0x83: {  	_ =	swait.ge [sflag:s14], $0x40  }
0x84: {  	[sflag:s14] =	ssyncset.done $0x0  }
0x85: {  	[sflag:s14] =	ssyncadd.s32 $0xFFFFFFC0  }
0x86: {  	_ =	sfence.sel $0x180000  }
0x87: {  	[bflag:$0x0] =	sbarrier.arrive $0xFFFF  }
0x88: {  	_ =	strace $0x90000047  }
0x89: {  	s0 =	stileid.u32;
	[bflag:$0x2] =	sbarrier.arrive $0xFFFF  }
0x8a: {  	p0 =	sne.s32 s0, $0x0;
	s0 =	rddreg [dreg:$0x4]  }
0x8b: {  	s0 =	sadd.s32 @!p0 $0x100000, s0  }
0x8c: {  	[sflag:s0] =	ssyncadd.tile.s32 @!p0 $0x1;
	_ =	shalt  }
.Lfunc_end2:
_tile_overlayer_lowered:
.L_overlay_start_2:
0x8d: {  	(tag) =	ssettag $0x2  }
0x8e: {  	s0 =	rddreg [dreg:$0x0];
	s2 =	stileid.u32  }
0x8f: {  	s1 =	rddreg [dreg:$0x1];
	p0 =	sne.s32 s2, $0x0  }
0x90: {  	s3 =	rddreg [dreg:$0x2];
	[bflag:$0x3] =	sbarrier.arrive $0xFFFF;
	s2 =	simm.s32 @!p0 $0x1C01  }
0x91: {  	[timem:s3], [sflag:s2] =	dma.local @!p0 [hbm:s0], s1  }
0x92: {  	s0 =	simm.s32 @!p0 $0x1  }
0x93: {  	_ =	swait.ge @!p0 [sflag:s0], s1  }
0x94: {  	s1 =	ssub.s32 @!p0 $0x0, s1;
	[sflag:s0] =	ssyncset.done @!p0 $0x0  }
0x95: {  	[sflag:s0] =	ssyncadd.s32 @!p0 s1  }
0x96: {  	[bflag:$0x3] =	sbarrier.arrive $0xFFFF  }
0x97: {  	_ =	shalt  }

</sc_bundles>
